<compile_context>
chip_gen: v7x
topology: tpu7x:2x2x1
jax: 0.10.2.dev20260603
libtpu: 0.0.44.dev20260713+nightly
codegen_flags: <defaults>
</compile_context>

<pallas_src>
import functools

import jax
import jax.numpy as jnp
from jax import lax
from jax.experimental import pallas as pl
from jax.experimental.pallas import tpu as pltpu
from jax.experimental.pallas import tpu_sc as plsc

N = 10000
F = 128
H = 256
C = 64
E = 320000

NC = 2
NS = 16
NW = NC * NS
EB = 128
NB = 160
E_PAD = NS * NB * EB
N_ACC = 10112
RPT = N_ACC // NS
SRT = N // NS
GW = 32

_mesh = plsc.VectorSubcoreMesh(core_axis_name="c", subcore_axis_name="s")
_sc_params = pltpu.CompilerParams(needs_layout_passes=False,
                                  use_tc_tiling_on_sc=False)


@functools.partial(
    pl.kernel,
    out_type=jax.ShapeDtypeStruct((NW, N_ACC), jnp.float32),
    mesh=_mesh,
    compiler_params=_sc_params,
    scratch_types=[
        pltpu.VMEM((NB // 2, EB), jnp.int32),
        pltpu.VMEM((N_ACC,), jnp.float32),
    ],
)
def _deg_kernel(dst_hbm, out_hbm, dst_v, deg_v):
    c = lax.axis_index("c")
    s = lax.axis_index("s")
    wid = c * NS + s
    pltpu.sync_copy(dst_hbm.at[s, pl.ds(c * (NB // 2), NB // 2)], dst_v)

    zero16 = jnp.zeros((16,), jnp.float32)

    def zbody(i, _):
        deg_v[pl.ds(i * 16, 16)] = zero16
        return 0

    lax.fori_loop(0, N_ACC // 16, zbody, 0)

    one16 = jnp.ones((16,), jnp.float32)

    def body(i, _):
        off = pl.multiple_of((i % 8) * 16, 16)
        idx = dst_v[i // 8, pl.ds(off, 16)]
        plsc.addupdate_scatter(deg_v, [idx], one16)
        return 0

    lax.fori_loop(0, (NB // 2) * 8, body, 0)
    pltpu.sync_copy(deg_v, out_hbm.at[wid])


def _make_agg_kernel(n_groups):
    ng_total = NC * n_groups

    @functools.partial(
        pl.kernel,
        out_type=jax.ShapeDtypeStruct((ng_total, N_ACC, GW), jnp.float32),
        mesh=_mesh,
        compiler_params=_sc_params,
        scratch_types=[
            pltpu.VMEM((NB, EB), jnp.int32),
            pltpu.VMEM((NB, EB), jnp.int32),
        ] + [pltpu.VMEM((EB, GW), jnp.float32)] * 8
          + [pltpu.VMEM_SHARED((N, GW), jnp.float32)]
          + [pltpu.VMEM_SHARED((N_ACC, GW), jnp.float32)]
          + [pltpu.SemaphoreType.DMA] * 16,
    )
    def _agg(table_hbm, src_hbm, dst_hbm, zeros_hbm, out_hbm, *rest):
        src_v, dst_v = rest[:2]
        bufs = rest[2:10]
        table = rest[10]
        acc_sh = rest[11]
        sgs = rest[12:20]
        sss = rest[20:28]

        c = lax.axis_index("c")
        s = lax.axis_index("s")
        pltpu.sync_copy(src_hbm.at[s], src_v)
        pltpu.sync_copy(dst_hbm.at[s], dst_v)

        for g in range(n_groups):
            pltpu.sync_copy(table_hbm.at[c * n_groups + g, pl.ds(s * SRT, SRT)],
                            table.at[pl.ds(s * SRT, SRT)])
            pltpu.sync_copy(zeros_hbm.at[pl.ds(s * RPT, RPT)],
                            acc_sh.at[pl.ds(s * RPT, RPT)])
            plsc.subcore_barrier()

            tbls = (table,) * 8

            for j in range(8):
                pltpu.async_copy(tbls[j].at[src_v.at[j]], bufs[j], sgs[j])

            def body(i, _):
                base = 8 * i
                for j in range(8):
                    b = base + j
                    pltpu.make_async_copy(
                        tbls[j].at[src_v.at[b]], bufs[j], sgs[j]).wait()
                    pltpu.async_copy(
                        bufs[j], acc_sh.at[dst_v.at[b]], sss[j], add=True)
                for j in range(8):
                    b = base + j
                    pltpu.make_async_copy(
                        bufs[j], acc_sh.at[dst_v.at[b]], sss[j]).wait()

                    def _start_next(j=j, b=b):
                        pltpu.async_copy(
                            tbls[j].at[src_v.at[b + 8]], bufs[j], sgs[j])

                    pl.when(b + 8 < NB)(_start_next)
                return 0

            lax.fori_loop(0, NB // 8, body, 0)
            plsc.subcore_barrier()
            pltpu.sync_copy(acc_sh.at[pl.ds(s * RPT, RPT)],
                            out_hbm.at[c * n_groups + g, pl.ds(s * RPT, RPT)])

    return _agg


_agg1 = _make_agg_kernel(2)
_agg2 = _make_agg_kernel(1)


def _dinv_from_parts(degp):
    deg = jnp.sum(degp, axis=0)[:N] + 1.0
    return lax.rsqrt(deg)[:, None]


def _tc_x4_body(degp_ref, x_ref, x4_ref, dinv_ref):
    dinv = _dinv_from_parts(degp_ref[...])
    y = x_ref[...] * dinv
    for g in range(4):
        x4_ref[g] = y[:, g * GW:(g + 1) * GW]
    dinv_ref[...] = dinv


def _tc_x4(deg_parts, x):
    return pl.pallas_call(
        _tc_x4_body,
        out_shape=[jax.ShapeDtypeStruct((4, N, GW), jnp.float32),
                   jax.ShapeDtypeStruct((N, 1), jnp.float32)],
    )(deg_parts, x)


_RB = N // 5


def _tc2_body(acc_ref, x4_ref, dinv_ref, w1_ref, b1_ref, w2_ref, b2_ref, y2_ref):
    dinv = dinv_ref[...]
    agg = jnp.concatenate(
        [acc_ref[g] + x4_ref[g] for g in range(4)], axis=1)
    z = agg * dinv
    h = jnp.dot(z, w1_ref[...], preferred_element_type=jnp.float32) + b1_ref[...]
    h = jnp.maximum(h, 0.0)
    y2 = jnp.dot(h, w2_ref[...], preferred_element_type=jnp.float32) * dinv
    y2_ref[0] = y2[:, :GW]
    y2_ref[1] = y2[:, GW:]


def _tc2(acc1, x4s, dinvc, W1, b1, W2, b2):
    return pl.pallas_call(
        _tc2_body,
        grid=(N // _RB,),
        in_specs=[
            pl.BlockSpec((4, _RB, GW), lambda i: (0, i, 0)),
            pl.BlockSpec((4, _RB, GW), lambda i: (0, i, 0)),
            pl.BlockSpec((_RB, 1), lambda i: (i, 0)),
            pl.BlockSpec((F, H), lambda i: (0, 0)),
            pl.BlockSpec((1, H), lambda i: (0, 0)),
            pl.BlockSpec((H, C), lambda i: (0, 0)),
            pl.BlockSpec((1, C), lambda i: (0, 0)),
        ],
        out_specs=pl.BlockSpec((NC, _RB, GW), lambda i: (0, i, 0)),
        out_shape=jax.ShapeDtypeStruct((NC, N, GW), jnp.float32),
    )(acc1, x4s, dinvc, W1, b1, W2, b2)


def _tc3_body(acc_ref, y2_ref, dinv_ref, b2_ref, out_ref):
    s = jnp.concatenate(
        [acc_ref[g] + y2_ref[g] for g in range(NC)], axis=1)
    out_ref[...] = s * dinv_ref[...] + b2_ref[...]


def _tc3(acc2, y2g, dinvc, b2):
    return pl.pallas_call(
        _tc3_body,
        grid=(N // _RB,),
        in_specs=[
            pl.BlockSpec((NC, _RB, GW), lambda i: (0, i, 0)),
            pl.BlockSpec((NC, _RB, GW), lambda i: (0, i, 0)),
            pl.BlockSpec((_RB, 1), lambda i: (i, 0)),
            pl.BlockSpec((1, C), lambda i: (0, 0)),
        ],
        out_specs=pl.BlockSpec((_RB, C), lambda i: (i, 0)),
        out_shape=jax.ShapeDtypeStruct((N, C), jnp.float32),
    )(acc2, y2g, dinvc, b2)


def kernel(x, edge_index, W1, b1, W2, b2):
    ei = edge_index.astype(jnp.int32)
    src, dst = ei[0], ei[1]
    pad = E_PAD - E
    src_pad = jnp.concatenate([src, jnp.zeros((pad,), jnp.int32)])
    dst_pad = jnp.concatenate([dst, jnp.full((pad,), N, jnp.int32)])
    src16 = src_pad.reshape(NS, NB, EB)
    dst16 = dst_pad.reshape(NS, NB, EB)

    zeros_gw = jnp.zeros((N_ACC, GW), jnp.float32)

    deg_parts = _deg_kernel(dst16)
    x4s, dinvc = _tc_x4(deg_parts, x)
    acc1 = _agg1(x4s, src16, dst16, zeros_gw)
    y2g = _tc2(acc1, x4s, dinvc,
               W1, b1.reshape(1, H), W2, b2.reshape(1, C))
    acc2 = _agg2(y2g, src16, dst16, zeros_gw)
    return _tc3(acc2, y2g, dinvc, b2.reshape(1, C))

# --- scband reference (transcript-rebuilt; emitter-appended) ---
"""Pipeline reference for scband-gcn-55774445305975 (READ-ONLY COPY).

The authoritative reference and input builder live on the scoring server;
editing this copy changes nothing except your own understanding.
"""

import jax, jax.numpy as jnp
import numpy as np

NUM_NODES = 10000
NUM_FEATURES = 128
HIDDEN = 256
NUM_CLASSES = 64
NUM_EDGES = 320000


def setup_inputs(seed: int = 0) -> dict:
    key = jax.random.key(seed)
    k1, k2, k3, k4, k5, k6 = jax.random.split(key, 6)
    x = jax.random.normal(k1, (NUM_NODES, NUM_FEATURES), dtype=jnp.float32)
    edge_index = jax.random.randint(k2, (2, NUM_EDGES), 0, NUM_NODES, dtype=jnp.int64)
    # GCNConv glorot-initialized weights + zero bias
    s1 = float(np.sqrt(6.0 / (NUM_FEATURES + HIDDEN)))
    W1 = jax.random.uniform(k3, (NUM_FEATURES, HIDDEN), dtype=jnp.float32, minval=-s1, maxval=s1)
    b1 = jnp.zeros((HIDDEN,), dtype=jnp.float32)
    s2 = float(np.sqrt(6.0 / (HIDDEN + NUM_CLASSES)))
    W2 = jax.random.uniform(k4, (HIDDEN, NUM_CLASSES), dtype=jnp.float32, minval=-s2, maxval=s2)
    b2 = jnp.zeros((NUM_CLASSES,), dtype=jnp.float32)
    return {"x": x, "edge_index": edge_index, "W1": W1, "b1": b1, "W2": W2, "b2": b2}


def _gcn_conv(x, src, dst, W, b, num_nodes):
    # symmetric normalization with self-loops: D^{-1/2} (A + I) D^{-1/2} X W + b
    loop = jnp.arange(num_nodes, dtype=src.dtype)
    src_sl = jnp.concatenate([src, loop])
    dst_sl = jnp.concatenate([dst, loop])
    deg = jnp.zeros((num_nodes,), dtype=jnp.float32).at[dst_sl].add(1.0)
    deg_inv_sqrt = jnp.where(deg > 0, jax.lax.rsqrt(deg), 0.0)
    norm = deg_inv_sqrt[src_sl] * deg_inv_sqrt[dst_sl]
    xw = x @ W
    msg = jnp.take(xw, src_sl, axis=0) * norm[:, None]
    out = jnp.zeros((num_nodes, W.shape[1]), dtype=jnp.float32).at[dst_sl].add(msg)
    return out + b


def reference(x, edge_index, W1, b1, W2, b2):
    src = edge_index[0]
    dst = edge_index[1]
    h = _gcn_conv(x, src, dst, W1, b1, NUM_NODES)
    h = jax.nn.relu(h)
    # dropout p=0.5 is identity in eval mode (training=False)
    out = _gcn_conv(h, src, dst, W2, b2, NUM_NODES)
    return out

if __name__ == "__main__":
    import jax
    _d = setup_inputs()
    print(jax.jit(kernel)(*tuple(_d.values())))

</pallas_src>

<mosaic_0001>
#map = affine_map<(d0, d1) -> (0, 0, 0)>
#map1 = affine_map<(d0, d1) -> (0, 0)>
module attributes {stable_mosaic.version = 14 : i64} {
  func.func @_agg(%arg0: i32, %arg1: i32, %arg2: memref<2x10000x32xf32, #tpu.memory_space<hbm>>, %arg3: memref<16x160x128xi32, #tpu.memory_space<hbm>>, %arg4: memref<16x160x128xi32, #tpu.memory_space<hbm>>, %arg5: memref<10112x32xf32, #tpu.memory_space<hbm>>, %arg6: memref<2x10112x32xf32, #tpu.memory_space<hbm>>, %arg7: memref<160x128xi32, #tpu.memory_space<vmem>>, %arg8: memref<160x128xi32, #tpu.memory_space<vmem>>, %arg9: memref<128x32xf32, #tpu.memory_space<vmem>>, %arg10: memref<128x32xf32, #tpu.memory_space<vmem>>, %arg11: memref<128x32xf32, #tpu.memory_space<vmem>>, %arg12: memref<128x32xf32, #tpu.memory_space<vmem>>, %arg13: memref<128x32xf32, #tpu.memory_space<vmem>>, %arg14: memref<128x32xf32, #tpu.memory_space<vmem>>, %arg15: memref<128x32xf32, #tpu.memory_space<vmem>>, %arg16: memref<128x32xf32, #tpu.memory_space<vmem>>, %arg17: memref<10000x32xf32, #tpu.memory_space<vmem_shared>>, %arg18: memref<10112x32xf32, #tpu.memory_space<vmem_shared>>, %arg19: memref<!tpu.dma_semaphore, #tpu.memory_space<semaphore_mem>>, %arg20: memref<!tpu.dma_semaphore, #tpu.memory_space<semaphore_mem>>, %arg21: memref<!tpu.dma_semaphore, #tpu.memory_space<semaphore_mem>>, %arg22: memref<!tpu.dma_semaphore, #tpu.memory_space<semaphore_mem>>, %arg23: memref<!tpu.dma_semaphore, #tpu.memory_space<semaphore_mem>>, %arg24: memref<!tpu.dma_semaphore, #tpu.memory_space<semaphore_mem>>, %arg25: memref<!tpu.dma_semaphore, #tpu.memory_space<semaphore_mem>>, %arg26: memref<!tpu.dma_semaphore, #tpu.memory_space<semaphore_mem>>, %arg27: memref<!tpu.dma_semaphore, #tpu.memory_space<semaphore_mem>>, %arg28: memref<!tpu.dma_semaphore, #tpu.memory_space<semaphore_mem>>, %arg29: memref<!tpu.dma_semaphore, #tpu.memory_space<semaphore_mem>>, %arg30: memref<!tpu.dma_semaphore, #tpu.memory_space<semaphore_mem>>, %arg31: memref<!tpu.dma_semaphore, #tpu.memory_space<semaphore_mem>>, %arg32: memref<!tpu.dma_semaphore, #tpu.memory_space<semaphore_mem>>, %arg33: memref<!tpu.dma_semaphore, #tpu.memory_space<semaphore_mem>>, %arg34: memref<!tpu.dma_semaphore, #tpu.memory_space<semaphore_mem>>) attributes {dimension_semantics = [#tpu.dimension_semantics<core_parallel>, #tpu.dimension_semantics<subcore_parallel>], iteration_bounds = array<i64: 2, 16>, scalar_prefetch = 0 : i64, scratch_operands = 28 : i64, tpu.core_type = #tpu.core_type<sc_vector_subcore>, window_params = [{transform_indices = #map}, {transform_indices = #map}, {transform_indices = #map}, {transform_indices = #map1}, {transform_indices = #map}]} {
    "tpu.region"() ({
      %run_scoped3A = tpu.sem_alloc : memref<!tpu.dma_semaphore, #tpu.memory_space<semaphore_mem>>
      %dma_start3A_80 = arith.constant 0 : i32
      %dma_start3A_81 = arith.constant 0 : i32
      %dma_start3A_82 = tpu.memref_slice %arg3[%arg1, %dma_start3A_80, %dma_start3A_81] : memref<16x160x128xi32, #tpu.memory_space<hbm>> -> memref<1x160x128xi32, #tpu.memory_space<hbm>>
      %dma_start3A_83 = tpu.memref_squeeze %dma_start3A_82 : memref<1x160x128xi32, #tpu.memory_space<hbm>> -> memref<160x128xi32, #tpu.memory_space<hbm>>
      %dma_start3A_84 = arith.constant 0 : i32
      %dma_start3A_85 = arith.constant 0 : i32
      %dma_start3A_86 = tpu.memref_slice %arg3[%arg1, %dma_start3A_84, %dma_start3A_85] : memref<16x160x128xi32, #tpu.memory_space<hbm>> -> memref<1x160x128xi32, #tpu.memory_space<hbm>>
      %dma_start3A_87 = tpu.memref_squeeze %dma_start3A_86 : memref<1x160x128xi32, #tpu.memory_space<hbm>> -> memref<160x128xi32, #tpu.memory_space<hbm>>
      tpu.enqueue_dma source(%dma_start3A_87 : memref<160x128xi32, #tpu.memory_space<hbm>>) target(%arg7 : memref<160x128xi32, #tpu.memory_space<vmem>>) target_semaphore(%run_scoped3A : memref<!tpu.dma_semaphore, #tpu.memory_space<semaphore_mem>>)
      %dma_wait3A = arith.constant 0 : i32
      %dma_wait3A_88 = arith.constant 0 : i32
      %dma_wait3A_89 = tpu.memref_slice %arg3[%arg1, %dma_wait3A, %dma_wait3A_88] : memref<16x160x128xi32, #tpu.memory_space<hbm>> -> memref<1x160x128xi32, #tpu.memory_space<hbm>>
      %dma_wait3A_90 = tpu.memref_squeeze %dma_wait3A_89 : memref<1x160x128xi32, #tpu.memory_space<hbm>> -> memref<160x128xi32, #tpu.memory_space<hbm>>
      %dma_wait3A_91 = arith.constant 0 : i32
      %dma_wait3A_92 = arith.constant 0 : i32
      %dma_wait3A_93 = tpu.memref_slice %arg3[%arg1, %dma_wait3A_91, %dma_wait3A_92] : memref<16x160x128xi32, #tpu.memory_space<hbm>> -> memref<1x160x128xi32, #tpu.memory_space<hbm>>
      %dma_wait3A_94 = tpu.memref_squeeze %dma_wait3A_93 : memref<1x160x128xi32, #tpu.memory_space<hbm>> -> memref<160x128xi32, #tpu.memory_space<hbm>>
      tpu.wait_dma2 semaphore(%run_scoped3A : memref<!tpu.dma_semaphore, #tpu.memory_space<semaphore_mem>>) src(%dma_wait3A_94 : memref<160x128xi32, #tpu.memory_space<hbm>>) dst(%arg7 : memref<160x128xi32, #tpu.memory_space<vmem>>)
      tpu.yield
    }) : () -> ()
    "tpu.region"() ({
      %run_scoped3A = tpu.sem_alloc : memref<!tpu.dma_semaphore, #tpu.memory_space<semaphore_mem>>
      %dma_start3A_80 = arith.constant 0 : i32
      %dma_start3A_81 = arith.constant 0 : i32
      %dma_start3A_82 = tpu.memref_slice %arg4[%arg1, %dma_start3A_80, %dma_start3A_81] : memref<16x160x128xi32, #tpu.memory_space<hbm>> -> memref<1x160x128xi32, #tpu.memory_space<hbm>>
      %dma_start3A_83 = tpu.memref_squeeze %dma_start3A_82 : memref<1x160x128xi32, #tpu.memory_space<hbm>> -> memref<160x128xi32, #tpu.memory_space<hbm>>
      %dma_start3A_84 = arith.constant 0 : i32
      %dma_start3A_85 = arith.constant 0 : i32
      %dma_start3A_86 = tpu.memref_slice %arg4[%arg1, %dma_start3A_84, %dma_start3A_85] : memref<16x160x128xi32, #tpu.memory_space<hbm>> -> memref<1x160x128xi32, #tpu.memory_space<hbm>>
      %dma_start3A_87 = tpu.memref_squeeze %dma_start3A_86 : memref<1x160x128xi32, #tpu.memory_space<hbm>> -> memref<160x128xi32, #tpu.memory_space<hbm>>
      tpu.enqueue_dma source(%dma_start3A_87 : memref<160x128xi32, #tpu.memory_space<hbm>>) target(%arg8 : memref<160x128xi32, #tpu.memory_space<vmem>>) target_semaphore(%run_scoped3A : memref<!tpu.dma_semaphore, #tpu.memory_space<semaphore_mem>>)
      %dma_wait3A = arith.constant 0 : i32
      %dma_wait3A_88 = arith.constant 0 : i32
      %dma_wait3A_89 = tpu.memref_slice %arg4[%arg1, %dma_wait3A, %dma_wait3A_88] : memref<16x160x128xi32, #tpu.memory_space<hbm>> -> memref<1x160x128xi32, #tpu.memory_space<hbm>>
      %dma_wait3A_90 = tpu.memref_squeeze %dma_wait3A_89 : memref<1x160x128xi32, #tpu.memory_space<hbm>> -> memref<160x128xi32, #tpu.memory_space<hbm>>
      %dma_wait3A_91 = arith.constant 0 : i32
      %dma_wait3A_92 = arith.constant 0 : i32
      %dma_wait3A_93 = tpu.memref_slice %arg4[%arg1, %dma_wait3A_91, %dma_wait3A_92] : memref<16x160x128xi32, #tpu.memory_space<hbm>> -> memref<1x160x128xi32, #tpu.memory_space<hbm>>
      %dma_wait3A_94 = tpu.memref_squeeze %dma_wait3A_93 : memref<1x160x128xi32, #tpu.memory_space<hbm>> -> memref<160x128xi32, #tpu.memory_space<hbm>>
      tpu.wait_dma2 semaphore(%run_scoped3A : memref<!tpu.dma_semaphore, #tpu.memory_space<semaphore_mem>>) src(%dma_wait3A_94 : memref<160x128xi32, #tpu.memory_space<hbm>>) dst(%arg8 : memref<160x128xi32, #tpu.memory_space<vmem>>)
      tpu.yield
    }) : () -> ()
    %mul3A = arith.constant 1 : i32
    %mul3A_0 = arith.muli %arg0, %mul3A : i32
    %add3A = arith.constant 0 : i32
    %add3A_1 = arith.addi %mul3A_0, %add3A : i32
    %mul3A_2 = arith.constant 625 : i32
    %mul3A_3 = arith.muli %arg1, %mul3A_2 : i32
    %mul3A_4 = arith.constant 625 : i32
    %mul3A_5 = arith.muli %arg1, %mul3A_4 : i32
    "tpu.region"() ({
      %run_scoped3A = tpu.sem_alloc : memref<!tpu.dma_semaphore, #tpu.memory_space<semaphore_mem>>
      %dma_start3A_80 = arith.constant 0 : i32
      %dma_start3A_81 = tpu.memref_slice %arg17[%mul3A_5, %dma_start3A_80] : memref<10000x32xf32, #tpu.memory_space<vmem_shared>> -> memref<625x32xf32, #tpu.memory_space<vmem_shared>>
      %dma_start3A_82 = arith.constant 0 : i32
      %dma_start3A_83 = tpu.memref_slice %arg2[%add3A_1, %mul3A_3, %dma_start3A_82] : memref<2x10000x32xf32, #tpu.memory_space<hbm>> -> memref<1x625x32xf32, #tpu.memory_space<hbm>>
      %dma_start3A_84 = tpu.memref_squeeze %dma_start3A_83 : memref<1x625x32xf32, #tpu.memory_space<hbm>> -> memref<625x32xf32, #tpu.memory_space<hbm>>
      tpu.enqueue_dma source(%dma_start3A_84 : memref<625x32xf32, #tpu.memory_space<hbm>>) target(%dma_start3A_81 : memref<625x32xf32, #tpu.memory_space<vmem_shared>>) target_semaphore(%run_scoped3A : memref<!tpu.dma_semaphore, #tpu.memory_space<semaphore_mem>>)
      %dma_wait3A = arith.constant 0 : i32
      %dma_wait3A_85 = tpu.memref_slice %arg17[%mul3A_5, %dma_wait3A] : memref<10000x32xf32, #tpu.memory_space<vmem_shared>> -> memref<625x32xf32, #tpu.memory_space<vmem_shared>>
      %dma_wait3A_86 = arith.constant 0 : i32
      %dma_wait3A_87 = tpu.memref_slice %arg2[%add3A_1, %mul3A_3, %dma_wait3A_86] : memref<2x10000x32xf32, #tpu.memory_space<hbm>> -> memref<1x625x32xf32, #tpu.memory_space<hbm>>
      %dma_wait3A_88 = tpu.memref_squeeze %dma_wait3A_87 : memref<1x625x32xf32, #tpu.memory_space<hbm>> -> memref<625x32xf32, #tpu.memory_space<hbm>>
      tpu.wait_dma2 semaphore(%run_scoped3A : memref<!tpu.dma_semaphore, #tpu.memory_space<semaphore_mem>>) src(%dma_wait3A_88 : memref<625x32xf32, #tpu.memory_space<hbm>>) dst(%dma_wait3A_85 : memref<625x32xf32, #tpu.memory_space<vmem_shared>>)
      tpu.yield
    }) : () -> ()
    %mul3A_6 = arith.constant 632 : i32
    %mul3A_7 = arith.muli %arg1, %mul3A_6 : i32
    %mul3A_8 = arith.constant 632 : i32
    %mul3A_9 = arith.muli %arg1, %mul3A_8 : i32
    "tpu.region"() ({
      %run_scoped3A = tpu.sem_alloc : memref<!tpu.dma_semaphore, #tpu.memory_space<semaphore_mem>>
      %dma_start3A_80 = arith.constant 0 : i32
      %dma_start3A_81 = tpu.memref_slice %arg18[%mul3A_9, %dma_start3A_80] : memref<10112x32xf32, #tpu.memory_space<vmem_shared>> -> memref<632x32xf32, #tpu.memory_space<vmem_shared>>
      %dma_start3A_82 = arith.constant 0 : i32
      %dma_start3A_83 = tpu.memref_slice %arg5[%mul3A_7, %dma_start3A_82] : memref<10112x32xf32, #tpu.memory_space<hbm>> -> memref<632x32xf32, #tpu.memory_space<hbm>>
      tpu.enqueue_dma source(%dma_start3A_83 : memref<632x32xf32, #tpu.memory_space<hbm>>) target(%dma_start3A_81 : memref<632x32xf32, #tpu.memory_space<vmem_shared>>) target_semaphore(%run_scoped3A : memref<!tpu.dma_semaphore, #tpu.memory_space<semaphore_mem>>)
      %dma_wait3A = arith.constant 0 : i32
      %dma_wait3A_84 = tpu.memref_slice %arg18[%mul3A_9, %dma_wait3A] : memref<10112x32xf32, #tpu.memory_space<vmem_shared>> -> memref<632x32xf32, #tpu.memory_space<vmem_shared>>
      %dma_wait3A_85 = arith.constant 0 : i32
      %dma_wait3A_86 = tpu.memref_slice %arg5[%mul3A_7, %dma_wait3A_85] : memref<10112x32xf32, #tpu.memory_space<hbm>> -> memref<632x32xf32, #tpu.memory_space<hbm>>
      tpu.wait_dma2 semaphore(%run_scoped3A : memref<!tpu.dma_semaphore, #tpu.memory_space<semaphore_mem>>) src(%dma_wait3A_86 : memref<632x32xf32, #tpu.memory_space<hbm>>) dst(%dma_wait3A_84 : memref<632x32xf32, #tpu.memory_space<vmem_shared>>)
      tpu.yield
    }) : () -> ()
    %barrier3A = arith.constant 0 : index
    tpu.barrier barrier_id(%barrier3A)
    %dma_start3A = arith.constant 0 : i32
    %dma_start3A_10 = arith.constant 0 : i32
    %dma_start3A_11 = tpu.memref_slice %arg7[%dma_start3A, %dma_start3A_10] : memref<160x128xi32, #tpu.memory_space<vmem>> -> memref<1x128xi32, #tpu.memory_space<vmem>>
    %dma_start3A_12 = tpu.memref_squeeze %dma_start3A_11 : memref<1x128xi32, #tpu.memory_space<vmem>> -> memref<128xi32, #tpu.memory_space<vmem>>
    %dma_start3A_13 = arith.constant 0 : i32
    %dma_start3A_14 = arith.constant 0 : i32
    %dma_start3A_15 = tpu.memref_slice %arg17[%dma_start3A_13, %dma_start3A_14] : memref<10000x32xf32, #tpu.memory_space<vmem_shared>> -> memref<10000x32xf32, #tpu.memory_space<vmem_shared>>
    tpu.enqueue_indirect_dma source(%dma_start3A_15 : memref<10000x32xf32, #tpu.memory_space<vmem_shared>>) target(%arg9 : memref<128x32xf32, #tpu.memory_space<vmem>>) offsets(%dma_start3A_12 : memref<128xi32, #tpu.memory_space<vmem>>) semaphore(%arg19 : memref<!tpu.dma_semaphore, #tpu.memory_space<semaphore_mem>>)
    %dma_start3A_16 = arith.constant 1 : i32
    %dma_start3A_17 = arith.constant 0 : i32
    %dma_start3A_18 = tpu.memref_slice %arg7[%dma_start3A_16, %dma_start3A_17] : memref<160x128xi32, #tpu.memory_space<vmem>> -> memref<1x128xi32, #tpu.memory_space<vmem>>
    %dma_start3A_19 = tpu.memref_squeeze %dma_start3A_18 : memref<1x128xi32, #tpu.memory_space<vmem>> -> memref<128xi32, #tpu.memory_space<vmem>>
    %dma_start3A_20 = arith.constant 0 : i32
    %dma_start3A_21 = arith.constant 0 : i32
    %dma_start3A_22 = tpu.memref_slice %arg17[%dma_start3A_20, %dma_start3A_21] : memref<10000x32xf32, #tpu.memory_space<vmem_shared>> -> memref<10000x32xf32, #tpu.memory_space<vmem_shared>>
    tpu.enqueue_indirect_dma source(%dma_start3A_22 : memref<10000x32xf32, #tpu.memory_space<vmem_shared>>) target(%arg10 : memref<128x32xf32, #tpu.memory_space<vmem>>) offsets(%dma_start3A_19 : memref<128xi32, #tpu.memory_space<vmem>>) semaphore(%arg20 : memref<!tpu.dma_semaphore, #tpu.memory_space<semaphore_mem>>)
    %dma_start3A_23 = arith.constant 2 : i32
    %dma_start3A_24 = arith.constant 0 : i32
    %dma_start3A_25 = tpu.memref_slice %arg7[%dma_start3A_23, %dma_start3A_24] : memref<160x128xi32, #tpu.memory_space<vmem>> -> memref<1x128xi32, #tpu.memory_space<vmem>>
    %dma_start3A_26 = tpu.memref_squeeze %dma_start3A_25 : memref<1x128xi32, #tpu.memory_space<vmem>> -> memref<128xi32, #tpu.memory_space<vmem>>
    %dma_start3A_27 = arith.constant 0 : i32
    %dma_start3A_28 = arith.constant 0 : i32
    %dma_start3A_29 = tpu.memref_slice %arg17[%dma_start3A_27, %dma_start3A_28] : memref<10000x32xf32, #tpu.memory_space<vmem_shared>> -> memref<10000x32xf32, #tpu.memory_space<vmem_shared>>
    tpu.enqueue_indirect_dma source(%dma_start3A_29 : memref<10000x32xf32, #tpu.memory_space<vmem_shared>>) target(%arg11 : memref<128x32xf32, #tpu.memory_space<vmem>>) offsets(%dma_start3A_26 : memref<128xi32, #tpu.memory_space<vmem>>) semaphore(%arg21 : memref<!tpu.dma_semaphore, #tpu.memory_space<semaphore_mem>>)
    %dma_start3A_30 = arith.constant 3 : i32
    %dma_start3A_31 = arith.constant 0 : i32
    %dma_start3A_32 = tpu.memref_slice %arg7[%dma_start3A_30, %dma_start3A_31] : memref<160x128xi32, #tpu.memory_space<vmem>> -> memref<1x128xi32, #tpu.memory_space<vmem>>
    %dma_start3A_33 = tpu.memref_squeeze %dma_start3A_32 : memref<1x128xi32, #tpu.memory_space<vmem>> -> memref<128xi32, #tpu.memory_space<vmem>>
    %dma_start3A_34 = arith.constant 0 : i32
    %dma_start3A_35 = arith.constant 0 : i32
    %dma_start3A_36 = tpu.memref_slice %arg17[%dma_start3A_34, %dma_start3A_35] : memref<10000x32xf32, #tpu.memory_space<vmem_shared>> -> memref<10000x32xf32, #tpu.memory_space<vmem_shared>>
    tpu.enqueue_indirect_dma source(%dma_start3A_36 : memref<10000x32xf32, #tpu.memory_space<vmem_shared>>) target(%arg12 : memref<128x32xf32, #tpu.memory_space<vmem>>) offsets(%dma_start3A_33 : memref<128xi32, #tpu.memory_space<vmem>>) semaphore(%arg22 : memref<!tpu.dma_semaphore, #tpu.memory_space<semaphore_mem>>)
    %dma_start3A_37 = arith.constant 4 : i32
    %dma_start3A_38 = arith.constant 0 : i32
    %dma_start3A_39 = tpu.memref_slice %arg7[%dma_start3A_37, %dma_start3A_38] : memref<160x128xi32, #tpu.memory_space<vmem>> -> memref<1x128xi32, #tpu.memory_space<vmem>>
    %dma_start3A_40 = tpu.memref_squeeze %dma_start3A_39 : memref<1x128xi32, #tpu.memory_space<vmem>> -> memref<128xi32, #tpu.memory_space<vmem>>
    %dma_start3A_41 = arith.constant 0 : i32
    %dma_start3A_42 = arith.constant 0 : i32
    %dma_start3A_43 = tpu.memref_slice %arg17[%dma_start3A_41, %dma_start3A_42] : memref<10000x32xf32, #tpu.memory_space<vmem_shared>> -> memref<10000x32xf32, #tpu.memory_space<vmem_shared>>
    tpu.enqueue_indirect_dma source(%dma_start3A_43 : memref<10000x32xf32, #tpu.memory_space<vmem_shared>>) target(%arg13 : memref<128x32xf32, #tpu.memory_space<vmem>>) offsets(%dma_start3A_40 : memref<128xi32, #tpu.memory_space<vmem>>) semaphore(%arg23 : memref<!tpu.dma_semaphore, #tpu.memory_space<semaphore_mem>>)
    %dma_start3A_44 = arith.constant 5 : i32
    %dma_start3A_45 = arith.constant 0 : i32
    %dma_start3A_46 = tpu.memref_slice %arg7[%dma_start3A_44, %dma_start3A_45] : memref<160x128xi32, #tpu.memory_space<vmem>> -> memref<1x128xi32, #tpu.memory_space<vmem>>
    %dma_start3A_47 = tpu.memref_squeeze %dma_start3A_46 : memref<1x128xi32, #tpu.memory_space<vmem>> -> memref<128xi32, #tpu.memory_space<vmem>>
    %dma_start3A_48 = arith.constant 0 : i32
    %dma_start3A_49 = arith.constant 0 : i32
    %dma_start3A_50 = tpu.memref_slice %arg17[%dma_start3A_48, %dma_start3A_49] : memref<10000x32xf32, #tpu.memory_space<vmem_shared>> -> memref<10000x32xf32, #tpu.memory_space<vmem_shared>>
    tpu.enqueue_indirect_dma source(%dma_start3A_50 : memref<10000x32xf32, #tpu.memory_space<vmem_shared>>) target(%arg14 : memref<128x32xf32, #tpu.memory_space<vmem>>) offsets(%dma_start3A_47 : memref<128xi32, #tpu.memory_space<vmem>>) semaphore(%arg24 : memref<!tpu.dma_semaphore, #tpu.memory_space<semaphore_mem>>)
    %dma_start3A_51 = arith.constant 6 : i32
    %dma_start3A_52 = arith.constant 0 : i32
    %dma_start3A_53 = tpu.memref_slice %arg7[%dma_start3A_51, %dma_start3A_52] : memref<160x128xi32, #tpu.memory_space<vmem>> -> memref<1x128xi32, #tpu.memory_space<vmem>>
    %dma_start3A_54 = tpu.memref_squeeze %dma_start3A_53 : memref<1x128xi32, #tpu.memory_space<vmem>> -> memref<128xi32, #tpu.memory_space<vmem>>
    %dma_start3A_55 = arith.constant 0 : i32
    %dma_start3A_56 = arith.constant 0 : i32
    %dma_start3A_57 = tpu.memref_slice %arg17[%dma_start3A_55, %dma_start3A_56] : memref<10000x32xf32, #tpu.memory_space<vmem_shared>> -> memref<10000x32xf32, #tpu.memory_space<vmem_shared>>
    tpu.enqueue_indirect_dma source(%dma_start3A_57 : memref<10000x32xf32, #tpu.memory_space<vmem_shared>>) target(%arg15 : memref<128x32xf32, #tpu.memory_space<vmem>>) offsets(%dma_start3A_54 : memref<128xi32, #tpu.memory_space<vmem>>) semaphore(%arg25 : memref<!tpu.dma_semaphore, #tpu.memory_space<semaphore_mem>>)
    %dma_start3A_58 = arith.constant 7 : i32
    %dma_start3A_59 = arith.constant 0 : i32
    %dma_start3A_60 = tpu.memref_slice %arg7[%dma_start3A_58, %dma_start3A_59] : memref<160x128xi32, #tpu.memory_space<vmem>> -> memref<1x128xi32, #tpu.memory_space<vmem>>
    %dma_start3A_61 = tpu.memref_squeeze %dma_start3A_60 : memref<1x128xi32, #tpu.memory_space<vmem>> -> memref<128xi32, #tpu.memory_space<vmem>>
    %dma_start3A_62 = arith.constant 0 : i32
    %dma_start3A_63 = arith.constant 0 : i32
    %dma_start3A_64 = tpu.memref_slice %arg17[%dma_start3A_62, %dma_start3A_63] : memref<10000x32xf32, #tpu.memory_space<vmem_shared>> -> memref<10000x32xf32, #tpu.memory_space<vmem_shared>>
    tpu.enqueue_indirect_dma source(%dma_start3A_64 : memref<10000x32xf32, #tpu.memory_space<vmem_shared>>) target(%arg16 : memref<128x32xf32, #tpu.memory_space<vmem>>) offsets(%dma_start3A_61 : memref<128xi32, #tpu.memory_space<vmem>>) semaphore(%arg26 : memref<!tpu.dma_semaphore, #tpu.memory_space<semaphore_mem>>)
    %scan3A = arith.constant 0 : i32
    %scan3A_65 = arith.constant 0 : i32
    %scan3A_66 = arith.constant 20 : i32
    %scan3A_67 = arith.addi %scan3A_65, %scan3A_66 : i32
    %scan3A_68 = arith.constant 1 : i32
    %scan3A_69 = scf.for %scan3A_80 = %scan3A_65 to %scan3A_67 step %scan3A_68 iter_args(%scan3A_81 = %scan3A) -> (i32)  : i32 {
      %mul3A_82 = arith.constant 8 : i32
      %mul3A_83 = arith.muli %mul3A_82, %scan3A_80 : i32
      %add3A_84 = arith.constant 0 : i32
      %add3A_85 = arith.addi %mul3A_83, %add3A_84 : i32
      %dma_wait3A = arith.constant 0 : i32
      %dma_wait3A_86 = tpu.memref_slice %arg7[%add3A_85, %dma_wait3A] : memref<160x128xi32, #tpu.memory_space<vmem>> -> memref<1x128xi32, #tpu.memory_space<vmem>>
      %dma_wait3A_87 = tpu.memref_squeeze %dma_wait3A_86 : memref<1x128xi32, #tpu.memory_space<vmem>> -> memref<128xi32, #tpu.memory_space<vmem>>
      %dma_wait3A_88 = arith.constant 0 : i32
      %dma_wait3A_89 = arith.constant 0 : i32
      %dma_wait3A_90 = tpu.memref_slice %arg17[%dma_wait3A_88, %dma_wait3A_89] : memref<10000x32xf32, #tpu.memory_space<vmem_shared>> -> memref<10000x32xf32, #tpu.memory_space<vmem_shared>>
      tpu.wait_indirect_dma semaphore(%arg19 : memref<!tpu.dma_semaphore, #tpu.memory_space<semaphore_mem>>) src(%dma_wait3A_90 : memref<10000x32xf32, #tpu.memory_space<vmem_shared>>) dst(%arg9 : memref<128x32xf32, #tpu.memory_space<vmem>>)
      %dma_start3A_91 = arith.constant 0 : i32
      %dma_start3A_92 = tpu.memref_slice %arg8[%add3A_85, %dma_start3A_91] : memref<160x128xi32, #tpu.memory_space<vmem>> -> memref<1x128xi32, #tpu.memory_space<vmem>>
      %dma_start3A_93 = tpu.memref_squeeze %dma_start3A_92 : memref<1x128xi32, #tpu.memory_space<vmem>> -> memref<128xi32, #tpu.memory_space<vmem>>
      %dma_start3A_94 = arith.constant 0 : i32
      %dma_start3A_95 = arith.constant 0 : i32
      %dma_start3A_96 = tpu.memref_slice %arg18[%dma_start3A_94, %dma_start3A_95] : memref<10112x32xf32, #tpu.memory_space<vmem_shared>> -> memref<10112x32xf32, #tpu.memory_space<vmem_shared>>
      tpu.enqueue_indirect_dma source(%arg9 : memref<128x32xf32, #tpu.memory_space<vmem>>) target(%dma_start3A_96 : memref<10112x32xf32, #tpu.memory_space<vmem_shared>>) offsets(%dma_start3A_93 : memref<128xi32, #tpu.memory_space<vmem>>) semaphore(%arg27 : memref<!tpu.dma_semaphore, #tpu.memory_space<semaphore_mem>>) {add = true}
      %add3A_97 = arith.constant 1 : i32
      %add3A_98 = arith.addi %mul3A_83, %add3A_97 : i32
      %dma_wait3A_99 = arith.constant 0 : i32
      %dma_wait3A_100 = tpu.memref_slice %arg7[%add3A_98, %dma_wait3A_99] : memref<160x128xi32, #tpu.memory_space<vmem>> -> memref<1x128xi32, #tpu.memory_space<vmem>>
      %dma_wait3A_101 = tpu.memref_squeeze %dma_wait3A_100 : memref<1x128xi32, #tpu.memory_space<vmem>> -> memref<128xi32, #tpu.memory_space<vmem>>
      %dma_wait3A_102 = arith.constant 0 : i32
      %dma_wait3A_103 = arith.constant 0 : i32
      %dma_wait3A_104 = tpu.memref_slice %arg17[%dma_wait3A_102, %dma_wait3A_103] : memref<10000x32xf32, #tpu.memory_space<vmem_shared>> -> memref<10000x32xf32, #tpu.memory_space<vmem_shared>>
      tpu.wait_indirect_dma semaphore(%arg20 : memref<!tpu.dma_semaphore, #tpu.memory_space<semaphore_mem>>) src(%dma_wait3A_104 : memref<10000x32xf32, #tpu.memory_space<vmem_shared>>) dst(%arg10 : memref<128x32xf32, #tpu.memory_space<vmem>>)
      %dma_start3A_105 = arith.constant 0 : i32
      %dma_start3A_106 = tpu.memref_slice %arg8[%add3A_98, %dma_start3A_105] : memref<160x128xi32, #tpu.memory_space<vmem>> -> memref<1x128xi32, #tpu.memory_space<vmem>>
      %dma_start3A_107 = tpu.memref_squeeze %dma_start3A_106 : memref<1x128xi32, #tpu.memory_space<vmem>> -> memref<128xi32, #tpu.memory_space<vmem>>
      %dma_start3A_108 = arith.constant 0 : i32
      %dma_start3A_109 = arith.constant 0 : i32
      %dma_start3A_110 = tpu.memref_slice %arg18[%dma_start3A_108, %dma_start3A_109] : memref<10112x32xf32, #tpu.memory_space<vmem_shared>> -> memref<10112x32xf32, #tpu.memory_space<vmem_shared>>
      tpu.enqueue_indirect_dma source(%arg10 : memref<128x32xf32, #tpu.memory_space<vmem>>) target(%dma_start3A_110 : memref<10112x32xf32, #tpu.memory_space<vmem_shared>>) offsets(%dma_start3A_107 : memref<128xi32, #tpu.memory_space<vmem>>) semaphore(%arg28 : memref<!tpu.dma_semaphore, #tpu.memory_space<semaphore_mem>>) {add = true}
      %add3A_111 = arith.constant 2 : i32
      %add3A_112 = arith.addi %mul3A_83, %add3A_111 : i32
      %dma_wait3A_113 = arith.constant 0 : i32
      %dma_wait3A_114 = tpu.memref_slice %arg7[%add3A_112, %dma_wait3A_113] : memref<160x128xi32, #tpu.memory_space<vmem>> -> memref<1x128xi32, #tpu.memory_space<vmem>>
      %dma_wait3A_115 = tpu.memref_squeeze %dma_wait3A_114 : memref<1x128xi32, #tpu.memory_space<vmem>> -> memref<128xi32, #tpu.memory_space<vmem>>
      %dma_wait3A_116 = arith.constant 0 : i32
      %dma_wait3A_117 = arith.constant 0 : i32
      %dma_wait3A_118 = tpu.memref_slice %arg17[%dma_wait3A_116, %dma_wait3A_117] : memref<10000x32xf32, #tpu.memory_space<vmem_shared>> -> memref<10000x32xf32, #tpu.memory_space<vmem_shared>>
      tpu.wait_indirect_dma semaphore(%arg21 : memref<!tpu.dma_semaphore, #tpu.memory_space<semaphore_mem>>) src(%dma_wait3A_118 : memref<10000x32xf32, #tpu.memory_space<vmem_shared>>) dst(%arg11 : memref<128x32xf32, #tpu.memory_space<vmem>>)
      %dma_start3A_119 = arith.constant 0 : i32
      %dma_start3A_120 = tpu.memref_slice %arg8[%add3A_112, %dma_start3A_119] : memref<160x128xi32, #tpu.memory_space<vmem>> -> memref<1x128xi32, #tpu.memory_space<vmem>>
      %dma_start3A_121 = tpu.memref_squeeze %dma_start3A_120 : memref<1x128xi32, #tpu.memory_space<vmem>> -> memref<128xi32, #tpu.memory_space<vmem>>
      %dma_start3A_122 = arith.constant 0 : i32
      %dma_start3A_123 = arith.constant 0 : i32
      %dma_start3A_124 = tpu.memref_slice %arg18[%dma_start3A_122, %dma_start3A_123] : memref<10112x32xf32, #tpu.memory_space<vmem_shared>> -> memref<10112x32xf32, #tpu.memory_space<vmem_shared>>
      tpu.enqueue_indirect_dma source(%arg11 : memref<128x32xf32, #tpu.memory_space<vmem>>) target(%dma_start3A_124 : memref<10112x32xf32, #tpu.memory_space<vmem_shared>>) offsets(%dma_start3A_121 : memref<128xi32, #tpu.memory_space<vmem>>) semaphore(%arg29 : memref<!tpu.dma_semaphore, #tpu.memory_space<semaphore_mem>>) {add = true}
      %add3A_125 = arith.constant 3 : i32
      %add3A_126 = arith.addi %mul3A_83, %add3A_125 : i32
      %dma_wait3A_127 = arith.constant 0 : i32
      %dma_wait3A_128 = tpu.memref_slice %arg7[%add3A_126, %dma_wait3A_127] : memref<160x128xi32, #tpu.memory_space<vmem>> -> memref<1x128xi32, #tpu.memory_space<vmem>>
      %dma_wait3A_129 = tpu.memref_squeeze %dma_wait3A_128 : memref<1x128xi32, #tpu.memory_space<vmem>> -> memref<128xi32, #tpu.memory_space<vmem>>
      %dma_wait3A_130 = arith.constant 0 : i32
      %dma_wait3A_131 = arith.constant 0 : i32
      %dma_wait3A_132 = tpu.memref_slice %arg17[%dma_wait3A_130, %dma_wait3A_131] : memref<10000x32xf32, #tpu.memory_space<vmem_shared>> -> memref<10000x32xf32, #tpu.memory_space<vmem_shared>>
      tpu.wait_indirect_dma semaphore(%arg22 : memref<!tpu.dma_semaphore, #tpu.memory_space<semaphore_mem>>) src(%dma_wait3A_132 : memref<10000x32xf32, #tpu.memory_space<vmem_shared>>) dst(%arg12 : memref<128x32xf32, #tpu.memory_space<vmem>>)
      %dma_start3A_133 = arith.constant 0 : i32
      %dma_start3A_134 = tpu.memref_slice %arg8[%add3A_126, %dma_start3A_133] : memref<160x128xi32, #tpu.memory_space<vmem>> -> memref<1x128xi32, #tpu.memory_space<vmem>>
      %dma_start3A_135 = tpu.memref_squeeze %dma_start3A_134 : memref<1x128xi32, #tpu.memory_space<vmem>> -> memref<128xi32, #tpu.memory_space<vmem>>
      %dma_start3A_136 = arith.constant 0 : i32
      %dma_start3A_137 = arith.constant 0 : i32
      %dma_start3A_138 = tpu.memref_slice %arg18[%dma_start3A_136, %dma_start3A_137] : memref<10112x32xf32, #tpu.memory_space<vmem_shared>> -> memref<10112x32xf32, #tpu.memory_space<vmem_shared>>
      tpu.enqueue_indirect_dma source(%arg12 : memref<128x32xf32, #tpu.memory_space<vmem>>) target(%dma_start3A_138 : memref<10112x32xf32, #tpu.memory_space<vmem_shared>>) offsets(%dma_start3A_135 : memref<128xi32, #tpu.memory_space<vmem>>) semaphore(%arg30 : memref<!tpu.dma_semaphore, #tpu.memory_space<semaphore_mem>>) {add = true}
      %add3A_139 = arith.constant 4 : i32
      %add3A_140 = arith.addi %mul3A_83, %add3A_139 : i32
      %dma_wait3A_141 = arith.constant 0 : i32
      %dma_wait3A_142 = tpu.memref_slice %arg7[%add3A_140, %dma_wait3A_141] : memref<160x128xi32, #tpu.memory_space<vmem>> -> memref<1x128xi32, #tpu.memory_space<vmem>>
      %dma_wait3A_143 = tpu.memref_squeeze %dma_wait3A_142 : memref<1x128xi32, #tpu.memory_space<vmem>> -> memref<128xi32, #tpu.memory_space<vmem>>
      %dma_wait3A_144 = arith.constant 0 : i32
      %dma_wait3A_145 = arith.constant 0 : i32
      %dma_wait3A_146 = tpu.memref_slice %arg17[%dma_wait3A_144, %dma_wait3A_145] : memref<10000x32xf32, #tpu.memory_space<vmem_shared>> -> memref<10000x32xf32, #tpu.memory_space<vmem_shared>>
      tpu.wait_indirect_dma semaphore(%arg23 : memref<!tpu.dma_semaphore, #tpu.memory_space<semaphore_mem>>) src(%dma_wait3A_146 : memref<10000x32xf32, #tpu.memory_space<vmem_shared>>) dst(%arg13 : memref<128x32xf32, #tpu.memory_space<vmem>>)
      %dma_start3A_147 = arith.constant 0 : i32
      %dma_start3A_148 = tpu.memref_slice %arg8[%add3A_140, %dma_start3A_147] : memref<160x128xi32, #tpu.memory_space<vmem>> -> memref<1x128xi32, #tpu.memory_space<vmem>>
      %dma_start3A_149 = tpu.memref_squeeze %dma_start3A_148 : memref<1x128xi32, #tpu.memory_space<vmem>> -> memref<128xi32, #tpu.memory_space<vmem>>
      %dma_start3A_150 = arith.constant 0 : i32
      %dma_start3A_151 = arith.constant 0 : i32
      %dma_start3A_152 = tpu.memref_slice %arg18[%dma_start3A_150, %dma_start3A_151] : memref<10112x32xf32, #tpu.memory_space<vmem_shared>> -> memref<10112x32xf32, #tpu.memory_space<vmem_shared>>
      tpu.enqueue_indirect_dma source(%arg13 : memref<128x32xf32, #tpu.memory_space<vmem>>) target(%dma_start3A_152 : memref<10112x32xf32, #tpu.memory_space<vmem_shared>>) offsets(%dma_start3A_149 : memref<128xi32, #tpu.memory_space<vmem>>) semaphore(%arg31 : memref<!tpu.dma_semaphore, #tpu.memory_space<semaphore_mem>>) {add = true}
      %add3A_153 = arith.constant 5 : i32
      %add3A_154 = arith.addi %mul3A_83, %add3A_153 : i32
      %dma_wait3A_155 = arith.constant 0 : i32
      %dma_wait3A_156 = tpu.memref_slice %arg7[%add3A_154, %dma_wait3A_155] : memref<160x128xi32, #tpu.memory_space<vmem>> -> memref<1x128xi32, #tpu.memory_space<vmem>>
      %dma_wait3A_157 = tpu.memref_squeeze %dma_wait3A_156 : memref<1x128xi32, #tpu.memory_space<vmem>> -> memref<128xi32, #tpu.memory_space<vmem>>
      %dma_wait3A_158 = arith.constant 0 : i32
      %dma_wait3A_159 = arith.constant 0 : i32
      %dma_wait3A_160 = tpu.memref_slice %arg17[%dma_wait3A_158, %dma_wait3A_159] : memref<10000x32xf32, #tpu.memory_space<vmem_shared>> -> memref<10000x32xf32, #tpu.memory_space<vmem_shared>>
      tpu.wait_indirect_dma semaphore(%arg24 : memref<!tpu.dma_semaphore, #tpu.memory_space<semaphore_mem>>) src(%dma_wait3A_160 : memref<10000x32xf32, #tpu.memory_space<vmem_shared>>) dst(%arg14 : memref<128x32xf32, #tpu.memory_space<vmem>>)
      %dma_start3A_161 = arith.constant 0 : i32
      %dma_start3A_162 = tpu.memref_slice %arg8[%add3A_154, %dma_start3A_161] : memref<160x128xi32, #tpu.memory_space<vmem>> -> memref<1x128xi32, #tpu.memory_space<vmem>>
      %dma_start3A_163 = tpu.memref_squeeze %dma_start3A_162 : memref<1x128xi32, #tpu.memory_space<vmem>> -> memref<128xi32, #tpu.memory_space<vmem>>
      %dma_start3A_164 = arith.constant 0 : i32
      %dma_start3A_165 = arith.constant 0 : i32
      %dma_start3A_166 = tpu.memref_slice %arg18[%dma_start3A_164, %dma_start3A_165] : memref<10112x32xf32, #tpu.memory_space<vmem_shared>> -> memref<10112x32xf32, #tpu.memory_space<vmem_shared>>
      tpu.enqueue_indirect_dma source(%arg14 : memref<128x32xf32, #tpu.memory_space<vmem>>) target(%dma_start3A_166 : memref<10112x32xf32, #tpu.memory_space<vmem_shared>>) offsets(%dma_start3A_163 : memref<128xi32, #tpu.memory_space<vmem>>) semaphore(%arg32 : memref<!tpu.dma_semaphore, #tpu.memory_space<semaphore_mem>>) {add = true}
      %add3A_167 = arith.constant 6 : i32
      %add3A_168 = arith.addi %mul3A_83, %add3A_167 : i32
      %dma_wait3A_169 = arith.constant 0 : i32
      %dma_wait3A_170 = tpu.memref_slice %arg7[%add3A_168, %dma_wait3A_169] : memref<160x128xi32, #tpu.memory_space<vmem>> -> memref<1x128xi32, #tpu.memory_space<vmem>>
      %dma_wait3A_171 = tpu.memref_squeeze %dma_wait3A_170 : memref<1x128xi32, #tpu.memory_space<vmem>> -> memref<128xi32, #tpu.memory_space<vmem>>
      %dma_wait3A_172 = arith.constant 0 : i32
      %dma_wait3A_173 = arith.constant 0 : i32
      %dma_wait3A_174 = tpu.memref_slice %arg17[%dma_wait3A_172, %dma_wait3A_173] : memref<10000x32xf32, #tpu.memory_space<vmem_shared>> -> memref<10000x32xf32, #tpu.memory_space<vmem_shared>>
      tpu.wait_indirect_dma semaphore(%arg25 : memref<!tpu.dma_semaphore, #tpu.memory_space<semaphore_mem>>) src(%dma_wait3A_174 : memref<10000x32xf32, #tpu.memory_space<vmem_shared>>) dst(%arg15 : memref<128x32xf32, #tpu.memory_space<vmem>>)
      %dma_start3A_175 = arith.constant 0 : i32
      %dma_start3A_176 = tpu.memref_slice %arg8[%add3A_168, %dma_start3A_175] : memref<160x128xi32, #tpu.memory_space<vmem>> -> memref<1x128xi32, #tpu.memory_space<vmem>>
      %dma_start3A_177 = tpu.memref_squeeze %dma_start3A_176 : memref<1x128xi32, #tpu.memory_space<vmem>> -> memref<128xi32, #tpu.memory_space<vmem>>
      %dma_start3A_178 = arith.constant 0 : i32
      %dma_start3A_179 = arith.constant 0 : i32
      %dma_start3A_180 = tpu.memref_slice %arg18[%dma_start3A_178, %dma_start3A_179] : memref<10112x32xf32, #tpu.memory_space<vmem_shared>> -> memref<10112x32xf32, #tpu.memory_space<vmem_shared>>
      tpu.enqueue_indirect_dma source(%arg15 : memref<128x32xf32, #tpu.memory_space<vmem>>) target(%dma_start3A_180 : memref<10112x32xf32, #tpu.memory_space<vmem_shared>>) offsets(%dma_start3A_177 : memref<128xi32, #tpu.memory_space<vmem>>) semaphore(%arg33 : memref<!tpu.dma_semaphore, #tpu.memory_space<semaphore_mem>>) {add = true}
      %add3A_181 = arith.constant 7 : i32
      %add3A_182 = arith.addi %mul3A_83, %add3A_181 : i32
      %dma_wait3A_183 = arith.constant 0 : i32
      %dma_wait3A_184 = tpu.memref_slice %arg7[%add3A_182, %dma_wait3A_183] : memref<160x128xi32, #tpu.memory_space<vmem>> -> memref<1x128xi32, #tpu.memory_space<vmem>>
      %dma_wait3A_185 = tpu.memref_squeeze %dma_wait3A_184 : memref<1x128xi32, #tpu.memory_space<vmem>> -> memref<128xi32, #tpu.memory_space<vmem>>
      %dma_wait3A_186 = arith.constant 0 : i32
      %dma_wait3A_187 = arith.constant 0 : i32
      %dma_wait3A_188 = tpu.memref_slice %arg17[%dma_wait3A_186, %dma_wait3A_187] : memref<10000x32xf32, #tpu.memory_space<vmem_shared>> -> memref<10000x32xf32, #tpu.memory_space<vmem_shared>>
      tpu.wait_indirect_dma semaphore(%arg26 : memref<!tpu.dma_semaphore, #tpu.memory_space<semaphore_mem>>) src(%dma_wait3A_188 : memref<10000x32xf32, #tpu.memory_space<vmem_shared>>) dst(%arg16 : memref<128x32xf32, #tpu.memory_space<vmem>>)
      %dma_start3A_189 = arith.constant 0 : i32
      %dma_start3A_190 = tpu.memref_slice %arg8[%add3A_182, %dma_start3A_189] : memref<160x128xi32, #tpu.memory_space<vmem>> -> memref<1x128xi32, #tpu.memory_space<vmem>>
      %dma_start3A_191 = tpu.memref_squeeze %dma_start3A_190 : memref<1x128xi32, #tpu.memory_space<vmem>> -> memref<128xi32, #tpu.memory_space<vmem>>
      %dma_start3A_192 = arith.constant 0 : i32
      %dma_start3A_193 = arith.constant 0 : i32
      %dma_start3A_194 = tpu.memref_slice %arg18[%dma_start3A_192, %dma_start3A_193] : memref<10112x32xf32, #tpu.memory_space<vmem_shared>> -> memref<10112x32xf32, #tpu.memory_space<vmem_shared>>
      tpu.enqueue_indirect_dma source(%arg16 : memref<128x32xf32, #tpu.memory_space<vmem>>) target(%dma_start3A_194 : memref<10112x32xf32, #tpu.memory_space<vmem_shared>>) offsets(%dma_start3A_191 : memref<128xi32, #tpu.memory_space<vmem>>) semaphore(%arg34 : memref<!tpu.dma_semaphore, #tpu.memory_space<semaphore_mem>>) {add = true}
      %add3A_195 = arith.constant 0 : i32
      %add3A_196 = arith.addi %mul3A_83, %add3A_195 : i32
      %dma_wait3A_197 = arith.constant 0 : i32
      %dma_wait3A_198 = tpu.memref_slice %arg8[%add3A_196, %dma_wait3A_197] : memref<160x128xi32, #tpu.memory_space<vmem>> -> memref<1x128xi32, #tpu.memory_space<vmem>>
      %dma_wait3A_199 = tpu.memref_squeeze %dma_wait3A_198 : memref<1x128xi32, #tpu.memory_space<vmem>> -> memref<128xi32, #tpu.memory_space<vmem>>
      %dma_wait3A_200 = arith.constant 0 : i32
      %dma_wait3A_201 = arith.constant 0 : i32
      %dma_wait3A_202 = tpu.memref_slice %arg18[%dma_wait3A_200, %dma_wait3A_201] : memref<10112x32xf32, #tpu.memory_space<vmem_shared>> -> memref<10112x32xf32, #tpu.memory_space<vmem_shared>>
      tpu.wait_indirect_dma semaphore(%arg27 : memref<!tpu.dma_semaphore, #tpu.memory_space<semaphore_mem>>) src(%arg9 : memref<128x32xf32, #tpu.memory_space<vmem>>) dst(%dma_wait3A_202 : memref<10112x32xf32, #tpu.memory_space<vmem_shared>>)
      %add3A_203 = arith.constant 8 : i32
      %add3A_204 = arith.addi %add3A_196, %add3A_203 : i32
      %lt3A = arith.constant 160 : i32
      %lt3A_205 = arith.cmpi slt, %add3A_204, %lt3A : i32
      %convert_element_type3A = arith.extui %lt3A_205 : i1 to i32
      %cond3A = arith.constant 0 : i32
      %cond3A_206 = arith.cmpi ne, %convert_element_type3A, %cond3A : i32
      scf.if %cond3A_206 {
        %add3A_313 = arith.constant 8 : i32
        %add3A_314 = arith.addi %add3A_196, %add3A_313 : i32
        %dma_start3A_315 = arith.constant 0 : i32
        %dma_start3A_316 = tpu.memref_slice %arg7[%add3A_314, %dma_start3A_315] : memref<160x128xi32, #tpu.memory_space<vmem>> -> memref<1x128xi32, #tpu.memory_space<vmem>>
        %dma_start3A_317 = tpu.memref_squeeze %dma_start3A_316 : memref<1x128xi32, #tpu.memory_space<vmem>> -> memref<128xi32, #tpu.memory_space<vmem>>
        %dma_start3A_318 = arith.constant 0 : i32
        %dma_start3A_319 = arith.constant 0 : i32
        %dma_start3A_320 = tpu.memref_slice %arg17[%dma_start3A_318, %dma_start3A_319] : memref<10000x32xf32, #tpu.memory_space<vmem_shared>> -> memref<10000x32xf32, #tpu.memory_space<vmem_shared>>
        tpu.enqueue_indirect_dma source(%dma_start3A_320 : memref<10000x32xf32, #tpu.memory_space<vmem_shared>>) target(%arg9 : memref<128x32xf32, #tpu.memory_space<vmem>>) offsets(%dma_start3A_317 : memref<128xi32, #tpu.memory_space<vmem>>) semaphore(%arg19 : memref<!tpu.dma_semaphore, #tpu.memory_space<semaphore_mem>>)
      } else {
      }
      %add3A_207 = arith.constant 1 : i32
      %add3A_208 = arith.addi %mul3A_83, %add3A_207 : i32
      %dma_wait3A_209 = arith.constant 0 : i32
      %dma_wait3A_210 = tpu.memref_slice %arg8[%add3A_208, %dma_wait3A_209] : memref<160x128xi32, #tpu.memory_space<vmem>> -> memref<1x128xi32, #tpu.memory_space<vmem>>
      %dma_wait3A_211 = tpu.memref_squeeze %dma_wait3A_210 : memref<1x128xi32, #tpu.memory_space<vmem>> -> memref<128xi32, #tpu.memory_space<vmem>>
      %dma_wait3A_212 = arith.constant 0 : i32
      %dma_wait3A_213 = arith.constant 0 : i32
      %dma_wait3A_214 = tpu.memref_slice %arg18[%dma_wait3A_212, %dma_wait3A_213] : memref<10112x32xf32, #tpu.memory_space<vmem_shared>> -> memref<10112x32xf32, #tpu.memory_space<vmem_shared>>
      tpu.wait_indirect_dma semaphore(%arg28 : memref<!tpu.dma_semaphore, #tpu.memory_space<semaphore_mem>>) src(%arg10 : memref<128x32xf32, #tpu.memory_space<vmem>>) dst(%dma_wait3A_214 : memref<10112x32xf32, #tpu.memory_space<vmem_shared>>)
      %add3A_215 = arith.constant 8 : i32
      %add3A_216 = arith.addi %add3A_208, %add3A_215 : i32
      %lt3A_217 = arith.constant 160 : i32
      %lt3A_218 = arith.cmpi slt, %add3A_216, %lt3A_217 : i32
      %convert_element_type3A_219 = arith.extui %lt3A_218 : i1 to i32
      %cond3A_220 = arith.constant 0 : i32
      %cond3A_221 = arith.cmpi ne, %convert_element_type3A_219, %cond3A_220 : i32
      scf.if %cond3A_221 {
        %add3A_313 = arith.constant 8 : i32
        %add3A_314 = arith.addi %add3A_208, %add3A_313 : i32
        %dma_start3A_315 = arith.constant 0 : i32
        %dma_start3A_316 = tpu.memref_slice %arg7[%add3A_314, %dma_start3A_315] : memref<160x128xi32, #tpu.memory_space<vmem>> -> memref<1x128xi32, #tpu.memory_space<vmem>>
        %dma_start3A_317 = tpu.memref_squeeze %dma_start3A_316 : memref<1x128xi32, #tpu.memory_space<vmem>> -> memref<128xi32, #tpu.memory_space<vmem>>
        %dma_start3A_318 = arith.constant 0 : i32
        %dma_start3A_319 = arith.constant 0 : i32
        %dma_start3A_320 = tpu.memref_slice %arg17[%dma_start3A_318, %dma_start3A_319] : memref<10000x32xf32, #tpu.memory_space<vmem_shared>> -> memref<10000x32xf32, #tpu.memory_space<vmem_shared>>
        tpu.enqueue_indirect_dma source(%dma_start3A_320 : memref<10000x32xf32, #tpu.memory_space<vmem_shared>>) target(%arg10 : memref<128x32xf32, #tpu.memory_space<vmem>>) offsets(%dma_start3A_317 : memref<128xi32, #tpu.memory_space<vmem>>) semaphore(%arg20 : memref<!tpu.dma_semaphore, #tpu.memory_space<semaphore_mem>>)
      } else {
      }
      %add3A_222 = arith.constant 2 : i32
      %add3A_223 = arith.addi %mul3A_83, %add3A_222 : i32
      %dma_wait3A_224 = arith.constant 0 : i32
      %dma_wait3A_225 = tpu.memref_slice %arg8[%add3A_223, %dma_wait3A_224] : memref<160x128xi32, #tpu.memory_space<vmem>> -> memref<1x128xi32, #tpu.memory_space<vmem>>
      %dma_wait3A_226 = tpu.memref_squeeze %dma_wait3A_225 : memref<1x128xi32, #tpu.memory_space<vmem>> -> memref<128xi32, #tpu.memory_space<vmem>>
      %dma_wait3A_227 = arith.constant 0 : i32
      %dma_wait3A_228 = arith.constant 0 : i32
      %dma_wait3A_229 = tpu.memref_slice %arg18[%dma_wait3A_227, %dma_wait3A_228] : memref<10112x32xf32, #tpu.memory_space<vmem_shared>> -> memref<10112x32xf32, #tpu.memory_space<vmem_shared>>
      tpu.wait_indirect_dma semaphore(%arg29 : memref<!tpu.dma_semaphore, #tpu.memory_space<semaphore_mem>>) src(%arg11 : memref<128x32xf32, #tpu.memory_space<vmem>>) dst(%dma_wait3A_229 : memref<10112x32xf32, #tpu.memory_space<vmem_shared>>)
      %add3A_230 = arith.constant 8 : i32
      %add3A_231 = arith.addi %add3A_223, %add3A_230 : i32
      %lt3A_232 = arith.constant 160 : i32
      %lt3A_233 = arith.cmpi slt, %add3A_231, %lt3A_232 : i32
      %convert_element_type3A_234 = arith.extui %lt3A_233 : i1 to i32
      %cond3A_235 = arith.constant 0 : i32
      %cond3A_236 = arith.cmpi ne, %convert_element_type3A_234, %cond3A_235 : i32
      scf.if %cond3A_236 {
        %add3A_313 = arith.constant 8 : i32
        %add3A_314 = arith.addi %add3A_223, %add3A_313 : i32
        %dma_start3A_315 = arith.constant 0 : i32
        %dma_start3A_316 = tpu.memref_slice %arg7[%add3A_314, %dma_start3A_315] : memref<160x128xi32, #tpu.memory_space<vmem>> -> memref<1x128xi32, #tpu.memory_space<vmem>>
        %dma_start3A_317 = tpu.memref_squeeze %dma_start3A_316 : memref<1x128xi32, #tpu.memory_space<vmem>> -> memref<128xi32, #tpu.memory_space<vmem>>
        %dma_start3A_318 = arith.constant 0 : i32
        %dma_start3A_319 = arith.constant 0 : i32
        %dma_start3A_320 = tpu.memref_slice %arg17[%dma_start3A_318, %dma_start3A_319] : memref<10000x32xf32, #tpu.memory_space<vmem_shared>> -> memref<10000x32xf32, #tpu.memory_space<vmem_shared>>
        tpu.enqueue_indirect_dma source(%dma_start3A_320 : memref<10000x32xf32, #tpu.memory_space<vmem_shared>>) target(%arg11 : memref<128x32xf32, #tpu.memory_space<vmem>>) offsets(%dma_start3A_317 : memref<128xi32, #tpu.memory_space<vmem>>) semaphore(%arg21 : memref<!tpu.dma_semaphore, #tpu.memory_space<semaphore_mem>>)
      } else {
      }
      %add3A_237 = arith.constant 3 : i32
      %add3A_238 = arith.addi %mul3A_83, %add3A_237 : i32
      %dma_wait3A_239 = arith.constant 0 : i32
      %dma_wait3A_240 = tpu.memref_slice %arg8[%add3A_238, %dma_wait3A_239] : memref<160x128xi32, #tpu.memory_space<vmem>> -> memref<1x128xi32, #tpu.memory_space<vmem>>
      %dma_wait3A_241 = tpu.memref_squeeze %dma_wait3A_240 : memref<1x128xi32, #tpu.memory_space<vmem>> -> memref<128xi32, #tpu.memory_space<vmem>>
      %dma_wait3A_242 = arith.constant 0 : i32
      %dma_wait3A_243 = arith.constant 0 : i32
      %dma_wait3A_244 = tpu.memref_slice %arg18[%dma_wait3A_242, %dma_wait3A_243] : memref<10112x32xf32, #tpu.memory_space<vmem_shared>> -> memref<10112x32xf32, #tpu.memory_space<vmem_shared>>
      tpu.wait_indirect_dma semaphore(%arg30 : memref<!tpu.dma_semaphore, #tpu.memory_space<semaphore_mem>>) src(%arg12 : memref<128x32xf32, #tpu.memory_space<vmem>>) dst(%dma_wait3A_244 : memref<10112x32xf32, #tpu.memory_space<vmem_shared>>)
      %add3A_245 = arith.constant 8 : i32
      %add3A_246 = arith.addi %add3A_238, %add3A_245 : i32
      %lt3A_247 = arith.constant 160 : i32
      %lt3A_248 = arith.cmpi slt, %add3A_246, %lt3A_247 : i32
      %convert_element_type3A_249 = arith.extui %lt3A_248 : i1 to i32
      %cond3A_250 = arith.constant 0 : i32
      %cond3A_251 = arith.cmpi ne, %convert_element_type3A_249, %cond3A_250 : i32
      scf.if %cond3A_251 {
        %add3A_313 = arith.constant 8 : i32
        %add3A_314 = arith.addi %add3A_238, %add3A_313 : i32
        %dma_start3A_315 = arith.constant 0 : i32
        %dma_start3A_316 = tpu.memref_slice %arg7[%add3A_314, %dma_start3A_315] : memref<160x128xi32, #tpu.memory_space<vmem>> -> memref<1x128xi32, #tpu.memory_space<vmem>>
        %dma_start3A_317 = tpu.memref_squeeze %dma_start3A_316 : memref<1x128xi32, #tpu.memory_space<vmem>> -> memref<128xi32, #tpu.memory_space<vmem>>
        %dma_start3A_318 = arith.constant 0 : i32
        %dma_start3A_319 = arith.constant 0 : i32
        %dma_start3A_320 = tpu.memref_slice %arg17[%dma_start3A_318, %dma_start3A_319] : memref<10000x32xf32, #tpu.memory_space<vmem_shared>> -> memref<10000x32xf32, #tpu.memory_space<vmem_shared>>
        tpu.enqueue_indirect_dma source(%dma_start3A_320 : memref<10000x32xf32, #tpu.memory_space<vmem_shared>>) target(%arg12 : memref<128x32xf32, #tpu.memory_space<vmem>>) offsets(%dma_start3A_317 : memref<128xi32, #tpu.memory_space<vmem>>) semaphore(%arg22 : memref<!tpu.dma_semaphore, #tpu.memory_space<semaphore_mem>>)
      } else {
      }
      %add3A_252 = arith.constant 4 : i32
      %add3A_253 = arith.addi %mul3A_83, %add3A_252 : i32
      %dma_wait3A_254 = arith.constant 0 : i32
      %dma_wait3A_255 = tpu.memref_slice %arg8[%add3A_253, %dma_wait3A_254] : memref<160x128xi32, #tpu.memory_space<vmem>> -> memref<1x128xi32, #tpu.memory_space<vmem>>
      %dma_wait3A_256 = tpu.memref_squeeze %dma_wait3A_255 : memref<1x128xi32, #tpu.memory_space<vmem>> -> memref<128xi32, #tpu.memory_space<vmem>>
      %dma_wait3A_257 = arith.constant 0 : i32
      %dma_wait3A_258 = arith.constant 0 : i32
      %dma_wait3A_259 = tpu.memref_slice %arg18[%dma_wait3A_257, %dma_wait3A_258] : memref<10112x32xf32, #tpu.memory_space<vmem_shared>> -> memref<10112x32xf32, #tpu.memory_space<vmem_shared>>
      tpu.wait_indirect_dma semaphore(%arg31 : memref<!tpu.dma_semaphore, #tpu.memory_space<semaphore_mem>>) src(%arg13 : memref<128x32xf32, #tpu.memory_space<vmem>>) dst(%dma_wait3A_259 : memref<10112x32xf32, #tpu.memory_space<vmem_shared>>)
      %add3A_260 = arith.constant 8 : i32
      %add3A_261 = arith.addi %add3A_253, %add3A_260 : i32
      %lt3A_262 = arith.constant 160 : i32
      %lt3A_263 = arith.cmpi slt, %add3A_261, %lt3A_262 : i32
      %convert_element_type3A_264 = arith.extui %lt3A_263 : i1 to i32
      %cond3A_265 = arith.constant 0 : i32
      %cond3A_266 = arith.cmpi ne, %convert_element_type3A_264, %cond3A_265 : i32
      scf.if %cond3A_266 {
        %add3A_313 = arith.constant 8 : i32
        %add3A_314 = arith.addi %add3A_253, %add3A_313 : i32
        %dma_start3A_315 = arith.constant 0 : i32
        %dma_start3A_316 = tpu.memref_slice %arg7[%add3A_314, %dma_start3A_315] : memref<160x128xi32, #tpu.memory_space<vmem>> -> memref<1x128xi32, #tpu.memory_space<vmem>>
        %dma_start3A_317 = tpu.memref_squeeze %dma_start3A_316 : memref<1x128xi32, #tpu.memory_space<vmem>> -> memref<128xi32, #tpu.memory_space<vmem>>
        %dma_start3A_318 = arith.constant 0 : i32
        %dma_start3A_319 = arith.constant 0 : i32
        %dma_start3A_320 = tpu.memref_slice %arg17[%dma_start3A_318, %dma_start3A_319] : memref<10000x32xf32, #tpu.memory_space<vmem_shared>> -> memref<10000x32xf32, #tpu.memory_space<vmem_shared>>
        tpu.enqueue_indirect_dma source(%dma_start3A_320 : memref<10000x32xf32, #tpu.memory_space<vmem_shared>>) target(%arg13 : memref<128x32xf32, #tpu.memory_space<vmem>>) offsets(%dma_start3A_317 : memref<128xi32, #tpu.memory_space<vmem>>) semaphore(%arg23 : memref<!tpu.dma_semaphore, #tpu.memory_space<semaphore_mem>>)
      } else {
      }
      %add3A_267 = arith.constant 5 : i32
      %add3A_268 = arith.addi %mul3A_83, %add3A_267 : i32
      %dma_wait3A_269 = arith.constant 0 : i32
      %dma_wait3A_270 = tpu.memref_slice %arg8[%add3A_268, %dma_wait3A_269] : memref<160x128xi32, #tpu.memory_space<vmem>> -> memref<1x128xi32, #tpu.memory_space<vmem>>
      %dma_wait3A_271 = tpu.memref_squeeze %dma_wait3A_270 : memref<1x128xi32, #tpu.memory_space<vmem>> -> memref<128xi32, #tpu.memory_space<vmem>>
      %dma_wait3A_272 = arith.constant 0 : i32
      %dma_wait3A_273 = arith.constant 0 : i32
      %dma_wait3A_274 = tpu.memref_slice %arg18[%dma_wait3A_272, %dma_wait3A_273] : memref<10112x32xf32, #tpu.memory_space<vmem_shared>> -> memref<10112x32xf32, #tpu.memory_space<vmem_shared>>
      tpu.wait_indirect_dma semaphore(%arg32 : memref<!tpu.dma_semaphore, #tpu.memory_space<semaphore_mem>>) src(%arg14 : memref<128x32xf32, #tpu.memory_space<vmem>>) dst(%dma_wait3A_274 : memref<10112x32xf32, #tpu.memory_space<vmem_shared>>)
      %add3A_275 = arith.constant 8 : i32
      %add3A_276 = arith.addi %add3A_268, %add3A_275 : i32
      %lt3A_277 = arith.constant 160 : i32
      %lt3A_278 = arith.cmpi slt, %add3A_276, %lt3A_277 : i32
      %convert_element_type3A_279 = arith.extui %lt3A_278 : i1 to i32
      %cond3A_280 = arith.constant 0 : i32
      %cond3A_281 = arith.cmpi ne, %convert_element_type3A_279, %cond3A_280 : i32
      scf.if %cond3A_281 {
        %add3A_313 = arith.constant 8 : i32
        %add3A_314 = arith.addi %add3A_268, %add3A_313 : i32
        %dma_start3A_315 = arith.constant 0 : i32
        %dma_start3A_316 = tpu.memref_slice %arg7[%add3A_314, %dma_start3A_315] : memref<160x128xi32, #tpu.memory_space<vmem>> -> memref<1x128xi32, #tpu.memory_space<vmem>>
        %dma_start3A_317 = tpu.memref_squeeze %dma_start3A_316 : memref<1x128xi32, #tpu.memory_space<vmem>> -> memref<128xi32, #tpu.memory_space<vmem>>
        %dma_start3A_318 = arith.constant 0 : i32
        %dma_start3A_319 = arith.constant 0 : i32
        %dma_start3A_320 = tpu.memref_slice %arg17[%dma_start3A_318, %dma_start3A_319] : memref<10000x32xf32, #tpu.memory_space<vmem_shared>> -> memref<10000x32xf32, #tpu.memory_space<vmem_shared>>
        tpu.enqueue_indirect_dma source(%dma_start3A_320 : memref<10000x32xf32, #tpu.memory_space<vmem_shared>>) target(%arg14 : memref<128x32xf32, #tpu.memory_space<vmem>>) offsets(%dma_start3A_317 : memref<128xi32, #tpu.memory_space<vmem>>) semaphore(%arg24 : memref<!tpu.dma_semaphore, #tpu.memory_space<semaphore_mem>>)
      } else {
      }
      %add3A_282 = arith.constant 6 : i32
      %add3A_283 = arith.addi %mul3A_83, %add3A_282 : i32
      %dma_wait3A_284 = arith.constant 0 : i32
      %dma_wait3A_285 = tpu.memref_slice %arg8[%add3A_283, %dma_wait3A_284] : memref<160x128xi32, #tpu.memory_space<vmem>> -> memref<1x128xi32, #tpu.memory_space<vmem>>
      %dma_wait3A_286 = tpu.memref_squeeze %dma_wait3A_285 : memref<1x128xi32, #tpu.memory_space<vmem>> -> memref<128xi32, #tpu.memory_space<vmem>>
      %dma_wait3A_287 = arith.constant 0 : i32
      %dma_wait3A_288 = arith.constant 0 : i32
      %dma_wait3A_289 = tpu.memref_slice %arg18[%dma_wait3A_287, %dma_wait3A_288] : memref<10112x32xf32, #tpu.memory_space<vmem_shared>> -> memref<10112x32xf32, #tpu.memory_space<vmem_shared>>
      tpu.wait_indirect_dma semaphore(%arg33 : memref<!tpu.dma_semaphore, #tpu.memory_space<semaphore_mem>>) src(%arg15 : memref<128x32xf32, #tpu.memory_space<vmem>>) dst(%dma_wait3A_289 : memref<10112x32xf32, #tpu.memory_space<vmem_shared>>)
      %add3A_290 = arith.constant 8 : i32
      %add3A_291 = arith.addi %add3A_283, %add3A_290 : i32
      %lt3A_292 = arith.constant 160 : i32
      %lt3A_293 = arith.cmpi slt, %add3A_291, %lt3A_292 : i32
      %convert_element_type3A_294 = arith.extui %lt3A_293 : i1 to i32
      %cond3A_295 = arith.constant 0 : i32
      %cond3A_296 = arith.cmpi ne, %convert_element_type3A_294, %cond3A_295 : i32
      scf.if %cond3A_296 {
        %add3A_313 = arith.constant 8 : i32
        %add3A_314 = arith.addi %add3A_283, %add3A_313 : i32
        %dma_start3A_315 = arith.constant 0 : i32
        %dma_start3A_316 = tpu.memref_slice %arg7[%add3A_314, %dma_start3A_315] : memref<160x128xi32, #tpu.memory_space<vmem>> -> memref<1x128xi32, #tpu.memory_space<vmem>>
        %dma_start3A_317 = tpu.memref_squeeze %dma_start3A_316 : memref<1x128xi32, #tpu.memory_space<vmem>> -> memref<128xi32, #tpu.memory_space<vmem>>
        %dma_start3A_318 = arith.constant 0 : i32
        %dma_start3A_319 = arith.constant 0 : i32
        %dma_start3A_320 = tpu.memref_slice %arg17[%dma_start3A_318, %dma_start3A_319] : memref<10000x32xf32, #tpu.memory_space<vmem_shared>> -> memref<10000x32xf32, #tpu.memory_space<vmem_shared>>
        tpu.enqueue_indirect_dma source(%dma_start3A_320 : memref<10000x32xf32, #tpu.memory_space<vmem_shared>>) target(%arg15 : memref<128x32xf32, #tpu.memory_space<vmem>>) offsets(%dma_start3A_317 : memref<128xi32, #tpu.memory_space<vmem>>) semaphore(%arg25 : memref<!tpu.dma_semaphore, #tpu.memory_space<semaphore_mem>>)
      } else {
      }
      %add3A_297 = arith.constant 7 : i32
      %add3A_298 = arith.addi %mul3A_83, %add3A_297 : i32
      %dma_wait3A_299 = arith.constant 0 : i32
      %dma_wait3A_300 = tpu.memref_slice %arg8[%add3A_298, %dma_wait3A_299] : memref<160x128xi32, #tpu.memory_space<vmem>> -> memref<1x128xi32, #tpu.memory_space<vmem>>
      %dma_wait3A_301 = tpu.memref_squeeze %dma_wait3A_300 : memref<1x128xi32, #tpu.memory_space<vmem>> -> memref<128xi32, #tpu.memory_space<vmem>>
      %dma_wait3A_302 = arith.constant 0 : i32
      %dma_wait3A_303 = arith.constant 0 : i32
      %dma_wait3A_304 = tpu.memref_slice %arg18[%dma_wait3A_302, %dma_wait3A_303] : memref<10112x32xf32, #tpu.memory_space<vmem_shared>> -> memref<10112x32xf32, #tpu.memory_space<vmem_shared>>
      tpu.wait_indirect_dma semaphore(%arg34 : memref<!tpu.dma_semaphore, #tpu.memory_space<semaphore_mem>>) src(%arg16 : memref<128x32xf32, #tpu.memory_space<vmem>>) dst(%dma_wait3A_304 : memref<10112x32xf32, #tpu.memory_space<vmem_shared>>)
      %add3A_305 = arith.constant 8 : i32
      %add3A_306 = arith.addi %add3A_298, %add3A_305 : i32
      %lt3A_307 = arith.constant 160 : i32
      %lt3A_308 = arith.cmpi slt, %add3A_306, %lt3A_307 : i32
      %convert_element_type3A_309 = arith.extui %lt3A_308 : i1 to i32
      %cond3A_310 = arith.constant 0 : i32
      %cond3A_311 = arith.cmpi ne, %convert_element_type3A_309, %cond3A_310 : i32
      scf.if %cond3A_311 {
        %add3A_313 = arith.constant 8 : i32
        %add3A_314 = arith.addi %add3A_298, %add3A_313 : i32
        %dma_start3A_315 = arith.constant 0 : i32
        %dma_start3A_316 = tpu.memref_slice %arg7[%add3A_314, %dma_start3A_315] : memref<160x128xi32, #tpu.memory_space<vmem>> -> memref<1x128xi32, #tpu.memory_space<vmem>>
        %dma_start3A_317 = tpu.memref_squeeze %dma_start3A_316 : memref<1x128xi32, #tpu.memory_space<vmem>> -> memref<128xi32, #tpu.memory_space<vmem>>
        %dma_start3A_318 = arith.constant 0 : i32
        %dma_start3A_319 = arith.constant 0 : i32
        %dma_start3A_320 = tpu.memref_slice %arg17[%dma_start3A_318, %dma_start3A_319] : memref<10000x32xf32, #tpu.memory_space<vmem_shared>> -> memref<10000x32xf32, #tpu.memory_space<vmem_shared>>
        tpu.enqueue_indirect_dma source(%dma_start3A_320 : memref<10000x32xf32, #tpu.memory_space<vmem_shared>>) target(%arg16 : memref<128x32xf32, #tpu.memory_space<vmem>>) offsets(%dma_start3A_317 : memref<128xi32, #tpu.memory_space<vmem>>) semaphore(%arg26 : memref<!tpu.dma_semaphore, #tpu.memory_space<semaphore_mem>>)
      } else {
      }
      %scan3A_312 = arith.constant 0 : i32
      scf.yield %scan3A_312 : i32
    }
    %scan3A_70 = arith.constant 20 : i32
    %barrier3A_71 = arith.constant 0 : index
    tpu.barrier barrier_id(%barrier3A_71)
    %mul3A_72 = arith.constant 632 : i32
    %mul3A_73 = arith.muli %arg1, %mul3A_72 : i32
    %mul3A_74 = arith.constant 1 : i32
    %mul3A_75 = arith.muli %arg0, %mul3A_74 : i32
    %add3A_76 = arith.constant 0 : i32
    %add3A_77 = arith.addi %mul3A_75, %add3A_76 : i32
    %mul3A_78 = arith.constant 632 : i32
    %mul3A_79 = arith.muli %arg1, %mul3A_78 : i32
    "tpu.region"() ({
      %run_scoped3A = tpu.sem_alloc : memref<!tpu.dma_semaphore, #tpu.memory_space<semaphore_mem>>
      %dma_start3A_80 = arith.constant 0 : i32
      %dma_start3A_81 = tpu.memref_slice %arg6[%add3A_77, %mul3A_79, %dma_start3A_80] : memref<2x10112x32xf32, #tpu.memory_space<hbm>> -> memref<1x632x32xf32, #tpu.memory_space<hbm>>
      %dma_start3A_82 = tpu.memref_squeeze %dma_start3A_81 : memref<1x632x32xf32, #tpu.memory_space<hbm>> -> memref<632x32xf32, #tpu.memory_space<hbm>>
      %dma_start3A_83 = arith.constant 0 : i32
      %dma_start3A_84 = tpu.memref_slice %arg18[%mul3A_73, %dma_start3A_83] : memref<10112x32xf32, #tpu.memory_space<vmem_shared>> -> memref<632x32xf32, #tpu.memory_space<vmem_shared>>
      tpu.enqueue_dma source(%dma_start3A_84 : memref<632x32xf32, #tpu.memory_space<vmem_shared>>) target(%dma_start3A_82 : memref<632x32xf32, #tpu.memory_space<hbm>>) target_semaphore(%run_scoped3A : memref<!tpu.dma_semaphore, #tpu.memory_space<semaphore_mem>>)
      %dma_wait3A = arith.constant 0 : i32
      %dma_wait3A_85 = tpu.memref_slice %arg6[%add3A_77, %mul3A_79, %dma_wait3A] : memref<2x10112x32xf32, #tpu.memory_space<hbm>> -> memref<1x632x32xf32, #tpu.memory_space<hbm>>
      %dma_wait3A_86 = tpu.memref_squeeze %dma_wait3A_85 : memref<1x632x32xf32, #tpu.memory_space<hbm>> -> memref<632x32xf32, #tpu.memory_space<hbm>>
      %dma_wait3A_87 = arith.constant 0 : i32
      %dma_wait3A_88 = tpu.memref_slice %arg18[%mul3A_73, %dma_wait3A_87] : memref<10112x32xf32, #tpu.memory_space<vmem_shared>> -> memref<632x32xf32, #tpu.memory_space<vmem_shared>>
      tpu.wait_dma2 semaphore(%run_scoped3A : memref<!tpu.dma_semaphore, #tpu.memory_space<semaphore_mem>>) src(%dma_wait3A_88 : memref<632x32xf32, #tpu.memory_space<vmem_shared>>) dst(%dma_wait3A_86 : memref<632x32xf32, #tpu.memory_space<hbm>>)
      tpu.yield
    }) : () -> ()
    return
  }
}

#map = affine_map<(d0, d1) -> (0, 0, 0)>
#map1 = affine_map<(d0, d1) -> (0, 0)>
module attributes {stable_mosaic.version = 14 : i64} {
  func.func @_deg_kernel(%arg0: i32, %arg1: i32, %arg2: memref<16x160x128xi32, #tpu.memory_space<hbm>>, %arg3: memref<32x10112xf32, #tpu.memory_space<hbm>>, %arg4: memref<80x128xi32, #tpu.memory_space<vmem>>, %arg5: memref<10112xf32, #tpu.memory_space<vmem>>) attributes {dimension_semantics = [#tpu.dimension_semantics<core_parallel>, #tpu.dimension_semantics<subcore_parallel>], iteration_bounds = array<i64: 2, 16>, scalar_prefetch = 0 : i64, scratch_operands = 2 : i64, tpu.core_type = #tpu.core_type<sc_vector_subcore>, window_params = [{transform_indices = #map}, {transform_indices = #map1}]} {
    %mul3A = arith.constant 16 : i32
    %mul3A_0 = arith.muli %arg0, %mul3A : i32
    %add3A = arith.addi %mul3A_0, %arg1 : i32
    %mul3A_1 = arith.constant 80 : i32
    %mul3A_2 = arith.muli %arg0, %mul3A_1 : i32
    "tpu.region"() ({
      %run_scoped3A = tpu.sem_alloc : memref<!tpu.dma_semaphore, #tpu.memory_space<semaphore_mem>>
      %dma_start3A = arith.constant 0 : i32
      %dma_start3A_19 = tpu.memref_slice %arg2[%arg1, %mul3A_2, %dma_start3A] : memref<16x160x128xi32, #tpu.memory_space<hbm>> -> memref<1x80x128xi32, #tpu.memory_space<hbm>>
      %dma_start3A_20 = tpu.memref_squeeze %dma_start3A_19 : memref<1x80x128xi32, #tpu.memory_space<hbm>> -> memref<80x128xi32, #tpu.memory_space<hbm>>
      %dma_start3A_21 = arith.constant 0 : i32
      %dma_start3A_22 = tpu.memref_slice %arg2[%arg1, %mul3A_2, %dma_start3A_21] : memref<16x160x128xi32, #tpu.memory_space<hbm>> -> memref<1x80x128xi32, #tpu.memory_space<hbm>>
      %dma_start3A_23 = tpu.memref_squeeze %dma_start3A_22 : memref<1x80x128xi32, #tpu.memory_space<hbm>> -> memref<80x128xi32, #tpu.memory_space<hbm>>
      tpu.enqueue_dma source(%dma_start3A_23 : memref<80x128xi32, #tpu.memory_space<hbm>>) target(%arg4 : memref<80x128xi32, #tpu.memory_space<vmem>>) target_semaphore(%run_scoped3A : memref<!tpu.dma_semaphore, #tpu.memory_space<semaphore_mem>>)
      %dma_wait3A = arith.constant 0 : i32
      %dma_wait3A_24 = tpu.memref_slice %arg2[%arg1, %mul3A_2, %dma_wait3A] : memref<16x160x128xi32, #tpu.memory_space<hbm>> -> memref<1x80x128xi32, #tpu.memory_space<hbm>>
      %dma_wait3A_25 = tpu.memref_squeeze %dma_wait3A_24 : memref<1x80x128xi32, #tpu.memory_space<hbm>> -> memref<80x128xi32, #tpu.memory_space<hbm>>
      %dma_wait3A_26 = arith.constant 0 : i32
      %dma_wait3A_27 = tpu.memref_slice %arg2[%arg1, %mul3A_2, %dma_wait3A_26] : memref<16x160x128xi32, #tpu.memory_space<hbm>> -> memref<1x80x128xi32, #tpu.memory_space<hbm>>
      %dma_wait3A_28 = tpu.memref_squeeze %dma_wait3A_27 : memref<1x80x128xi32, #tpu.memory_space<hbm>> -> memref<80x128xi32, #tpu.memory_space<hbm>>
      tpu.wait_dma2 semaphore(%run_scoped3A : memref<!tpu.dma_semaphore, #tpu.memory_space<semaphore_mem>>) src(%dma_wait3A_28 : memref<80x128xi32, #tpu.memory_space<hbm>>) dst(%arg4 : memref<80x128xi32, #tpu.memory_space<vmem>>)
      tpu.yield
    }) : () -> ()
    %broadcast_in_dim3A = arith.constant 0.000000e+00 : f32
    %broadcast_in_dim3A_3 = vector.broadcast %broadcast_in_dim3A : f32 to vector<16xf32>
    %scan3A = arith.constant 0 : i32
    %scan3A_4 = arith.constant 0 : i32
    %scan3A_5 = arith.constant 632 : i32
    %scan3A_6 = arith.addi %scan3A_4, %scan3A_5 : i32
    %scan3A_7 = arith.constant 1 : i32
    %scan3A_8 = scf.for %scan3A_19 = %scan3A_4 to %scan3A_6 step %scan3A_7 iter_args(%scan3A_20 = %scan3A) -> (i32)  : i32 {
      %mul3A_21 = arith.constant 16 : i32
      %mul3A_22 = arith.muli %scan3A_19, %mul3A_21 : i32
      %swap3A = arith.index_cast %mul3A_22 : i32 to index
      %swap3A_23 = tpu.vector_load %arg5[%swap3A] {strides = array<i32>} : memref<10112xf32, #tpu.memory_space<vmem>>, vector<16xf32>,
      tpu.vector_store %arg5[%swap3A], %broadcast_in_dim3A_3 {strides = array<i32>} : memref<10112xf32, #tpu.memory_space<vmem>>, vector<16xf32>,
      %scan3A_24 = arith.constant 0 : i32
      scf.yield %scan3A_24 : i32
    }
    %scan3A_9 = arith.constant 632 : i32
    %broadcast_in_dim3A_10 = arith.constant 1.000000e+00 : f32
    %broadcast_in_dim3A_11 = vector.broadcast %broadcast_in_dim3A_10 : f32 to vector<16xf32>
    %scan3A_12 = arith.constant 0 : i32
    %scan3A_13 = arith.constant 0 : i32
    %scan3A_14 = arith.constant 640 : i32
    %scan3A_15 = arith.addi %scan3A_13, %scan3A_14 : i32
    %scan3A_16 = arith.constant 1 : i32
    %scan3A_17 = scf.for %scan3A_19 = %scan3A_13 to %scan3A_15 step %scan3A_16 iter_args(%scan3A_20 = %scan3A_12) -> (i32)  : i32 {
      %jit3A = arith.constant 8 : i32
      %eq3A = arith.constant 0 : i32
      %eq3A_21 = arith.cmpi eq, %jit3A, %eq3A : i32
      %jit3A_22 = arith.constant 1 : i32
      %select_n3A = arith.select %eq3A_21, %jit3A_22, %jit3A : i32
      %rem3A = arith.remsi %scan3A_19, %select_n3A : i32
      %ne3A = arith.constant 0 : i32
      %ne3A_23 = arith.cmpi ne, %rem3A, %ne3A : i32
      %lt3A = arith.constant 0 : i32
      %lt3A_24 = arith.cmpi slt, %rem3A, %lt3A : i32
      %lt3A_25 = arith.constant 0 : i32
      %lt3A_26 = arith.cmpi slt, %select_n3A, %lt3A_25 : i32
      %ne3A_27 = arith.xori %lt3A_24, %lt3A_26 : i1
      %and3A = arith.andi %ne3A_27, %ne3A_23 : i1
      %add3A_28 = arith.addi %rem3A, %select_n3A : i32
      %select_n3A_29 = arith.select %and3A, %add3A_28, %rem3A : i32
      %mul3A_30 = arith.constant 16 : i32
      %mul3A_31 = arith.muli %select_n3A_29, %mul3A_30 : i32
      %multiple_of3A = tpu.assume_multiple %mul3A_31, 16 : i32
      %jit3A_32 = arith.constant 8 : i32
      %div3A = arith.divsi %scan3A_19, %jit3A_32 : i32
      %sign3A = arith.constant 0 : i32
      %sign3A_33 = arith.cmpi sgt, %scan3A_19, %sign3A : i32
      %sign3A_34 = arith.extui %sign3A_33 : i1 to i32
      %sign3A_35 = arith.constant 0 : i32
      %sign3A_36 = arith.cmpi slt, %scan3A_19, %sign3A_35 : i32
      %sign3A_37 = arith.extui %sign3A_36 : i1 to i32
      %sign3A_38 = arith.subi %sign3A_34, %sign3A_37 : i32
      %sign3A_39 = arith.constant 0 : i32
      %sign3A_40 = arith.cmpi sgt, %jit3A_32, %sign3A_39 : i32
      %sign3A_41 = arith.extui %sign3A_40 : i1 to i32
      %sign3A_42 = arith.constant 0 : i32
      %sign3A_43 = arith.cmpi slt, %jit3A_32, %sign3A_42 : i32
      %sign3A_44 = arith.extui %sign3A_43 : i1 to i32
      %sign3A_45 = arith.subi %sign3A_41, %sign3A_44 : i32
      %ne3A_46 = arith.cmpi ne, %sign3A_38, %sign3A_45 : i32
      %rem3A_47 = arith.remsi %scan3A_19, %jit3A_32 : i32
      %ne3A_48 = arith.constant 0 : i32
      %ne3A_49 = arith.cmpi ne, %rem3A_47, %ne3A_48 : i32
      %and3A_50 = arith.andi %ne3A_46, %ne3A_49 : i1
      %sub3A = arith.constant 1 : i32
      %sub3A_51 = arith.subi %div3A, %sub3A : i32
      %select_n3A_52 = arith.select %and3A_50, %sub3A_51, %div3A : i32
      %get3A = arith.index_cast %select_n3A_52 : i32 to index
      %get3A_53 = arith.index_cast %multiple_of3A : i32 to index
      %get3A_54 = tpu.vector_load %arg4[%get3A, %get3A_53] {strides = array<i32>} : memref<80x128xi32, #tpu.memory_space<vmem>>, vector<16xi32>,
      tpu.vector_store_idx %arg5[%get3A_54], %broadcast_in_dim3A_11 {add = true} : memref<10112xf32, #tpu.memory_space<vmem>>[vector<16xi32>], vector<16xf32>,
      %scan3A_55 = arith.constant 0 : i32
      scf.yield %scan3A_55 : i32
    }
    %scan3A_18 = arith.constant 640 : i32
    "tpu.region"() ({
      %run_scoped3A = tpu.sem_alloc : memref<!tpu.dma_semaphore, #tpu.memory_space<semaphore_mem>>
      %dma_start3A = arith.constant 0 : i32
      %dma_start3A_19 = tpu.memref_slice %arg3[%add3A, %dma_start3A] : memref<32x10112xf32, #tpu.memory_space<hbm>> -> memref<1x10112xf32, #tpu.memory_space<hbm>>
      %dma_start3A_20 = tpu.memref_squeeze %dma_start3A_19 : memref<1x10112xf32, #tpu.memory_space<hbm>> -> memref<10112xf32, #tpu.memory_space<hbm>>
      %dma_start3A_21 = arith.constant 0 : i32
      %dma_start3A_22 = tpu.memref_slice %arg3[%add3A, %dma_start3A_21] : memref<32x10112xf32, #tpu.memory_space<hbm>> -> memref<1x10112xf32, #tpu.memory_space<hbm>>
      %dma_start3A_23 = tpu.memref_squeeze %dma_start3A_22 : memref<1x10112xf32, #tpu.memory_space<hbm>> -> memref<10112xf32, #tpu.memory_space<hbm>>
      tpu.enqueue_dma source(%arg5 : memref<10112xf32, #tpu.memory_space<vmem>>) target(%dma_start3A_23 : memref<10112xf32, #tpu.memory_space<hbm>>) target_semaphore(%run_scoped3A : memref<!tpu.dma_semaphore, #tpu.memory_space<semaphore_mem>>)
      %dma_wait3A = arith.constant 0 : i32
      %dma_wait3A_24 = tpu.memref_slice %arg3[%add3A, %dma_wait3A] : memref<32x10112xf32, #tpu.memory_space<hbm>> -> memref<1x10112xf32, #tpu.memory_space<hbm>>
      %dma_wait3A_25 = tpu.memref_squeeze %dma_wait3A_24 : memref<1x10112xf32, #tpu.memory_space<hbm>> -> memref<10112xf32, #tpu.memory_space<hbm>>
      %dma_wait3A_26 = arith.constant 0 : i32
      %dma_wait3A_27 = tpu.memref_slice %arg3[%add3A, %dma_wait3A_26] : memref<32x10112xf32, #tpu.memory_space<hbm>> -> memref<1x10112xf32, #tpu.memory_space<hbm>>
      %dma_wait3A_28 = tpu.memref_squeeze %dma_wait3A_27 : memref<1x10112xf32, #tpu.memory_space<hbm>> -> memref<10112xf32, #tpu.memory_space<hbm>>
      tpu.wait_dma2 semaphore(%run_scoped3A : memref<!tpu.dma_semaphore, #tpu.memory_space<semaphore_mem>>) src(%arg5 : memref<10112xf32, #tpu.memory_space<vmem>>) dst(%dma_wait3A_28 : memref<10112xf32, #tpu.memory_space<hbm>>)
      tpu.yield
    }) : () -> ()
    return
  }
}

#map = affine_map<(d0, d1) -> (0, 0, 0)>
#map1 = affine_map<(d0, d1) -> (0, 0)>
module attributes {stable_mosaic.version = 14 : i64} {
  func.func @_agg(%arg0: i32, %arg1: i32, %arg2: memref<4x10000x32xf32, #tpu.memory_space<hbm>>, %arg3: memref<16x160x128xi32, #tpu.memory_space<hbm>>, %arg4: memref<16x160x128xi32, #tpu.memory_space<hbm>>, %arg5: memref<10112x32xf32, #tpu.memory_space<hbm>>, %arg6: memref<4x10112x32xf32, #tpu.memory_space<hbm>>, %arg7: memref<160x128xi32, #tpu.memory_space<vmem>>, %arg8: memref<160x128xi32, #tpu.memory_space<vmem>>, %arg9: memref<128x32xf32, #tpu.memory_space<vmem>>, %arg10: memref<128x32xf32, #tpu.memory_space<vmem>>, %arg11: memref<128x32xf32, #tpu.memory_space<vmem>>, %arg12: memref<128x32xf32, #tpu.memory_space<vmem>>, %arg13: memref<128x32xf32, #tpu.memory_space<vmem>>, %arg14: memref<128x32xf32, #tpu.memory_space<vmem>>, %arg15: memref<128x32xf32, #tpu.memory_space<vmem>>, %arg16: memref<128x32xf32, #tpu.memory_space<vmem>>, %arg17: memref<10000x32xf32, #tpu.memory_space<vmem_shared>>, %arg18: memref<10112x32xf32, #tpu.memory_space<vmem_shared>>, %arg19: memref<!tpu.dma_semaphore, #tpu.memory_space<semaphore_mem>>, %arg20: memref<!tpu.dma_semaphore, #tpu.memory_space<semaphore_mem>>, %arg21: memref<!tpu.dma_semaphore, #tpu.memory_space<semaphore_mem>>, %arg22: memref<!tpu.dma_semaphore, #tpu.memory_space<semaphore_mem>>, %arg23: memref<!tpu.dma_semaphore, #tpu.memory_space<semaphore_mem>>, %arg24: memref<!tpu.dma_semaphore, #tpu.memory_space<semaphore_mem>>, %arg25: memref<!tpu.dma_semaphore, #tpu.memory_space<semaphore_mem>>, %arg26: memref<!tpu.dma_semaphore, #tpu.memory_space<semaphore_mem>>, %arg27: memref<!tpu.dma_semaphore, #tpu.memory_space<semaphore_mem>>, %arg28: memref<!tpu.dma_semaphore, #tpu.memory_space<semaphore_mem>>, %arg29: memref<!tpu.dma_semaphore, #tpu.memory_space<semaphore_mem>>, %arg30: memref<!tpu.dma_semaphore, #tpu.memory_space<semaphore_mem>>, %arg31: memref<!tpu.dma_semaphore, #tpu.memory_space<semaphore_mem>>, %arg32: memref<!tpu.dma_semaphore, #tpu.memory_space<semaphore_mem>>, %arg33: memref<!tpu.dma_semaphore, #tpu.memory_space<semaphore_mem>>, %arg34: memref<!tpu.dma_semaphore, #tpu.memory_space<semaphore_mem>>) attributes {dimension_semantics = [#tpu.dimension_semantics<core_parallel>, #tpu.dimension_semantics<subcore_parallel>], iteration_bounds = array<i64: 2, 16>, scalar_prefetch = 0 : i64, scratch_operands = 28 : i64, tpu.core_type = #tpu.core_type<sc_vector_subcore>, window_params = [{transform_indices = #map}, {transform_indices = #map}, {transform_indices = #map}, {transform_indices = #map1}, {transform_indices = #map}]} {
    "tpu.region"() ({
      %run_scoped3A = tpu.sem_alloc : memref<!tpu.dma_semaphore, #tpu.memory_space<semaphore_mem>>
      %dma_start3A_165 = arith.constant 0 : i32
      %dma_start3A_166 = arith.constant 0 : i32
      %dma_start3A_167 = tpu.memref_slice %arg3[%arg1, %dma_start3A_165, %dma_start3A_166] : memref<16x160x128xi32, #tpu.memory_space<hbm>> -> memref<1x160x128xi32, #tpu.memory_space<hbm>>
      %dma_start3A_168 = tpu.memref_squeeze %dma_start3A_167 : memref<1x160x128xi32, #tpu.memory_space<hbm>> -> memref<160x128xi32, #tpu.memory_space<hbm>>
      %dma_start3A_169 = arith.constant 0 : i32
      %dma_start3A_170 = arith.constant 0 : i32
      %dma_start3A_171 = tpu.memref_slice %arg3[%arg1, %dma_start3A_169, %dma_start3A_170] : memref<16x160x128xi32, #tpu.memory_space<hbm>> -> memref<1x160x128xi32, #tpu.memory_space<hbm>>
      %dma_start3A_172 = tpu.memref_squeeze %dma_start3A_171 : memref<1x160x128xi32, #tpu.memory_space<hbm>> -> memref<160x128xi32, #tpu.memory_space<hbm>>
      tpu.enqueue_dma source(%dma_start3A_172 : memref<160x128xi32, #tpu.memory_space<hbm>>) target(%arg7 : memref<160x128xi32, #tpu.memory_space<vmem>>) target_semaphore(%run_scoped3A : memref<!tpu.dma_semaphore, #tpu.memory_space<semaphore_mem>>)
      %dma_wait3A = arith.constant 0 : i32
      %dma_wait3A_173 = arith.constant 0 : i32
      %dma_wait3A_174 = tpu.memref_slice %arg3[%arg1, %dma_wait3A, %dma_wait3A_173] : memref<16x160x128xi32, #tpu.memory_space<hbm>> -> memref<1x160x128xi32, #tpu.memory_space<hbm>>
      %dma_wait3A_175 = tpu.memref_squeeze %dma_wait3A_174 : memref<1x160x128xi32, #tpu.memory_space<hbm>> -> memref<160x128xi32, #tpu.memory_space<hbm>>
      %dma_wait3A_176 = arith.constant 0 : i32
      %dma_wait3A_177 = arith.constant 0 : i32
      %dma_wait3A_178 = tpu.memref_slice %arg3[%arg1, %dma_wait3A_176, %dma_wait3A_177] : memref<16x160x128xi32, #tpu.memory_space<hbm>> -> memref<1x160x128xi32, #tpu.memory_space<hbm>>
      %dma_wait3A_179 = tpu.memref_squeeze %dma_wait3A_178 : memref<1x160x128xi32, #tpu.memory_space<hbm>> -> memref<160x128xi32, #tpu.memory_space<hbm>>
      tpu.wait_dma2 semaphore(%run_scoped3A : memref<!tpu.dma_semaphore, #tpu.memory_space<semaphore_mem>>) src(%dma_wait3A_179 : memref<160x128xi32, #tpu.memory_space<hbm>>) dst(%arg7 : memref<160x128xi32, #tpu.memory_space<vmem>>)
      tpu.yield
    }) : () -> ()
    "tpu.region"() ({
      %run_scoped3A = tpu.sem_alloc : memref<!tpu.dma_semaphore, #tpu.memory_space<semaphore_mem>>
      %dma_start3A_165 = arith.constant 0 : i32
      %dma_start3A_166 = arith.constant 0 : i32
      %dma_start3A_167 = tpu.memref_slice %arg4[%arg1, %dma_start3A_165, %dma_start3A_166] : memref<16x160x128xi32, #tpu.memory_space<hbm>> -> memref<1x160x128xi32, #tpu.memory_space<hbm>>
      %dma_start3A_168 = tpu.memref_squeeze %dma_start3A_167 : memref<1x160x128xi32, #tpu.memory_space<hbm>> -> memref<160x128xi32, #tpu.memory_space<hbm>>
      %dma_start3A_169 = arith.constant 0 : i32
      %dma_start3A_170 = arith.constant 0 : i32
      %dma_start3A_171 = tpu.memref_slice %arg4[%arg1, %dma_start3A_169, %dma_start3A_170] : memref<16x160x128xi32, #tpu.memory_space<hbm>> -> memref<1x160x128xi32, #tpu.memory_space<hbm>>
      %dma_start3A_172 = tpu.memref_squeeze %dma_start3A_171 : memref<1x160x128xi32, #tpu.memory_space<hbm>> -> memref<160x128xi32, #tpu.memory_space<hbm>>
      tpu.enqueue_dma source(%dma_start3A_172 : memref<160x128xi32, #tpu.memory_space<hbm>>) target(%arg8 : memref<160x128xi32, #tpu.memory_space<vmem>>) target_semaphore(%run_scoped3A : memref<!tpu.dma_semaphore, #tpu.memory_space<semaphore_mem>>)
      %dma_wait3A = arith.constant 0 : i32
      %dma_wait3A_173 = arith.constant 0 : i32
      %dma_wait3A_174 = tpu.memref_slice %arg4[%arg1, %dma_wait3A, %dma_wait3A_173] : memref<16x160x128xi32, #tpu.memory_space<hbm>> -> memref<1x160x128xi32, #tpu.memory_space<hbm>>
      %dma_wait3A_175 = tpu.memref_squeeze %dma_wait3A_174 : memref<1x160x128xi32, #tpu.memory_space<hbm>> -> memref<160x128xi32, #tpu.memory_space<hbm>>
      %dma_wait3A_176 = arith.constant 0 : i32
      %dma_wait3A_177 = arith.constant 0 : i32
      %dma_wait3A_178 = tpu.memref_slice %arg4[%arg1, %dma_wait3A_176, %dma_wait3A_177] : memref<16x160x128xi32, #tpu.memory_space<hbm>> -> memref<1x160x128xi32, #tpu.memory_space<hbm>>
      %dma_wait3A_179 = tpu.memref_squeeze %dma_wait3A_178 : memref<1x160x128xi32, #tpu.memory_space<hbm>> -> memref<160x128xi32, #tpu.memory_space<hbm>>
      tpu.wait_dma2 semaphore(%run_scoped3A : memref<!tpu.dma_semaphore, #tpu.memory_space<semaphore_mem>>) src(%dma_wait3A_179 : memref<160x128xi32, #tpu.memory_space<hbm>>) dst(%arg8 : memref<160x128xi32, #tpu.memory_space<vmem>>)
      tpu.yield
    }) : () -> ()
    %mul3A = arith.constant 2 : i32
    %mul3A_0 = arith.muli %arg0, %mul3A : i32
    %add3A = arith.constant 0 : i32
    %add3A_1 = arith.addi %mul3A_0, %add3A : i32
    %mul3A_2 = arith.constant 625 : i32
    %mul3A_3 = arith.muli %arg1, %mul3A_2 : i32
    %mul3A_4 = arith.constant 625 : i32
    %mul3A_5 = arith.muli %arg1, %mul3A_4 : i32
    "tpu.region"() ({
      %run_scoped3A = tpu.sem_alloc : memref<!tpu.dma_semaphore, #tpu.memory_space<semaphore_mem>>
      %dma_start3A_165 = arith.constant 0 : i32
      %dma_start3A_166 = tpu.memref_slice %arg17[%mul3A_5, %dma_start3A_165] : memref<10000x32xf32, #tpu.memory_space<vmem_shared>> -> memref<625x32xf32, #tpu.memory_space<vmem_shared>>
      %dma_start3A_167 = arith.constant 0 : i32
      %dma_start3A_168 = tpu.memref_slice %arg2[%add3A_1, %mul3A_3, %dma_start3A_167] : memref<4x10000x32xf32, #tpu.memory_space<hbm>> -> memref<1x625x32xf32, #tpu.memory_space<hbm>>
      %dma_start3A_169 = tpu.memref_squeeze %dma_start3A_168 : memref<1x625x32xf32, #tpu.memory_space<hbm>> -> memref<625x32xf32, #tpu.memory_space<hbm>>
      tpu.enqueue_dma source(%dma_start3A_169 : memref<625x32xf32, #tpu.memory_space<hbm>>) target(%dma_start3A_166 : memref<625x32xf32, #tpu.memory_space<vmem_shared>>) target_semaphore(%run_scoped3A : memref<!tpu.dma_semaphore, #tpu.memory_space<semaphore_mem>>)
      %dma_wait3A = arith.constant 0 : i32
      %dma_wait3A_170 = tpu.memref_slice %arg17[%mul3A_5, %dma_wait3A] : memref<10000x32xf32, #tpu.memory_space<vmem_shared>> -> memref<625x32xf32, #tpu.memory_space<vmem_shared>>
      %dma_wait3A_171 = arith.constant 0 : i32
      %dma_wait3A_172 = tpu.memref_slice %arg2[%add3A_1, %mul3A_3, %dma_wait3A_171] : memref<4x10000x32xf32, #tpu.memory_space<hbm>> -> memref<1x625x32xf32, #tpu.memory_space<hbm>>
      %dma_wait3A_173 = tpu.memref_squeeze %dma_wait3A_172 : memref<1x625x32xf32, #tpu.memory_space<hbm>> -> memref<625x32xf32, #tpu.memory_space<hbm>>
      tpu.wait_dma2 semaphore(%run_scoped3A : memref<!tpu.dma_semaphore, #tpu.memory_space<semaphore_mem>>) src(%dma_wait3A_173 : memref<625x32xf32, #tpu.memory_space<hbm>>) dst(%dma_wait3A_170 : memref<625x32xf32, #tpu.memory_space<vmem_shared>>)
      tpu.yield
    }) : () -> ()
    %mul3A_6 = arith.constant 632 : i32
    %mul3A_7 = arith.muli %arg1, %mul3A_6 : i32
    %mul3A_8 = arith.constant 632 : i32
    %mul3A_9 = arith.muli %arg1, %mul3A_8 : i32
    "tpu.region"() ({
      %run_scoped3A = tpu.sem_alloc : memref<!tpu.dma_semaphore, #tpu.memory_space<semaphore_mem>>
      %dma_start3A_165 = arith.constant 0 : i32
      %dma_start3A_166 = tpu.memref_slice %arg18[%mul3A_9, %dma_start3A_165] : memref<10112x32xf32, #tpu.memory_space<vmem_shared>> -> memref<632x32xf32, #tpu.memory_space<vmem_shared>>
      %dma_start3A_167 = arith.constant 0 : i32
      %dma_start3A_168 = tpu.memref_slice %arg5[%mul3A_7, %dma_start3A_167] : memref<10112x32xf32, #tpu.memory_space<hbm>> -> memref<632x32xf32, #tpu.memory_space<hbm>>
      tpu.enqueue_dma source(%dma_start3A_168 : memref<632x32xf32, #tpu.memory_space<hbm>>) target(%dma_start3A_166 : memref<632x32xf32, #tpu.memory_space<vmem_shared>>) target_semaphore(%run_scoped3A : memref<!tpu.dma_semaphore, #tpu.memory_space<semaphore_mem>>)
      %dma_wait3A = arith.constant 0 : i32
      %dma_wait3A_169 = tpu.memref_slice %arg18[%mul3A_9, %dma_wait3A] : memref<10112x32xf32, #tpu.memory_space<vmem_shared>> -> memref<632x32xf32, #tpu.memory_space<vmem_shared>>
      %dma_wait3A_170 = arith.constant 0 : i32
      %dma_wait3A_171 = tpu.memref_slice %arg5[%mul3A_7, %dma_wait3A_170] : memref<10112x32xf32, #tpu.memory_space<hbm>> -> memref<632x32xf32, #tpu.memory_space<hbm>>
      tpu.wait_dma2 semaphore(%run_scoped3A : memref<!tpu.dma_semaphore, #tpu.memory_space<semaphore_mem>>) src(%dma_wait3A_171 : memref<632x32xf32, #tpu.memory_space<hbm>>) dst(%dma_wait3A_169 : memref<632x32xf32, #tpu.memory_space<vmem_shared>>)
      tpu.yield
    }) : () -> ()
    %barrier3A = arith.constant 0 : index
    tpu.barrier barrier_id(%barrier3A)
    %dma_start3A = arith.constant 0 : i32
    %dma_start3A_10 = arith.constant 0 : i32
    %dma_start3A_11 = tpu.memref_slice %arg7[%dma_start3A, %dma_start3A_10] : memref<160x128xi32, #tpu.memory_space<vmem>> -> memref<1x128xi32, #tpu.memory_space<vmem>>
    %dma_start3A_12 = tpu.memref_squeeze %dma_start3A_11 : memref<1x128xi32, #tpu.memory_space<vmem>> -> memref<128xi32, #tpu.memory_space<vmem>>
    %dma_start3A_13 = arith.constant 0 : i32
    %dma_start3A_14 = arith.constant 0 : i32
    %dma_start3A_15 = tpu.memref_slice %arg17[%dma_start3A_13, %dma_start3A_14] : memref<10000x32xf32, #tpu.memory_space<vmem_shared>> -> memref<10000x32xf32, #tpu.memory_space<vmem_shared>>
    tpu.enqueue_indirect_dma source(%dma_start3A_15 : memref<10000x32xf32, #tpu.memory_space<vmem_shared>>) target(%arg9 : memref<128x32xf32, #tpu.memory_space<vmem>>) offsets(%dma_start3A_12 : memref<128xi32, #tpu.memory_space<vmem>>) semaphore(%arg19 : memref<!tpu.dma_semaphore, #tpu.memory_space<semaphore_mem>>)
    %dma_start3A_16 = arith.constant 1 : i32
    %dma_start3A_17 = arith.constant 0 : i32
    %dma_start3A_18 = tpu.memref_slice %arg7[%dma_start3A_16, %dma_start3A_17] : memref<160x128xi32, #tpu.memory_space<vmem>> -> memref<1x128xi32, #tpu.memory_space<vmem>>
    %dma_start3A_19 = tpu.memref_squeeze %dma_start3A_18 : memref<1x128xi32, #tpu.memory_space<vmem>> -> memref<128xi32, #tpu.memory_space<vmem>>
    %dma_start3A_20 = arith.constant 0 : i32
    %dma_start3A_21 = arith.constant 0 : i32
    %dma_start3A_22 = tpu.memref_slice %arg17[%dma_start3A_20, %dma_start3A_21] : memref<10000x32xf32, #tpu.memory_space<vmem_shared>> -> memref<10000x32xf32, #tpu.memory_space<vmem_shared>>
    tpu.enqueue_indirect_dma source(%dma_start3A_22 : memref<10000x32xf32, #tpu.memory_space<vmem_shared>>) target(%arg10 : memref<128x32xf32, #tpu.memory_space<vmem>>) offsets(%dma_start3A_19 : memref<128xi32, #tpu.memory_space<vmem>>) semaphore(%arg20 : memref<!tpu.dma_semaphore, #tpu.memory_space<semaphore_mem>>)
    %dma_start3A_23 = arith.constant 2 : i32
    %dma_start3A_24 = arith.constant 0 : i32
    %dma_start3A_25 = tpu.memref_slice %arg7[%dma_start3A_23, %dma_start3A_24] : memref<160x128xi32, #tpu.memory_space<vmem>> -> memref<1x128xi32, #tpu.memory_space<vmem>>
    %dma_start3A_26 = tpu.memref_squeeze %dma_start3A_25 : memref<1x128xi32, #tpu.memory_space<vmem>> -> memref<128xi32, #tpu.memory_space<vmem>>
    %dma_start3A_27 = arith.constant 0 : i32
    %dma_start3A_28 = arith.constant 0 : i32
    %dma_start3A_29 = tpu.memref_slice %arg17[%dma_start3A_27, %dma_start3A_28] : memref<10000x32xf32, #tpu.memory_space<vmem_shared>> -> memref<10000x32xf32, #tpu.memory_space<vmem_shared>>
    tpu.enqueue_indirect_dma source(%dma_start3A_29 : memref<10000x32xf32, #tpu.memory_space<vmem_shared>>) target(%arg11 : memref<128x32xf32, #tpu.memory_space<vmem>>) offsets(%dma_start3A_26 : memref<128xi32, #tpu.memory_space<vmem>>) semaphore(%arg21 : memref<!tpu.dma_semaphore, #tpu.memory_space<semaphore_mem>>)
    %dma_start3A_30 = arith.constant 3 : i32
    %dma_start3A_31 = arith.constant 0 : i32
    %dma_start3A_32 = tpu.memref_slice %arg7[%dma_start3A_30, %dma_start3A_31] : memref<160x128xi32, #tpu.memory_space<vmem>> -> memref<1x128xi32, #tpu.memory_space<vmem>>
    %dma_start3A_33 = tpu.memref_squeeze %dma_start3A_32 : memref<1x128xi32, #tpu.memory_space<vmem>> -> memref<128xi32, #tpu.memory_space<vmem>>
    %dma_start3A_34 = arith.constant 0 : i32
    %dma_start3A_35 = arith.constant 0 : i32
    %dma_start3A_36 = tpu.memref_slice %arg17[%dma_start3A_34, %dma_start3A_35] : memref<10000x32xf32, #tpu.memory_space<vmem_shared>> -> memref<10000x32xf32, #tpu.memory_space<vmem_shared>>
    tpu.enqueue_indirect_dma source(%dma_start3A_36 : memref<10000x32xf32, #tpu.memory_space<vmem_shared>>) target(%arg12 : memref<128x32xf32, #tpu.memory_space<vmem>>) offsets(%dma_start3A_33 : memref<128xi32, #tpu.memory_space<vmem>>) semaphore(%arg22 : memref<!tpu.dma_semaphore, #tpu.memory_space<semaphore_mem>>)
    %dma_start3A_37 = arith.constant 4 : i32
    %dma_start3A_38 = arith.constant 0 : i32
    %dma_start3A_39 = tpu.memref_slice %arg7[%dma_start3A_37, %dma_start3A_38] : memref<160x128xi32, #tpu.memory_space<vmem>> -> memref<1x128xi32, #tpu.memory_space<vmem>>
    %dma_start3A_40 = tpu.memref_squeeze %dma_start3A_39 : memref<1x128xi32, #tpu.memory_space<vmem>> -> memref<128xi32, #tpu.memory_space<vmem>>
    %dma_start3A_41 = arith.constant 0 : i32
    %dma_start3A_42 = arith.constant 0 : i32
    %dma_start3A_43 = tpu.memref_slice %arg17[%dma_start3A_41, %dma_start3A_42] : memref<10000x32xf32, #tpu.memory_space<vmem_shared>> -> memref<10000x32xf32, #tpu.memory_space<vmem_shared>>
    tpu.enqueue_indirect_dma source(%dma_start3A_43 : memref<10000x32xf32, #tpu.memory_space<vmem_shared>>) target(%arg13 : memref<128x32xf32, #tpu.memory_space<vmem>>) offsets(%dma_start3A_40 : memref<128xi32, #tpu.memory_space<vmem>>) semaphore(%arg23 : memref<!tpu.dma_semaphore, #tpu.memory_space<semaphore_mem>>)
    %dma_start3A_44 = arith.constant 5 : i32
    %dma_start3A_45 = arith.constant 0 : i32
    %dma_start3A_46 = tpu.memref_slice %arg7[%dma_start3A_44, %dma_start3A_45] : memref<160x128xi32, #tpu.memory_space<vmem>> -> memref<1x128xi32, #tpu.memory_space<vmem>>
    %dma_start3A_47 = tpu.memref_squeeze %dma_start3A_46 : memref<1x128xi32, #tpu.memory_space<vmem>> -> memref<128xi32, #tpu.memory_space<vmem>>
    %dma_start3A_48 = arith.constant 0 : i32
    %dma_start3A_49 = arith.constant 0 : i32
    %dma_start3A_50 = tpu.memref_slice %arg17[%dma_start3A_48, %dma_start3A_49] : memref<10000x32xf32, #tpu.memory_space<vmem_shared>> -> memref<10000x32xf32, #tpu.memory_space<vmem_shared>>
    tpu.enqueue_indirect_dma source(%dma_start3A_50 : memref<10000x32xf32, #tpu.memory_space<vmem_shared>>) target(%arg14 : memref<128x32xf32, #tpu.memory_space<vmem>>) offsets(%dma_start3A_47 : memref<128xi32, #tpu.memory_space<vmem>>) semaphore(%arg24 : memref<!tpu.dma_semaphore, #tpu.memory_space<semaphore_mem>>)
    %dma_start3A_51 = arith.constant 6 : i32
    %dma_start3A_52 = arith.constant 0 : i32
    %dma_start3A_53 = tpu.memref_slice %arg7[%dma_start3A_51, %dma_start3A_52] : memref<160x128xi32, #tpu.memory_space<vmem>> -> memref<1x128xi32, #tpu.memory_space<vmem>>
    %dma_start3A_54 = tpu.memref_squeeze %dma_start3A_53 : memref<1x128xi32, #tpu.memory_space<vmem>> -> memref<128xi32, #tpu.memory_space<vmem>>
    %dma_start3A_55 = arith.constant 0 : i32
    %dma_start3A_56 = arith.constant 0 : i32
    %dma_start3A_57 = tpu.memref_slice %arg17[%dma_start3A_55, %dma_start3A_56] : memref<10000x32xf32, #tpu.memory_space<vmem_shared>> -> memref<10000x32xf32, #tpu.memory_space<vmem_shared>>
    tpu.enqueue_indirect_dma source(%dma_start3A_57 : memref<10000x32xf32, #tpu.memory_space<vmem_shared>>) target(%arg15 : memref<128x32xf32, #tpu.memory_space<vmem>>) offsets(%dma_start3A_54 : memref<128xi32, #tpu.memory_space<vmem>>) semaphore(%arg25 : memref<!tpu.dma_semaphore, #tpu.memory_space<semaphore_mem>>)
    %dma_start3A_58 = arith.constant 7 : i32
    %dma_start3A_59 = arith.constant 0 : i32
    %dma_start3A_60 = tpu.memref_slice %arg7[%dma_start3A_58, %dma_start3A_59] : memref<160x128xi32, #tpu.memory_space<vmem>> -> memref<1x128xi32, #tpu.memory_space<vmem>>
    %dma_start3A_61 = tpu.memref_squeeze %dma_start3A_60 : memref<1x128xi32, #tpu.memory_space<vmem>> -> memref<128xi32, #tpu.memory_space<vmem>>
    %dma_start3A_62 = arith.constant 0 : i32
    %dma_start3A_63 = arith.constant 0 : i32
    %dma_start3A_64 = tpu.memref_slice %arg17[%dma_start3A_62, %dma_start3A_63] : memref<10000x32xf32, #tpu.memory_space<vmem_shared>> -> memref<10000x32xf32, #tpu.memory_space<vmem_shared>>
    tpu.enqueue_indirect_dma source(%dma_start3A_64 : memref<10000x32xf32, #tpu.memory_space<vmem_shared>>) target(%arg16 : memref<128x32xf32, #tpu.memory_space<vmem>>) offsets(%dma_start3A_61 : memref<128xi32, #tpu.memory_space<vmem>>) semaphore(%arg26 : memref<!tpu.dma_semaphore, #tpu.memory_space<semaphore_mem>>)
    %scan3A = arith.constant 0 : i32
    %scan3A_65 = arith.constant 0 : i32
    %scan3A_66 = arith.constant 20 : i32
    %scan3A_67 = arith.addi %scan3A_65, %scan3A_66 : i32
    %scan3A_68 = arith.constant 1 : i32
    %scan3A_69 = scf.for %scan3A_165 = %scan3A_65 to %scan3A_67 step %scan3A_68 iter_args(%scan3A_166 = %scan3A) -> (i32)  : i32 {
      %mul3A_167 = arith.constant 8 : i32
      %mul3A_168 = arith.muli %mul3A_167, %scan3A_165 : i32
      %add3A_169 = arith.constant 0 : i32
      %add3A_170 = arith.addi %mul3A_168, %add3A_169 : i32
      %dma_wait3A = arith.constant 0 : i32
      %dma_wait3A_171 = tpu.memref_slice %arg7[%add3A_170, %dma_wait3A] : memref<160x128xi32, #tpu.memory_space<vmem>> -> memref<1x128xi32, #tpu.memory_space<vmem>>
      %dma_wait3A_172 = tpu.memref_squeeze %dma_wait3A_171 : memref<1x128xi32, #tpu.memory_space<vmem>> -> memref<128xi32, #tpu.memory_space<vmem>>
      %dma_wait3A_173 = arith.constant 0 : i32
      %dma_wait3A_174 = arith.constant 0 : i32
      %dma_wait3A_175 = tpu.memref_slice %arg17[%dma_wait3A_173, %dma_wait3A_174] : memref<10000x32xf32, #tpu.memory_space<vmem_shared>> -> memref<10000x32xf32, #tpu.memory_space<vmem_shared>>
      tpu.wait_indirect_dma semaphore(%arg19 : memref<!tpu.dma_semaphore, #tpu.memory_space<semaphore_mem>>) src(%dma_wait3A_175 : memref<10000x32xf32, #tpu.memory_space<vmem_shared>>) dst(%arg9 : memref<128x32xf32, #tpu.memory_space<vmem>>)
      %dma_start3A_176 = arith.constant 0 : i32
      %dma_start3A_177 = tpu.memref_slice %arg8[%add3A_170, %dma_start3A_176] : memref<160x128xi32, #tpu.memory_space<vmem>> -> memref<1x128xi32, #tpu.memory_space<vmem>>
      %dma_start3A_178 = tpu.memref_squeeze %dma_start3A_177 : memref<1x128xi32, #tpu.memory_space<vmem>> -> memref<128xi32, #tpu.memory_space<vmem>>
      %dma_start3A_179 = arith.constant 0 : i32
      %dma_start3A_180 = arith.constant 0 : i32
      %dma_start3A_181 = tpu.memref_slice %arg18[%dma_start3A_179, %dma_start3A_180] : memref<10112x32xf32, #tpu.memory_space<vmem_shared>> -> memref<10112x32xf32, #tpu.memory_space<vmem_shared>>
      tpu.enqueue_indirect_dma source(%arg9 : memref<128x32xf32, #tpu.memory_space<vmem>>) target(%dma_start3A_181 : memref<10112x32xf32, #tpu.memory_space<vmem_shared>>) offsets(%dma_start3A_178 : memref<128xi32, #tpu.memory_space<vmem>>) semaphore(%arg27 : memref<!tpu.dma_semaphore, #tpu.memory_space<semaphore_mem>>) {add = true}
      %add3A_182 = arith.constant 1 : i32
      %add3A_183 = arith.addi %mul3A_168, %add3A_182 : i32
      %dma_wait3A_184 = arith.constant 0 : i32
      %dma_wait3A_185 = tpu.memref_slice %arg7[%add3A_183, %dma_wait3A_184] : memref<160x128xi32, #tpu.memory_space<vmem>> -> memref<1x128xi32, #tpu.memory_space<vmem>>
      %dma_wait3A_186 = tpu.memref_squeeze %dma_wait3A_185 : memref<1x128xi32, #tpu.memory_space<vmem>> -> memref<128xi32, #tpu.memory_space<vmem>>
      %dma_wait3A_187 = arith.constant 0 : i32
      %dma_wait3A_188 = arith.constant 0 : i32
      %dma_wait3A_189 = tpu.memref_slice %arg17[%dma_wait3A_187, %dma_wait3A_188] : memref<10000x32xf32, #tpu.memory_space<vmem_shared>> -> memref<10000x32xf32, #tpu.memory_space<vmem_shared>>
      tpu.wait_indirect_dma semaphore(%arg20 : memref<!tpu.dma_semaphore, #tpu.memory_space<semaphore_mem>>) src(%dma_wait3A_189 : memref<10000x32xf32, #tpu.memory_space<vmem_shared>>) dst(%arg10 : memref<128x32xf32, #tpu.memory_space<vmem>>)
      %dma_start3A_190 = arith.constant 0 : i32
      %dma_start3A_191 = tpu.memref_slice %arg8[%add3A_183, %dma_start3A_190] : memref<160x128xi32, #tpu.memory_space<vmem>> -> memref<1x128xi32, #tpu.memory_space<vmem>>
      %dma_start3A_192 = tpu.memref_squeeze %dma_start3A_191 : memref<1x128xi32, #tpu.memory_space<vmem>> -> memref<128xi32, #tpu.memory_space<vmem>>
      %dma_start3A_193 = arith.constant 0 : i32
      %dma_start3A_194 = arith.constant 0 : i32
      %dma_start3A_195 = tpu.memref_slice %arg18[%dma_start3A_193, %dma_start3A_194] : memref<10112x32xf32, #tpu.memory_space<vmem_shared>> -> memref<10112x32xf32, #tpu.memory_space<vmem_shared>>
      tpu.enqueue_indirect_dma source(%arg10 : memref<128x32xf32, #tpu.memory_space<vmem>>) target(%dma_start3A_195 : memref<10112x32xf32, #tpu.memory_space<vmem_shared>>) offsets(%dma_start3A_192 : memref<128xi32, #tpu.memory_space<vmem>>) semaphore(%arg28 : memref<!tpu.dma_semaphore, #tpu.memory_space<semaphore_mem>>) {add = true}
      %add3A_196 = arith.constant 2 : i32
      %add3A_197 = arith.addi %mul3A_168, %add3A_196 : i32
      %dma_wait3A_198 = arith.constant 0 : i32
      %dma_wait3A_199 = tpu.memref_slice %arg7[%add3A_197, %dma_wait3A_198] : memref<160x128xi32, #tpu.memory_space<vmem>> -> memref<1x128xi32, #tpu.memory_space<vmem>>
      %dma_wait3A_200 = tpu.memref_squeeze %dma_wait3A_199 : memref<1x128xi32, #tpu.memory_space<vmem>> -> memref<128xi32, #tpu.memory_space<vmem>>
      %dma_wait3A_201 = arith.constant 0 : i32
      %dma_wait3A_202 = arith.constant 0 : i32
      %dma_wait3A_203 = tpu.memref_slice %arg17[%dma_wait3A_201, %dma_wait3A_202] : memref<10000x32xf32, #tpu.memory_space<vmem_shared>> -> memref<10000x32xf32, #tpu.memory_space<vmem_shared>>
      tpu.wait_indirect_dma semaphore(%arg21 : memref<!tpu.dma_semaphore, #tpu.memory_space<semaphore_mem>>) src(%dma_wait3A_203 : memref<10000x32xf32, #tpu.memory_space<vmem_shared>>) dst(%arg11 : memref<128x32xf32, #tpu.memory_space<vmem>>)
      %dma_start3A_204 = arith.constant 0 : i32
      %dma_start3A_205 = tpu.memref_slice %arg8[%add3A_197, %dma_start3A_204] : memref<160x128xi32, #tpu.memory_space<vmem>> -> memref<1x128xi32, #tpu.memory_space<vmem>>
      %dma_start3A_206 = tpu.memref_squeeze %dma_start3A_205 : memref<1x128xi32, #tpu.memory_space<vmem>> -> memref<128xi32, #tpu.memory_space<vmem>>
      %dma_start3A_207 = arith.constant 0 : i32
      %dma_start3A_208 = arith.constant 0 : i32
      %dma_start3A_209 = tpu.memref_slice %arg18[%dma_start3A_207, %dma_start3A_208] : memref<10112x32xf32, #tpu.memory_space<vmem_shared>> -> memref<10112x32xf32, #tpu.memory_space<vmem_shared>>
      tpu.enqueue_indirect_dma source(%arg11 : memref<128x32xf32, #tpu.memory_space<vmem>>) target(%dma_start3A_209 : memref<10112x32xf32, #tpu.memory_space<vmem_shared>>) offsets(%dma_start3A_206 : memref<128xi32, #tpu.memory_space<vmem>>) semaphore(%arg29 : memref<!tpu.dma_semaphore, #tpu.memory_space<semaphore_mem>>) {add = true}
      %add3A_210 = arith.constant 3 : i32
      %add3A_211 = arith.addi %mul3A_168, %add3A_210 : i32
      %dma_wait3A_212 = arith.constant 0 : i32
      %dma_wait3A_213 = tpu.memref_slice %arg7[%add3A_211, %dma_wait3A_212] : memref<160x128xi32, #tpu.memory_space<vmem>> -> memref<1x128xi32, #tpu.memory_space<vmem>>
      %dma_wait3A_214 = tpu.memref_squeeze %dma_wait3A_213 : memref<1x128xi32, #tpu.memory_space<vmem>> -> memref<128xi32, #tpu.memory_space<vmem>>
      %dma_wait3A_215 = arith.constant 0 : i32
      %dma_wait3A_216 = arith.constant 0 : i32
      %dma_wait3A_217 = tpu.memref_slice %arg17[%dma_wait3A_215, %dma_wait3A_216] : memref<10000x32xf32, #tpu.memory_space<vmem_shared>> -> memref<10000x32xf32, #tpu.memory_space<vmem_shared>>
      tpu.wait_indirect_dma semaphore(%arg22 : memref<!tpu.dma_semaphore, #tpu.memory_space<semaphore_mem>>) src(%dma_wait3A_217 : memref<10000x32xf32, #tpu.memory_space<vmem_shared>>) dst(%arg12 : memref<128x32xf32, #tpu.memory_space<vmem>>)
      %dma_start3A_218 = arith.constant 0 : i32
      %dma_start3A_219 = tpu.memref_slice %arg8[%add3A_211, %dma_start3A_218] : memref<160x128xi32, #tpu.memory_space<vmem>> -> memref<1x128xi32, #tpu.memory_space<vmem>>
      %dma_start3A_220 = tpu.memref_squeeze %dma_start3A_219 : memref<1x128xi32, #tpu.memory_space<vmem>> -> memref<128xi32, #tpu.memory_space<vmem>>
      %dma_start3A_221 = arith.constant 0 : i32
      %dma_start3A_222 = arith.constant 0 : i32
      %dma_start3A_223 = tpu.memref_slice %arg18[%dma_start3A_221, %dma_start3A_222] : memref<10112x32xf32, #tpu.memory_space<vmem_shared>> -> memref<10112x32xf32, #tpu.memory_space<vmem_shared>>
      tpu.enqueue_indirect_dma source(%arg12 : memref<128x32xf32, #tpu.memory_space<vmem>>) target(%dma_start3A_223 : memref<10112x32xf32, #tpu.memory_space<vmem_shared>>) offsets(%dma_start3A_220 : memref<128xi32, #tpu.memory_space<vmem>>) semaphore(%arg30 : memref<!tpu.dma_semaphore, #tpu.memory_space<semaphore_mem>>) {add = true}
      %add3A_224 = arith.constant 4 : i32
      %add3A_225 = arith.addi %mul3A_168, %add3A_224 : i32
      %dma_wait3A_226 = arith.constant 0 : i32
      %dma_wait3A_227 = tpu.memref_slice %arg7[%add3A_225, %dma_wait3A_226] : memref<160x128xi32, #tpu.memory_space<vmem>> -> memref<1x128xi32, #tpu.memory_space<vmem>>
      %dma_wait3A_228 = tpu.memref_squeeze %dma_wait3A_227 : memref<1x128xi32, #tpu.memory_space<vmem>> -> memref<128xi32, #tpu.memory_space<vmem>>
      %dma_wait3A_229 = arith.constant 0 : i32
      %dma_wait3A_230 = arith.constant 0 : i32
      %dma_wait3A_231 = tpu.memref_slice %arg17[%dma_wait3A_229, %dma_wait3A_230] : memref<10000x32xf32, #tpu.memory_space<vmem_shared>> -> memref<10000x32xf32, #tpu.memory_space<vmem_shared>>
      tpu.wait_indirect_dma semaphore(%arg23 : memref<!tpu.dma_semaphore, #tpu.memory_space<semaphore_mem>>) src(%dma_wait3A_231 : memref<10000x32xf32, #tpu.memory_space<vmem_shared>>) dst(%arg13 : memref<128x32xf32, #tpu.memory_space<vmem>>)
      %dma_start3A_232 = arith.constant 0 : i32
      %dma_start3A_233 = tpu.memref_slice %arg8[%add3A_225, %dma_start3A_232] : memref<160x128xi32, #tpu.memory_space<vmem>> -> memref<1x128xi32, #tpu.memory_space<vmem>>
      %dma_start3A_234 = tpu.memref_squeeze %dma_start3A_233 : memref<1x128xi32, #tpu.memory_space<vmem>> -> memref<128xi32, #tpu.memory_space<vmem>>
      %dma_start3A_235 = arith.constant 0 : i32
      %dma_start3A_236 = arith.constant 0 : i32
      %dma_start3A_237 = tpu.memref_slice %arg18[%dma_start3A_235, %dma_start3A_236] : memref<10112x32xf32, #tpu.memory_space<vmem_shared>> -> memref<10112x32xf32, #tpu.memory_space<vmem_shared>>
      tpu.enqueue_indirect_dma source(%arg13 : memref<128x32xf32, #tpu.memory_space<vmem>>) target(%dma_start3A_237 : memref<10112x32xf32, #tpu.memory_space<vmem_shared>>) offsets(%dma_start3A_234 : memref<128xi32, #tpu.memory_space<vmem>>) semaphore(%arg31 : memref<!tpu.dma_semaphore, #tpu.memory_space<semaphore_mem>>) {add = true}
      %add3A_238 = arith.constant 5 : i32
      %add3A_239 = arith.addi %mul3A_168, %add3A_238 : i32
      %dma_wait3A_240 = arith.constant 0 : i32
      %dma_wait3A_241 = tpu.memref_slice %arg7[%add3A_239, %dma_wait3A_240] : memref<160x128xi32, #tpu.memory_space<vmem>> -> memref<1x128xi32, #tpu.memory_space<vmem>>
      %dma_wait3A_242 = tpu.memref_squeeze %dma_wait3A_241 : memref<1x128xi32, #tpu.memory_space<vmem>> -> memref<128xi32, #tpu.memory_space<vmem>>
      %dma_wait3A_243 = arith.constant 0 : i32
      %dma_wait3A_244 = arith.constant 0 : i32
      %dma_wait3A_245 = tpu.memref_slice %arg17[%dma_wait3A_243, %dma_wait3A_244] : memref<10000x32xf32, #tpu.memory_space<vmem_shared>> -> memref<10000x32xf32, #tpu.memory_space<vmem_shared>>
      tpu.wait_indirect_dma semaphore(%arg24 : memref<!tpu.dma_semaphore, #tpu.memory_space<semaphore_mem>>) src(%dma_wait3A_245 : memref<10000x32xf32, #tpu.memory_space<vmem_shared>>) dst(%arg14 : memref<128x32xf32, #tpu.memory_space<vmem>>)
      %dma_start3A_246 = arith.constant 0 : i32
      %dma_start3A_247 = tpu.memref_slice %arg8[%add3A_239, %dma_start3A_246] : memref<160x128xi32, #tpu.memory_space<vmem>> -> memref<1x128xi32, #tpu.memory_space<vmem>>
      %dma_start3A_248 = tpu.memref_squeeze %dma_start3A_247 : memref<1x128xi32, #tpu.memory_space<vmem>> -> memref<128xi32, #tpu.memory_space<vmem>>
      %dma_start3A_249 = arith.constant 0 : i32
      %dma_start3A_250 = arith.constant 0 : i32
      %dma_start3A_251 = tpu.memref_slice %arg18[%dma_start3A_249, %dma_start3A_250] : memref<10112x32xf32, #tpu.memory_space<vmem_shared>> -> memref<10112x32xf32, #tpu.memory_space<vmem_shared>>
      tpu.enqueue_indirect_dma source(%arg14 : memref<128x32xf32, #tpu.memory_space<vmem>>) target(%dma_start3A_251 : memref<10112x32xf32, #tpu.memory_space<vmem_shared>>) offsets(%dma_start3A_248 : memref<128xi32, #tpu.memory_space<vmem>>) semaphore(%arg32 : memref<!tpu.dma_semaphore, #tpu.memory_space<semaphore_mem>>) {add = true}
      %add3A_252 = arith.constant 6 : i32
      %add3A_253 = arith.addi %mul3A_168, %add3A_252 : i32
      %dma_wait3A_254 = arith.constant 0 : i32
      %dma_wait3A_255 = tpu.memref_slice %arg7[%add3A_253, %dma_wait3A_254] : memref<160x128xi32, #tpu.memory_space<vmem>> -> memref<1x128xi32, #tpu.memory_space<vmem>>
      %dma_wait3A_256 = tpu.memref_squeeze %dma_wait3A_255 : memref<1x128xi32, #tpu.memory_space<vmem>> -> memref<128xi32, #tpu.memory_space<vmem>>
      %dma_wait3A_257 = arith.constant 0 : i32
      %dma_wait3A_258 = arith.constant 0 : i32
      %dma_wait3A_259 = tpu.memref_slice %arg17[%dma_wait3A_257, %dma_wait3A_258] : memref<10000x32xf32, #tpu.memory_space<vmem_shared>> -> memref<10000x32xf32, #tpu.memory_space<vmem_shared>>
      tpu.wait_indirect_dma semaphore(%arg25 : memref<!tpu.dma_semaphore, #tpu.memory_space<semaphore_mem>>) src(%dma_wait3A_259 : memref<10000x32xf32, #tpu.memory_space<vmem_shared>>) dst(%arg15 : memref<128x32xf32, #tpu.memory_space<vmem>>)
      %dma_start3A_260 = arith.constant 0 : i32
      %dma_start3A_261 = tpu.memref_slice %arg8[%add3A_253, %dma_start3A_260] : memref<160x128xi32, #tpu.memory_space<vmem>> -> memref<1x128xi32, #tpu.memory_space<vmem>>
      %dma_start3A_262 = tpu.memref_squeeze %dma_start3A_261 : memref<1x128xi32, #tpu.memory_space<vmem>> -> memref<128xi32, #tpu.memory_space<vmem>>
      %dma_start3A_263 = arith.constant 0 : i32
      %dma_start3A_264 = arith.constant 0 : i32
      %dma_start3A_265 = tpu.memref_slice %arg18[%dma_start3A_263, %dma_start3A_264] : memref<10112x32xf32, #tpu.memory_space<vmem_shared>> -> memref<10112x32xf32, #tpu.memory_space<vmem_shared>>
      tpu.enqueue_indirect_dma source(%arg15 : memref<128x32xf32, #tpu.memory_space<vmem>>) target(%dma_start3A_265 : memref<10112x32xf32, #tpu.memory_space<vmem_shared>>) offsets(%dma_start3A_262 : memref<128xi32, #tpu.memory_space<vmem>>) semaphore(%arg33 : memref<!tpu.dma_semaphore, #tpu.memory_space<semaphore_mem>>) {add = true}
      %add3A_266 = arith.constant 7 : i32
      %add3A_267 = arith.addi %mul3A_168, %add3A_266 : i32
      %dma_wait3A_268 = arith.constant 0 : i32
      %dma_wait3A_269 = tpu.memref_slice %arg7[%add3A_267, %dma_wait3A_268] : memref<160x128xi32, #tpu.memory_space<vmem>> -> memref<1x128xi32, #tpu.memory_space<vmem>>
      %dma_wait3A_270 = tpu.memref_squeeze %dma_wait3A_269 : memref<1x128xi32, #tpu.memory_space<vmem>> -> memref<128xi32, #tpu.memory_space<vmem>>
      %dma_wait3A_271 = arith.constant 0 : i32
      %dma_wait3A_272 = arith.constant 0 : i32
      %dma_wait3A_273 = tpu.memref_slice %arg17[%dma_wait3A_271, %dma_wait3A_272] : memref<10000x32xf32, #tpu.memory_space<vmem_shared>> -> memref<10000x32xf32, #tpu.memory_space<vmem_shared>>
      tpu.wait_indirect_dma semaphore(%arg26 : memref<!tpu.dma_semaphore, #tpu.memory_space<semaphore_mem>>) src(%dma_wait3A_273 : memref<10000x32xf32, #tpu.memory_space<vmem_shared>>) dst(%arg16 : memref<128x32xf32, #tpu.memory_space<vmem>>)
      %dma_start3A_274 = arith.constant 0 : i32
      %dma_start3A_275 = tpu.memref_slice %arg8[%add3A_267, %dma_start3A_274] : memref<160x128xi32, #tpu.memory_space<vmem>> -> memref<1x128xi32, #tpu.memory_space<vmem>>
      %dma_start3A_276 = tpu.memref_squeeze %dma_start3A_275 : memref<1x128xi32, #tpu.memory_space<vmem>> -> memref<128xi32, #tpu.memory_space<vmem>>
      %dma_start3A_277 = arith.constant 0 : i32
      %dma_start3A_278 = arith.constant 0 : i32
      %dma_start3A_279 = tpu.memref_slice %arg18[%dma_start3A_277, %dma_start3A_278] : memref<10112x32xf32, #tpu.memory_space<vmem_shared>> -> memref<10112x32xf32, #tpu.memory_space<vmem_shared>>
      tpu.enqueue_indirect_dma source(%arg16 : memref<128x32xf32, #tpu.memory_space<vmem>>) target(%dma_start3A_279 : memref<10112x32xf32, #tpu.memory_space<vmem_shared>>) offsets(%dma_start3A_276 : memref<128xi32, #tpu.memory_space<vmem>>) semaphore(%arg34 : memref<!tpu.dma_semaphore, #tpu.memory_space<semaphore_mem>>) {add = true}
      %add3A_280 = arith.constant 0 : i32
      %add3A_281 = arith.addi %mul3A_168, %add3A_280 : i32
      %dma_wait3A_282 = arith.constant 0 : i32
      %dma_wait3A_283 = tpu.memref_slice %arg8[%add3A_281, %dma_wait3A_282] : memref<160x128xi32, #tpu.memory_space<vmem>> -> memref<1x128xi32, #tpu.memory_space<vmem>>
      %dma_wait3A_284 = tpu.memref_squeeze %dma_wait3A_283 : memref<1x128xi32, #tpu.memory_space<vmem>> -> memref<128xi32, #tpu.memory_space<vmem>>
      %dma_wait3A_285 = arith.constant 0 : i32
      %dma_wait3A_286 = arith.constant 0 : i32
      %dma_wait3A_287 = tpu.memref_slice %arg18[%dma_wait3A_285, %dma_wait3A_286] : memref<10112x32xf32, #tpu.memory_space<vmem_shared>> -> memref<10112x32xf32, #tpu.memory_space<vmem_shared>>
      tpu.wait_indirect_dma semaphore(%arg27 : memref<!tpu.dma_semaphore, #tpu.memory_space<semaphore_mem>>) src(%arg9 : memref<128x32xf32, #tpu.memory_space<vmem>>) dst(%dma_wait3A_287 : memref<10112x32xf32, #tpu.memory_space<vmem_shared>>)
      %add3A_288 = arith.constant 8 : i32
      %add3A_289 = arith.addi %add3A_281, %add3A_288 : i32
      %lt3A = arith.constant 160 : i32
      %lt3A_290 = arith.cmpi slt, %add3A_289, %lt3A : i32
      %convert_element_type3A = arith.extui %lt3A_290 : i1 to i32
      %cond3A = arith.constant 0 : i32
      %cond3A_291 = arith.cmpi ne, %convert_element_type3A, %cond3A : i32
      scf.if %cond3A_291 {
        %add3A_398 = arith.constant 8 : i32
        %add3A_399 = arith.addi %add3A_281, %add3A_398 : i32
        %dma_start3A_400 = arith.constant 0 : i32
        %dma_start3A_401 = tpu.memref_slice %arg7[%add3A_399, %dma_start3A_400] : memref<160x128xi32, #tpu.memory_space<vmem>> -> memref<1x128xi32, #tpu.memory_space<vmem>>
        %dma_start3A_402 = tpu.memref_squeeze %dma_start3A_401 : memref<1x128xi32, #tpu.memory_space<vmem>> -> memref<128xi32, #tpu.memory_space<vmem>>
        %dma_start3A_403 = arith.constant 0 : i32
        %dma_start3A_404 = arith.constant 0 : i32
        %dma_start3A_405 = tpu.memref_slice %arg17[%dma_start3A_403, %dma_start3A_404] : memref<10000x32xf32, #tpu.memory_space<vmem_shared>> -> memref<10000x32xf32, #tpu.memory_space<vmem_shared>>
        tpu.enqueue_indirect_dma source(%dma_start3A_405 : memref<10000x32xf32, #tpu.memory_space<vmem_shared>>) target(%arg9 : memref<128x32xf32, #tpu.memory_space<vmem>>) offsets(%dma_start3A_402 : memref<128xi32, #tpu.memory_space<vmem>>) semaphore(%arg19 : memref<!tpu.dma_semaphore, #tpu.memory_space<semaphore_mem>>)
      } else {
      }
      %add3A_292 = arith.constant 1 : i32
      %add3A_293 = arith.addi %mul3A_168, %add3A_292 : i32
      %dma_wait3A_294 = arith.constant 0 : i32
      %dma_wait3A_295 = tpu.memref_slice %arg8[%add3A_293, %dma_wait3A_294] : memref<160x128xi32, #tpu.memory_space<vmem>> -> memref<1x128xi32, #tpu.memory_space<vmem>>
      %dma_wait3A_296 = tpu.memref_squeeze %dma_wait3A_295 : memref<1x128xi32, #tpu.memory_space<vmem>> -> memref<128xi32, #tpu.memory_space<vmem>>
      %dma_wait3A_297 = arith.constant 0 : i32
      %dma_wait3A_298 = arith.constant 0 : i32
      %dma_wait3A_299 = tpu.memref_slice %arg18[%dma_wait3A_297, %dma_wait3A_298] : memref<10112x32xf32, #tpu.memory_space<vmem_shared>> -> memref<10112x32xf32, #tpu.memory_space<vmem_shared>>
      tpu.wait_indirect_dma semaphore(%arg28 : memref<!tpu.dma_semaphore, #tpu.memory_space<semaphore_mem>>) src(%arg10 : memref<128x32xf32, #tpu.memory_space<vmem>>) dst(%dma_wait3A_299 : memref<10112x32xf32, #tpu.memory_space<vmem_shared>>)
      %add3A_300 = arith.constant 8 : i32
      %add3A_301 = arith.addi %add3A_293, %add3A_300 : i32
      %lt3A_302 = arith.constant 160 : i32
      %lt3A_303 = arith.cmpi slt, %add3A_301, %lt3A_302 : i32
      %convert_element_type3A_304 = arith.extui %lt3A_303 : i1 to i32
      %cond3A_305 = arith.constant 0 : i32
      %cond3A_306 = arith.cmpi ne, %convert_element_type3A_304, %cond3A_305 : i32
      scf.if %cond3A_306 {
        %add3A_398 = arith.constant 8 : i32
        %add3A_399 = arith.addi %add3A_293, %add3A_398 : i32
        %dma_start3A_400 = arith.constant 0 : i32
        %dma_start3A_401 = tpu.memref_slice %arg7[%add3A_399, %dma_start3A_400] : memref<160x128xi32, #tpu.memory_space<vmem>> -> memref<1x128xi32, #tpu.memory_space<vmem>>
        %dma_start3A_402 = tpu.memref_squeeze %dma_start3A_401 : memref<1x128xi32, #tpu.memory_space<vmem>> -> memref<128xi32, #tpu.memory_space<vmem>>
        %dma_start3A_403 = arith.constant 0 : i32
        %dma_start3A_404 = arith.constant 0 : i32
        %dma_start3A_405 = tpu.memref_slice %arg17[%dma_start3A_403, %dma_start3A_404] : memref<10000x32xf32, #tpu.memory_space<vmem_shared>> -> memref<10000x32xf32, #tpu.memory_space<vmem_shared>>
        tpu.enqueue_indirect_dma source(%dma_start3A_405 : memref<10000x32xf32, #tpu.memory_space<vmem_shared>>) target(%arg10 : memref<128x32xf32, #tpu.memory_space<vmem>>) offsets(%dma_start3A_402 : memref<128xi32, #tpu.memory_space<vmem>>) semaphore(%arg20 : memref<!tpu.dma_semaphore, #tpu.memory_space<semaphore_mem>>)
      } else {
      }
      %add3A_307 = arith.constant 2 : i32
      %add3A_308 = arith.addi %mul3A_168, %add3A_307 : i32
      %dma_wait3A_309 = arith.constant 0 : i32
      %dma_wait3A_310 = tpu.memref_slice %arg8[%add3A_308, %dma_wait3A_309] : memref<160x128xi32, #tpu.memory_space<vmem>> -> memref<1x128xi32, #tpu.memory_space<vmem>>
      %dma_wait3A_311 = tpu.memref_squeeze %dma_wait3A_310 : memref<1x128xi32, #tpu.memory_space<vmem>> -> memref<128xi32, #tpu.memory_space<vmem>>
      %dma_wait3A_312 = arith.constant 0 : i32
      %dma_wait3A_313 = arith.constant 0 : i32
      %dma_wait3A_314 = tpu.memref_slice %arg18[%dma_wait3A_312, %dma_wait3A_313] : memref<10112x32xf32, #tpu.memory_space<vmem_shared>> -> memref<10112x32xf32, #tpu.memory_space<vmem_shared>>
      tpu.wait_indirect_dma semaphore(%arg29 : memref<!tpu.dma_semaphore, #tpu.memory_space<semaphore_mem>>) src(%arg11 : memref<128x32xf32, #tpu.memory_space<vmem>>) dst(%dma_wait3A_314 : memref<10112x32xf32, #tpu.memory_space<vmem_shared>>)
      %add3A_315 = arith.constant 8 : i32
      %add3A_316 = arith.addi %add3A_308, %add3A_315 : i32
      %lt3A_317 = arith.constant 160 : i32
      %lt3A_318 = arith.cmpi slt, %add3A_316, %lt3A_317 : i32
      %convert_element_type3A_319 = arith.extui %lt3A_318 : i1 to i32
      %cond3A_320 = arith.constant 0 : i32
      %cond3A_321 = arith.cmpi ne, %convert_element_type3A_319, %cond3A_320 : i32
      scf.if %cond3A_321 {
        %add3A_398 = arith.constant 8 : i32
        %add3A_399 = arith.addi %add3A_308, %add3A_398 : i32
        %dma_start3A_400 = arith.constant 0 : i32
        %dma_start3A_401 = tpu.memref_slice %arg7[%add3A_399, %dma_start3A_400] : memref<160x128xi32, #tpu.memory_space<vmem>> -> memref<1x128xi32, #tpu.memory_space<vmem>>
        %dma_start3A_402 = tpu.memref_squeeze %dma_start3A_401 : memref<1x128xi32, #tpu.memory_space<vmem>> -> memref<128xi32, #tpu.memory_space<vmem>>
        %dma_start3A_403 = arith.constant 0 : i32
        %dma_start3A_404 = arith.constant 0 : i32
        %dma_start3A_405 = tpu.memref_slice %arg17[%dma_start3A_403, %dma_start3A_404] : memref<10000x32xf32, #tpu.memory_space<vmem_shared>> -> memref<10000x32xf32, #tpu.memory_space<vmem_shared>>
        tpu.enqueue_indirect_dma source(%dma_start3A_405 : memref<10000x32xf32, #tpu.memory_space<vmem_shared>>) target(%arg11 : memref<128x32xf32, #tpu.memory_space<vmem>>) offsets(%dma_start3A_402 : memref<128xi32, #tpu.memory_space<vmem>>) semaphore(%arg21 : memref<!tpu.dma_semaphore, #tpu.memory_space<semaphore_mem>>)
      } else {
      }
      %add3A_322 = arith.constant 3 : i32
      %add3A_323 = arith.addi %mul3A_168, %add3A_322 : i32
      %dma_wait3A_324 = arith.constant 0 : i32
      %dma_wait3A_325 = tpu.memref_slice %arg8[%add3A_323, %dma_wait3A_324] : memref<160x128xi32, #tpu.memory_space<vmem>> -> memref<1x128xi32, #tpu.memory_space<vmem>>
      %dma_wait3A_326 = tpu.memref_squeeze %dma_wait3A_325 : memref<1x128xi32, #tpu.memory_space<vmem>> -> memref<128xi32, #tpu.memory_space<vmem>>
      %dma_wait3A_327 = arith.constant 0 : i32
      %dma_wait3A_328 = arith.constant 0 : i32
      %dma_wait3A_329 = tpu.memref_slice %arg18[%dma_wait3A_327, %dma_wait3A_328] : memref<10112x32xf32, #tpu.memory_space<vmem_shared>> -> memref<10112x32xf32, #tpu.memory_space<vmem_shared>>
      tpu.wait_indirect_dma semaphore(%arg30 : memref<!tpu.dma_semaphore, #tpu.memory_space<semaphore_mem>>) src(%arg12 : memref<128x32xf32, #tpu.memory_space<vmem>>) dst(%dma_wait3A_329 : memref<10112x32xf32, #tpu.memory_space<vmem_shared>>)
      %add3A_330 = arith.constant 8 : i32
      %add3A_331 = arith.addi %add3A_323, %add3A_330 : i32
      %lt3A_332 = arith.constant 160 : i32
      %lt3A_333 = arith.cmpi slt, %add3A_331, %lt3A_332 : i32
      %convert_element_type3A_334 = arith.extui %lt3A_333 : i1 to i32
      %cond3A_335 = arith.constant 0 : i32
      %cond3A_336 = arith.cmpi ne, %convert_element_type3A_334, %cond3A_335 : i32
      scf.if %cond3A_336 {
        %add3A_398 = arith.constant 8 : i32
        %add3A_399 = arith.addi %add3A_323, %add3A_398 : i32
        %dma_start3A_400 = arith.constant 0 : i32
        %dma_start3A_401 = tpu.memref_slice %arg7[%add3A_399, %dma_start3A_400] : memref<160x128xi32, #tpu.memory_space<vmem>> -> memref<1x128xi32, #tpu.memory_space<vmem>>
        %dma_start3A_402 = tpu.memref_squeeze %dma_start3A_401 : memref<1x128xi32, #tpu.memory_space<vmem>> -> memref<128xi32, #tpu.memory_space<vmem>>
        %dma_start3A_403 = arith.constant 0 : i32
        %dma_start3A_404 = arith.constant 0 : i32
        %dma_start3A_405 = tpu.memref_slice %arg17[%dma_start3A_403, %dma_start3A_404] : memref<10000x32xf32, #tpu.memory_space<vmem_shared>> -> memref<10000x32xf32, #tpu.memory_space<vmem_shared>>
        tpu.enqueue_indirect_dma source(%dma_start3A_405 : memref<10000x32xf32, #tpu.memory_space<vmem_shared>>) target(%arg12 : memref<128x32xf32, #tpu.memory_space<vmem>>) offsets(%dma_start3A_402 : memref<128xi32, #tpu.memory_space<vmem>>) semaphore(%arg22 : memref<!tpu.dma_semaphore, #tpu.memory_space<semaphore_mem>>)
      } else {
      }
      %add3A_337 = arith.constant 4 : i32
      %add3A_338 = arith.addi %mul3A_168, %add3A_337 : i32
      %dma_wait3A_339 = arith.constant 0 : i32
      %dma_wait3A_340 = tpu.memref_slice %arg8[%add3A_338, %dma_wait3A_339] : memref<160x128xi32, #tpu.memory_space<vmem>> -> memref<1x128xi32, #tpu.memory_space<vmem>>
      %dma_wait3A_341 = tpu.memref_squeeze %dma_wait3A_340 : memref<1x128xi32, #tpu.memory_space<vmem>> -> memref<128xi32, #tpu.memory_space<vmem>>
      %dma_wait3A_342 = arith.constant 0 : i32
      %dma_wait3A_343 = arith.constant 0 : i32
      %dma_wait3A_344 = tpu.memref_slice %arg18[%dma_wait3A_342, %dma_wait3A_343] : memref<10112x32xf32, #tpu.memory_space<vmem_shared>> -> memref<10112x32xf32, #tpu.memory_space<vmem_shared>>
      tpu.wait_indirect_dma semaphore(%arg31 : memref<!tpu.dma_semaphore, #tpu.memory_space<semaphore_mem>>) src(%arg13 : memref<128x32xf32, #tpu.memory_space<vmem>>) dst(%dma_wait3A_344 : memref<10112x32xf32, #tpu.memory_space<vmem_shared>>)
      %add3A_345 = arith.constant 8 : i32
      %add3A_346 = arith.addi %add3A_338, %add3A_345 : i32
      %lt3A_347 = arith.constant 160 : i32
      %lt3A_348 = arith.cmpi slt, %add3A_346, %lt3A_347 : i32
      %convert_element_type3A_349 = arith.extui %lt3A_348 : i1 to i32
      %cond3A_350 = arith.constant 0 : i32
      %cond3A_351 = arith.cmpi ne, %convert_element_type3A_349, %cond3A_350 : i32
      scf.if %cond3A_351 {
        %add3A_398 = arith.constant 8 : i32
        %add3A_399 = arith.addi %add3A_338, %add3A_398 : i32
        %dma_start3A_400 = arith.constant 0 : i32
        %dma_start3A_401 = tpu.memref_slice %arg7[%add3A_399, %dma_start3A_400] : memref<160x128xi32, #tpu.memory_space<vmem>> -> memref<1x128xi32, #tpu.memory_space<vmem>>
        %dma_start3A_402 = tpu.memref_squeeze %dma_start3A_401 : memref<1x128xi32, #tpu.memory_space<vmem>> -> memref<128xi32, #tpu.memory_space<vmem>>
        %dma_start3A_403 = arith.constant 0 : i32
        %dma_start3A_404 = arith.constant 0 : i32
        %dma_start3A_405 = tpu.memref_slice %arg17[%dma_start3A_403, %dma_start3A_404] : memref<10000x32xf32, #tpu.memory_space<vmem_shared>> -> memref<10000x32xf32, #tpu.memory_space<vmem_shared>>
        tpu.enqueue_indirect_dma source(%dma_start3A_405 : memref<10000x32xf32, #tpu.memory_space<vmem_shared>>) target(%arg13 : memref<128x32xf32, #tpu.memory_space<vmem>>) offsets(%dma_start3A_402 : memref<128xi32, #tpu.memory_space<vmem>>) semaphore(%arg23 : memref<!tpu.dma_semaphore, #tpu.memory_space<semaphore_mem>>)
      } else {
      }
      %add3A_352 = arith.constant 5 : i32
      %add3A_353 = arith.addi %mul3A_168, %add3A_352 : i32
      %dma_wait3A_354 = arith.constant 0 : i32
      %dma_wait3A_355 = tpu.memref_slice %arg8[%add3A_353, %dma_wait3A_354] : memref<160x128xi32, #tpu.memory_space<vmem>> -> memref<1x128xi32, #tpu.memory_space<vmem>>
      %dma_wait3A_356 = tpu.memref_squeeze %dma_wait3A_355 : memref<1x128xi32, #tpu.memory_space<vmem>> -> memref<128xi32, #tpu.memory_space<vmem>>
      %dma_wait3A_357 = arith.constant 0 : i32
      %dma_wait3A_358 = arith.constant 0 : i32
      %dma_wait3A_359 = tpu.memref_slice %arg18[%dma_wait3A_357, %dma_wait3A_358] : memref<10112x32xf32, #tpu.memory_space<vmem_shared>> -> memref<10112x32xf32, #tpu.memory_space<vmem_shared>>
      tpu.wait_indirect_dma semaphore(%arg32 : memref<!tpu.dma_semaphore, #tpu.memory_space<semaphore_mem>>) src(%arg14 : memref<128x32xf32, #tpu.memory_space<vmem>>) dst(%dma_wait3A_359 : memref<10112x32xf32, #tpu.memory_space<vmem_shared>>)
      %add3A_360 = arith.constant 8 : i32
      %add3A_361 = arith.addi %add3A_353, %add3A_360 : i32
      %lt3A_362 = arith.constant 160 : i32
      %lt3A_363 = arith.cmpi slt, %add3A_361, %lt3A_362 : i32
      %convert_element_type3A_364 = arith.extui %lt3A_363 : i1 to i32
      %cond3A_365 = arith.constant 0 : i32
      %cond3A_366 = arith.cmpi ne, %convert_element_type3A_364, %cond3A_365 : i32
      scf.if %cond3A_366 {
        %add3A_398 = arith.constant 8 : i32
        %add3A_399 = arith.addi %add3A_353, %add3A_398 : i32
        %dma_start3A_400 = arith.constant 0 : i32
        %dma_start3A_401 = tpu.memref_slice %arg7[%add3A_399, %dma_start3A_400] : memref<160x128xi32, #tpu.memory_space<vmem>> -> memref<1x128xi32, #tpu.memory_space<vmem>>
        %dma_start3A_402 = tpu.memref_squeeze %dma_start3A_401 : memref<1x128xi32, #tpu.memory_space<vmem>> -> memref<128xi32, #tpu.memory_space<vmem>>
        %dma_start3A_403 = arith.constant 0 : i32
        %dma_start3A_404 = arith.constant 0 : i32
        %dma_start3A_405 = tpu.memref_slice %arg17[%dma_start3A_403, %dma_start3A_404] : memref<10000x32xf32, #tpu.memory_space<vmem_shared>> -> memref<10000x32xf32, #tpu.memory_space<vmem_shared>>
        tpu.enqueue_indirect_dma source(%dma_start3A_405 : memref<10000x32xf32, #tpu.memory_space<vmem_shared>>) target(%arg14 : memref<128x32xf32, #tpu.memory_space<vmem>>) offsets(%dma_start3A_402 : memref<128xi32, #tpu.memory_space<vmem>>) semaphore(%arg24 : memref<!tpu.dma_semaphore, #tpu.memory_space<semaphore_mem>>)
      } else {
      }
      %add3A_367 = arith.constant 6 : i32
      %add3A_368 = arith.addi %mul3A_168, %add3A_367 : i32
      %dma_wait3A_369 = arith.constant 0 : i32
      %dma_wait3A_370 = tpu.memref_slice %arg8[%add3A_368, %dma_wait3A_369] : memref<160x128xi32, #tpu.memory_space<vmem>> -> memref<1x128xi32, #tpu.memory_space<vmem>>
      %dma_wait3A_371 = tpu.memref_squeeze %dma_wait3A_370 : memref<1x128xi32, #tpu.memory_space<vmem>> -> memref<128xi32, #tpu.memory_space<vmem>>
      %dma_wait3A_372 = arith.constant 0 : i32
      %dma_wait3A_373 = arith.constant 0 : i32
      %dma_wait3A_374 = tpu.memref_slice %arg18[%dma_wait3A_372, %dma_wait3A_373] : memref<10112x32xf32, #tpu.memory_space<vmem_shared>> -> memref<10112x32xf32, #tpu.memory_space<vmem_shared>>
      tpu.wait_indirect_dma semaphore(%arg33 : memref<!tpu.dma_semaphore, #tpu.memory_space<semaphore_mem>>) src(%arg15 : memref<128x32xf32, #tpu.memory_space<vmem>>) dst(%dma_wait3A_374 : memref<10112x32xf32, #tpu.memory_space<vmem_shared>>)
      %add3A_375 = arith.constant 8 : i32
      %add3A_376 = arith.addi %add3A_368, %add3A_375 : i32
      %lt3A_377 = arith.constant 160 : i32
      %lt3A_378 = arith.cmpi slt, %add3A_376, %lt3A_377 : i32
      %convert_element_type3A_379 = arith.extui %lt3A_378 : i1 to i32
      %cond3A_380 = arith.constant 0 : i32
      %cond3A_381 = arith.cmpi ne, %convert_element_type3A_379, %cond3A_380 : i32
      scf.if %cond3A_381 {
        %add3A_398 = arith.constant 8 : i32
        %add3A_399 = arith.addi %add3A_368, %add3A_398 : i32
        %dma_start3A_400 = arith.constant 0 : i32
        %dma_start3A_401 = tpu.memref_slice %arg7[%add3A_399, %dma_start3A_400] : memref<160x128xi32, #tpu.memory_space<vmem>> -> memref<1x128xi32, #tpu.memory_space<vmem>>
        %dma_start3A_402 = tpu.memref_squeeze %dma_start3A_401 : memref<1x128xi32, #tpu.memory_space<vmem>> -> memref<128xi32, #tpu.memory_space<vmem>>
        %dma_start3A_403 = arith.constant 0 : i32
        %dma_start3A_404 = arith.constant 0 : i32
        %dma_start3A_405 = tpu.memref_slice %arg17[%dma_start3A_403, %dma_start3A_404] : memref<10000x32xf32, #tpu.memory_space<vmem_shared>> -> memref<10000x32xf32, #tpu.memory_space<vmem_shared>>
        tpu.enqueue_indirect_dma source(%dma_start3A_405 : memref<10000x32xf32, #tpu.memory_space<vmem_shared>>) target(%arg15 : memref<128x32xf32, #tpu.memory_space<vmem>>) offsets(%dma_start3A_402 : memref<128xi32, #tpu.memory_space<vmem>>) semaphore(%arg25 : memref<!tpu.dma_semaphore, #tpu.memory_space<semaphore_mem>>)
      } else {
      }
      %add3A_382 = arith.constant 7 : i32
      %add3A_383 = arith.addi %mul3A_168, %add3A_382 : i32
      %dma_wait3A_384 = arith.constant 0 : i32
      %dma_wait3A_385 = tpu.memref_slice %arg8[%add3A_383, %dma_wait3A_384] : memref<160x128xi32, #tpu.memory_space<vmem>> -> memref<1x128xi32, #tpu.memory_space<vmem>>
      %dma_wait3A_386 = tpu.memref_squeeze %dma_wait3A_385 : memref<1x128xi32, #tpu.memory_space<vmem>> -> memref<128xi32, #tpu.memory_space<vmem>>
      %dma_wait3A_387 = arith.constant 0 : i32
      %dma_wait3A_388 = arith.constant 0 : i32
      %dma_wait3A_389 = tpu.memref_slice %arg18[%dma_wait3A_387, %dma_wait3A_388] : memref<10112x32xf32, #tpu.memory_space<vmem_shared>> -> memref<10112x32xf32, #tpu.memory_space<vmem_shared>>
      tpu.wait_indirect_dma semaphore(%arg34 : memref<!tpu.dma_semaphore, #tpu.memory_space<semaphore_mem>>) src(%arg16 : memref<128x32xf32, #tpu.memory_space<vmem>>) dst(%dma_wait3A_389 : memref<10112x32xf32, #tpu.memory_space<vmem_shared>>)
      %add3A_390 = arith.constant 8 : i32
      %add3A_391 = arith.addi %add3A_383, %add3A_390 : i32
      %lt3A_392 = arith.constant 160 : i32
      %lt3A_393 = arith.cmpi slt, %add3A_391, %lt3A_392 : i32
      %convert_element_type3A_394 = arith.extui %lt3A_393 : i1 to i32
      %cond3A_395 = arith.constant 0 : i32
      %cond3A_396 = arith.cmpi ne, %convert_element_type3A_394, %cond3A_395 : i32
      scf.if %cond3A_396 {
        %add3A_398 = arith.constant 8 : i32
        %add3A_399 = arith.addi %add3A_383, %add3A_398 : i32
        %dma_start3A_400 = arith.constant 0 : i32
        %dma_start3A_401 = tpu.memref_slice %arg7[%add3A_399, %dma_start3A_400] : memref<160x128xi32, #tpu.memory_space<vmem>> -> memref<1x128xi32, #tpu.memory_space<vmem>>
        %dma_start3A_402 = tpu.memref_squeeze %dma_start3A_401 : memref<1x128xi32, #tpu.memory_space<vmem>> -> memref<128xi32, #tpu.memory_space<vmem>>
        %dma_start3A_403 = arith.constant 0 : i32
        %dma_start3A_404 = arith.constant 0 : i32
        %dma_start3A_405 = tpu.memref_slice %arg17[%dma_start3A_403, %dma_start3A_404] : memref<10000x32xf32, #tpu.memory_space<vmem_shared>> -> memref<10000x32xf32, #tpu.memory_space<vmem_shared>>
        tpu.enqueue_indirect_dma source(%dma_start3A_405 : memref<10000x32xf32, #tpu.memory_space<vmem_shared>>) target(%arg16 : memref<128x32xf32, #tpu.memory_space<vmem>>) offsets(%dma_start3A_402 : memref<128xi32, #tpu.memory_space<vmem>>) semaphore(%arg26 : memref<!tpu.dma_semaphore, #tpu.memory_space<semaphore_mem>>)
      } else {
      }
      %scan3A_397 = arith.constant 0 : i32
      scf.yield %scan3A_397 : i32
    }
    %scan3A_70 = arith.constant 20 : i32
    %barrier3A_71 = arith.constant 0 : index
    tpu.barrier barrier_id(%barrier3A_71)
    %mul3A_72 = arith.constant 632 : i32
    %mul3A_73 = arith.muli %arg1, %mul3A_72 : i32
    %mul3A_74 = arith.constant 2 : i32
    %mul3A_75 = arith.muli %arg0, %mul3A_74 : i32
    %add3A_76 = arith.constant 0 : i32
    %add3A_77 = arith.addi %mul3A_75, %add3A_76 : i32
    %mul3A_78 = arith.constant 632 : i32
    %mul3A_79 = arith.muli %arg1, %mul3A_78 : i32
    "tpu.region"() ({
      %run_scoped3A = tpu.sem_alloc : memref<!tpu.dma_semaphore, #tpu.memory_space<semaphore_mem>>
      %dma_start3A_165 = arith.constant 0 : i32
      %dma_start3A_166 = tpu.memref_slice %arg6[%add3A_77, %mul3A_79, %dma_start3A_165] : memref<4x10112x32xf32, #tpu.memory_space<hbm>> -> memref<1x632x32xf32, #tpu.memory_space<hbm>>
      %dma_start3A_167 = tpu.memref_squeeze %dma_start3A_166 : memref<1x632x32xf32, #tpu.memory_space<hbm>> -> memref<632x32xf32, #tpu.memory_space<hbm>>
      %dma_start3A_168 = arith.constant 0 : i32
      %dma_start3A_169 = tpu.memref_slice %arg18[%mul3A_73, %dma_start3A_168] : memref<10112x32xf32, #tpu.memory_space<vmem_shared>> -> memref<632x32xf32, #tpu.memory_space<vmem_shared>>
      tpu.enqueue_dma source(%dma_start3A_169 : memref<632x32xf32, #tpu.memory_space<vmem_shared>>) target(%dma_start3A_167 : memref<632x32xf32, #tpu.memory_space<hbm>>) target_semaphore(%run_scoped3A : memref<!tpu.dma_semaphore, #tpu.memory_space<semaphore_mem>>)
      %dma_wait3A = arith.constant 0 : i32
      %dma_wait3A_170 = tpu.memref_slice %arg6[%add3A_77, %mul3A_79, %dma_wait3A] : memref<4x10112x32xf32, #tpu.memory_space<hbm>> -> memref<1x632x32xf32, #tpu.memory_space<hbm>>
      %dma_wait3A_171 = tpu.memref_squeeze %dma_wait3A_170 : memref<1x632x32xf32, #tpu.memory_space<hbm>> -> memref<632x32xf32, #tpu.memory_space<hbm>>
      %dma_wait3A_172 = arith.constant 0 : i32
      %dma_wait3A_173 = tpu.memref_slice %arg18[%mul3A_73, %dma_wait3A_172] : memref<10112x32xf32, #tpu.memory_space<vmem_shared>> -> memref<632x32xf32, #tpu.memory_space<vmem_shared>>
      tpu.wait_dma2 semaphore(%run_scoped3A : memref<!tpu.dma_semaphore, #tpu.memory_space<semaphore_mem>>) src(%dma_wait3A_173 : memref<632x32xf32, #tpu.memory_space<vmem_shared>>) dst(%dma_wait3A_171 : memref<632x32xf32, #tpu.memory_space<hbm>>)
      tpu.yield
    }) : () -> ()
    %mul3A_80 = arith.constant 2 : i32
    %mul3A_81 = arith.muli %arg0, %mul3A_80 : i32
    %add3A_82 = arith.constant 1 : i32
    %add3A_83 = arith.addi %mul3A_81, %add3A_82 : i32
    %mul3A_84 = arith.constant 625 : i32
    %mul3A_85 = arith.muli %arg1, %mul3A_84 : i32
    %mul3A_86 = arith.constant 625 : i32
    %mul3A_87 = arith.muli %arg1, %mul3A_86 : i32
    "tpu.region"() ({
      %run_scoped3A = tpu.sem_alloc : memref<!tpu.dma_semaphore, #tpu.memory_space<semaphore_mem>>
      %dma_start3A_165 = arith.constant 0 : i32
      %dma_start3A_166 = tpu.memref_slice %arg17[%mul3A_87, %dma_start3A_165] : memref<10000x32xf32, #tpu.memory_space<vmem_shared>> -> memref<625x32xf32, #tpu.memory_space<vmem_shared>>
      %dma_start3A_167 = arith.constant 0 : i32
      %dma_start3A_168 = tpu.memref_slice %arg2[%add3A_83, %mul3A_85, %dma_start3A_167] : memref<4x10000x32xf32, #tpu.memory_space<hbm>> -> memref<1x625x32xf32, #tpu.memory_space<hbm>>
      %dma_start3A_169 = tpu.memref_squeeze %dma_start3A_168 : memref<1x625x32xf32, #tpu.memory_space<hbm>> -> memref<625x32xf32, #tpu.memory_space<hbm>>
      tpu.enqueue_dma source(%dma_start3A_169 : memref<625x32xf32, #tpu.memory_space<hbm>>) target(%dma_start3A_166 : memref<625x32xf32, #tpu.memory_space<vmem_shared>>) target_semaphore(%run_scoped3A : memref<!tpu.dma_semaphore, #tpu.memory_space<semaphore_mem>>)
      %dma_wait3A = arith.constant 0 : i32
      %dma_wait3A_170 = tpu.memref_slice %arg17[%mul3A_87, %dma_wait3A] : memref<10000x32xf32, #tpu.memory_space<vmem_shared>> -> memref<625x32xf32, #tpu.memory_space<vmem_shared>>
      %dma_wait3A_171 = arith.constant 0 : i32
      %dma_wait3A_172 = tpu.memref_slice %arg2[%add3A_83, %mul3A_85, %dma_wait3A_171] : memref<4x10000x32xf32, #tpu.memory_space<hbm>> -> memref<1x625x32xf32, #tpu.memory_space<hbm>>
      %dma_wait3A_173 = tpu.memref_squeeze %dma_wait3A_172 : memref<1x625x32xf32, #tpu.memory_space<hbm>> -> memref<625x32xf32, #tpu.memory_space<hbm>>
      tpu.wait_dma2 semaphore(%run_scoped3A : memref<!tpu.dma_semaphore, #tpu.memory_space<semaphore_mem>>) src(%dma_wait3A_173 : memref<625x32xf32, #tpu.memory_space<hbm>>) dst(%dma_wait3A_170 : memref<625x32xf32, #tpu.memory_space<vmem_shared>>)
      tpu.yield
    }) : () -> ()
    %mul3A_88 = arith.constant 632 : i32
    %mul3A_89 = arith.muli %arg1, %mul3A_88 : i32
    %mul3A_90 = arith.constant 632 : i32
    %mul3A_91 = arith.muli %arg1, %mul3A_90 : i32
    "tpu.region"() ({
      %run_scoped3A = tpu.sem_alloc : memref<!tpu.dma_semaphore, #tpu.memory_space<semaphore_mem>>
      %dma_start3A_165 = arith.constant 0 : i32
      %dma_start3A_166 = tpu.memref_slice %arg18[%mul3A_91, %dma_start3A_165] : memref<10112x32xf32, #tpu.memory_space<vmem_shared>> -> memref<632x32xf32, #tpu.memory_space<vmem_shared>>
      %dma_start3A_167 = arith.constant 0 : i32
      %dma_start3A_168 = tpu.memref_slice %arg5[%mul3A_89, %dma_start3A_167] : memref<10112x32xf32, #tpu.memory_space<hbm>> -> memref<632x32xf32, #tpu.memory_space<hbm>>
      tpu.enqueue_dma source(%dma_start3A_168 : memref<632x32xf32, #tpu.memory_space<hbm>>) target(%dma_start3A_166 : memref<632x32xf32, #tpu.memory_space<vmem_shared>>) target_semaphore(%run_scoped3A : memref<!tpu.dma_semaphore, #tpu.memory_space<semaphore_mem>>)
      %dma_wait3A = arith.constant 0 : i32
      %dma_wait3A_169 = tpu.memref_slice %arg18[%mul3A_91, %dma_wait3A] : memref<10112x32xf32, #tpu.memory_space<vmem_shared>> -> memref<632x32xf32, #tpu.memory_space<vmem_shared>>
      %dma_wait3A_170 = arith.constant 0 : i32
      %dma_wait3A_171 = tpu.memref_slice %arg5[%mul3A_89, %dma_wait3A_170] : memref<10112x32xf32, #tpu.memory_space<hbm>> -> memref<632x32xf32, #tpu.memory_space<hbm>>
      tpu.wait_dma2 semaphore(%run_scoped3A : memref<!tpu.dma_semaphore, #tpu.memory_space<semaphore_mem>>) src(%dma_wait3A_171 : memref<632x32xf32, #tpu.memory_space<hbm>>) dst(%dma_wait3A_169 : memref<632x32xf32, #tpu.memory_space<vmem_shared>>)
      tpu.yield
    }) : () -> ()
    %barrier3A_92 = arith.constant 0 : index
    tpu.barrier barrier_id(%barrier3A_92)
    %dma_start3A_93 = arith.constant 0 : i32
    %dma_start3A_94 = arith.constant 0 : i32
    %dma_start3A_95 = tpu.memref_slice %arg7[%dma_start3A_93, %dma_start3A_94] : memref<160x128xi32, #tpu.memory_space<vmem>> -> memref<1x128xi32, #tpu.memory_space<vmem>>
    %dma_start3A_96 = tpu.memref_squeeze %dma_start3A_95 : memref<1x128xi32, #tpu.memory_space<vmem>> -> memref<128xi32, #tpu.memory_space<vmem>>
    %dma_start3A_97 = arith.constant 0 : i32
    %dma_start3A_98 = arith.constant 0 : i32
    %dma_start3A_99 = tpu.memref_slice %arg17[%dma_start3A_97, %dma_start3A_98] : memref<10000x32xf32, #tpu.memory_space<vmem_shared>> -> memref<10000x32xf32, #tpu.memory_space<vmem_shared>>
    tpu.enqueue_indirect_dma source(%dma_start3A_99 : memref<10000x32xf32, #tpu.memory_space<vmem_shared>>) target(%arg9 : memref<128x32xf32, #tpu.memory_space<vmem>>) offsets(%dma_start3A_96 : memref<128xi32, #tpu.memory_space<vmem>>) semaphore(%arg19 : memref<!tpu.dma_semaphore, #tpu.memory_space<semaphore_mem>>)
    %dma_start3A_100 = arith.constant 1 : i32
    %dma_start3A_101 = arith.constant 0 : i32
    %dma_start3A_102 = tpu.memref_slice %arg7[%dma_start3A_100, %dma_start3A_101] : memref<160x128xi32, #tpu.memory_space<vmem>> -> memref<1x128xi32, #tpu.memory_space<vmem>>
    %dma_start3A_103 = tpu.memref_squeeze %dma_start3A_102 : memref<1x128xi32, #tpu.memory_space<vmem>> -> memref<128xi32, #tpu.memory_space<vmem>>
    %dma_start3A_104 = arith.constant 0 : i32
    %dma_start3A_105 = arith.constant 0 : i32
    %dma_start3A_106 = tpu.memref_slice %arg17[%dma_start3A_104, %dma_start3A_105] : memref<10000x32xf32, #tpu.memory_space<vmem_shared>> -> memref<10000x32xf32, #tpu.memory_space<vmem_shared>>
    tpu.enqueue_indirect_dma source(%dma_start3A_106 : memref<10000x32xf32, #tpu.memory_space<vmem_shared>>) target(%arg10 : memref<128x32xf32, #tpu.memory_space<vmem>>) offsets(%dma_start3A_103 : memref<128xi32, #tpu.memory_space<vmem>>) semaphore(%arg20 : memref<!tpu.dma_semaphore, #tpu.memory_space<semaphore_mem>>)
    %dma_start3A_107 = arith.constant 2 : i32
    %dma_start3A_108 = arith.constant 0 : i32
    %dma_start3A_109 = tpu.memref_slice %arg7[%dma_start3A_107, %dma_start3A_108] : memref<160x128xi32, #tpu.memory_space<vmem>> -> memref<1x128xi32, #tpu.memory_space<vmem>>
    %dma_start3A_110 = tpu.memref_squeeze %dma_start3A_109 : memref<1x128xi32, #tpu.memory_space<vmem>> -> memref<128xi32, #tpu.memory_space<vmem>>
    %dma_start3A_111 = arith.constant 0 : i32
    %dma_start3A_112 = arith.constant 0 : i32
    %dma_start3A_113 = tpu.memref_slice %arg17[%dma_start3A_111, %dma_start3A_112] : memref<10000x32xf32, #tpu.memory_space<vmem_shared>> -> memref<10000x32xf32, #tpu.memory_space<vmem_shared>>
    tpu.enqueue_indirect_dma source(%dma_start3A_113 : memref<10000x32xf32, #tpu.memory_space<vmem_shared>>) target(%arg11 : memref<128x32xf32, #tpu.memory_space<vmem>>) offsets(%dma_start3A_110 : memref<128xi32, #tpu.memory_space<vmem>>) semaphore(%arg21 : memref<!tpu.dma_semaphore, #tpu.memory_space<semaphore_mem>>)
    %dma_start3A_114 = arith.constant 3 : i32
    %dma_start3A_115 = arith.constant 0 : i32
    %dma_start3A_116 = tpu.memref_slice %arg7[%dma_start3A_114, %dma_start3A_115] : memref<160x128xi32, #tpu.memory_space<vmem>> -> memref<1x128xi32, #tpu.memory_space<vmem>>
    %dma_start3A_117 = tpu.memref_squeeze %dma_start3A_116 : memref<1x128xi32, #tpu.memory_space<vmem>> -> memref<128xi32, #tpu.memory_space<vmem>>
    %dma_start3A_118 = arith.constant 0 : i32
    %dma_start3A_119 = arith.constant 0 : i32
    %dma_start3A_120 = tpu.memref_slice %arg17[%dma_start3A_118, %dma_start3A_119] : memref<10000x32xf32, #tpu.memory_space<vmem_shared>> -> memref<10000x32xf32, #tpu.memory_space<vmem_shared>>
    tpu.enqueue_indirect_dma source(%dma_start3A_120 : memref<10000x32xf32, #tpu.memory_space<vmem_shared>>) target(%arg12 : memref<128x32xf32, #tpu.memory_space<vmem>>) offsets(%dma_start3A_117 : memref<128xi32, #tpu.memory_space<vmem>>) semaphore(%arg22 : memref<!tpu.dma_semaphore, #tpu.memory_space<semaphore_mem>>)
    %dma_start3A_121 = arith.constant 4 : i32
    %dma_start3A_122 = arith.constant 0 : i32
    %dma_start3A_123 = tpu.memref_slice %arg7[%dma_start3A_121, %dma_start3A_122] : memref<160x128xi32, #tpu.memory_space<vmem>> -> memref<1x128xi32, #tpu.memory_space<vmem>>
    %dma_start3A_124 = tpu.memref_squeeze %dma_start3A_123 : memref<1x128xi32, #tpu.memory_space<vmem>> -> memref<128xi32, #tpu.memory_space<vmem>>
    %dma_start3A_125 = arith.constant 0 : i32
    %dma_start3A_126 = arith.constant 0 : i32
    %dma_start3A_127 = tpu.memref_slice %arg17[%dma_start3A_125, %dma_start3A_126] : memref<10000x32xf32, #tpu.memory_space<vmem_shared>> -> memref<10000x32xf32, #tpu.memory_space<vmem_shared>>
    tpu.enqueue_indirect_dma source(%dma_start3A_127 : memref<10000x32xf32, #tpu.memory_space<vmem_shared>>) target(%arg13 : memref<128x32xf32, #tpu.memory_space<vmem>>) offsets(%dma_start3A_124 : memref<128xi32, #tpu.memory_space<vmem>>) semaphore(%arg23 : memref<!tpu.dma_semaphore, #tpu.memory_space<semaphore_mem>>)
    %dma_start3A_128 = arith.constant 5 : i32
    %dma_start3A_129 = arith.constant 0 : i32
    %dma_start3A_130 = tpu.memref_slice %arg7[%dma_start3A_128, %dma_start3A_129] : memref<160x128xi32, #tpu.memory_space<vmem>> -> memref<1x128xi32, #tpu.memory_space<vmem>>
    %dma_start3A_131 = tpu.memref_squeeze %dma_start3A_130 : memref<1x128xi32, #tpu.memory_space<vmem>> -> memref<128xi32, #tpu.memory_space<vmem>>
    %dma_start3A_132 = arith.constant 0 : i32
    %dma_start3A_133 = arith.constant 0 : i32
    %dma_start3A_134 = tpu.memref_slice %arg17[%dma_start3A_132, %dma_start3A_133] : memref<10000x32xf32, #tpu.memory_space<vmem_shared>> -> memref<10000x32xf32, #tpu.memory_space<vmem_shared>>
    tpu.enqueue_indirect_dma source(%dma_start3A_134 : memref<10000x32xf32, #tpu.memory_space<vmem_shared>>) target(%arg14 : memref<128x32xf32, #tpu.memory_space<vmem>>) offsets(%dma_start3A_131 : memref<128xi32, #tpu.memory_space<vmem>>) semaphore(%arg24 : memref<!tpu.dma_semaphore, #tpu.memory_space<semaphore_mem>>)
    %dma_start3A_135 = arith.constant 6 : i32
    %dma_start3A_136 = arith.constant 0 : i32
    %dma_start3A_137 = tpu.memref_slice %arg7[%dma_start3A_135, %dma_start3A_136] : memref<160x128xi32, #tpu.memory_space<vmem>> -> memref<1x128xi32, #tpu.memory_space<vmem>>
    %dma_start3A_138 = tpu.memref_squeeze %dma_start3A_137 : memref<1x128xi32, #tpu.memory_space<vmem>> -> memref<128xi32, #tpu.memory_space<vmem>>
    %dma_start3A_139 = arith.constant 0 : i32
    %dma_start3A_140 = arith.constant 0 : i32
    %dma_start3A_141 = tpu.memref_slice %arg17[%dma_start3A_139, %dma_start3A_140] : memref<10000x32xf32, #tpu.memory_space<vmem_shared>> -> memref<10000x32xf32, #tpu.memory_space<vmem_shared>>
    tpu.enqueue_indirect_dma source(%dma_start3A_141 : memref<10000x32xf32, #tpu.memory_space<vmem_shared>>) target(%arg15 : memref<128x32xf32, #tpu.memory_space<vmem>>) offsets(%dma_start3A_138 : memref<128xi32, #tpu.memory_space<vmem>>) semaphore(%arg25 : memref<!tpu.dma_semaphore, #tpu.memory_space<semaphore_mem>>)
    %dma_start3A_142 = arith.constant 7 : i32
    %dma_start3A_143 = arith.constant 0 : i32
    %dma_start3A_144 = tpu.memref_slice %arg7[%dma_start3A_142, %dma_start3A_143] : memref<160x128xi32, #tpu.memory_space<vmem>> -> memref<1x128xi32, #tpu.memory_space<vmem>>
    %dma_start3A_145 = tpu.memref_squeeze %dma_start3A_144 : memref<1x128xi32, #tpu.memory_space<vmem>> -> memref<128xi32, #tpu.memory_space<vmem>>
    %dma_start3A_146 = arith.constant 0 : i32
    %dma_start3A_147 = arith.constant 0 : i32
    %dma_start3A_148 = tpu.memref_slice %arg17[%dma_start3A_146, %dma_start3A_147] : memref<10000x32xf32, #tpu.memory_space<vmem_shared>> -> memref<10000x32xf32, #tpu.memory_space<vmem_shared>>
    tpu.enqueue_indirect_dma source(%dma_start3A_148 : memref<10000x32xf32, #tpu.memory_space<vmem_shared>>) target(%arg16 : memref<128x32xf32, #tpu.memory_space<vmem>>) offsets(%dma_start3A_145 : memref<128xi32, #tpu.memory_space<vmem>>) semaphore(%arg26 : memref<!tpu.dma_semaphore, #tpu.memory_space<semaphore_mem>>)
    %scan3A_149 = arith.constant 0 : i32
    %scan3A_150 = arith.constant 0 : i32
    %scan3A_151 = arith.constant 20 : i32
    %scan3A_152 = arith.addi %scan3A_150, %scan3A_151 : i32
    %scan3A_153 = arith.constant 1 : i32
    %scan3A_154 = scf.for %scan3A_165 = %scan3A_150 to %scan3A_152 step %scan3A_153 iter_args(%scan3A_166 = %scan3A_149) -> (i32)  : i32 {
      %mul3A_167 = arith.constant 8 : i32
      %mul3A_168 = arith.muli %mul3A_167, %scan3A_165 : i32
      %add3A_169 = arith.constant 0 : i32
      %add3A_170 = arith.addi %mul3A_168, %add3A_169 : i32
      %dma_wait3A = arith.constant 0 : i32
      %dma_wait3A_171 = tpu.memref_slice %arg7[%add3A_170, %dma_wait3A] : memref<160x128xi32, #tpu.memory_space<vmem>> -> memref<1x128xi32, #tpu.memory_space<vmem>>
      %dma_wait3A_172 = tpu.memref_squeeze %dma_wait3A_171 : memref<1x128xi32, #tpu.memory_space<vmem>> -> memref<128xi32, #tpu.memory_space<vmem>>
      %dma_wait3A_173 = arith.constant 0 : i32
      %dma_wait3A_174 = arith.constant 0 : i32
      %dma_wait3A_175 = tpu.memref_slice %arg17[%dma_wait3A_173, %dma_wait3A_174] : memref<10000x32xf32, #tpu.memory_space<vmem_shared>> -> memref<10000x32xf32, #tpu.memory_space<vmem_shared>>
      tpu.wait_indirect_dma semaphore(%arg19 : memref<!tpu.dma_semaphore, #tpu.memory_space<semaphore_mem>>) src(%dma_wait3A_175 : memref<10000x32xf32, #tpu.memory_space<vmem_shared>>) dst(%arg9 : memref<128x32xf32, #tpu.memory_space<vmem>>)
      %dma_start3A_176 = arith.constant 0 : i32
      %dma_start3A_177 = tpu.memref_slice %arg8[%add3A_170, %dma_start3A_176] : memref<160x128xi32, #tpu.memory_space<vmem>> -> memref<1x128xi32, #tpu.memory_space<vmem>>
      %dma_start3A_178 = tpu.memref_squeeze %dma_start3A_177 : memref<1x128xi32, #tpu.memory_space<vmem>> -> memref<128xi32, #tpu.memory_space<vmem>>
      %dma_start3A_179 = arith.constant 0 : i32
      %dma_start3A_180 = arith.constant 0 : i32
      %dma_start3A_181 = tpu.memref_slice %arg18[%dma_start3A_179, %dma_start3A_180] : memref<10112x32xf32, #tpu.memory_space<vmem_shared>> -> memref<10112x32xf32, #tpu.memory_space<vmem_shared>>
      tpu.enqueue_indirect_dma source(%arg9 : memref<128x32xf32, #tpu.memory_space<vmem>>) target(%dma_start3A_181 : memref<10112x32xf32, #tpu.memory_space<vmem_shared>>) offsets(%dma_start3A_178 : memref<128xi32, #tpu.memory_space<vmem>>) semaphore(%arg27 : memref<!tpu.dma_semaphore, #tpu.memory_space<semaphore_mem>>) {add = true}
      %add3A_182 = arith.constant 1 : i32
      %add3A_183 = arith.addi %mul3A_168, %add3A_182 : i32
      %dma_wait3A_184 = arith.constant 0 : i32
      %dma_wait3A_185 = tpu.memref_slice %arg7[%add3A_183, %dma_wait3A_184] : memref<160x128xi32, #tpu.memory_space<vmem>> -> memref<1x128xi32, #tpu.memory_space<vmem>>
      %dma_wait3A_186 = tpu.memref_squeeze %dma_wait3A_185 : memref<1x128xi32, #tpu.memory_space<vmem>> -> memref<128xi32, #tpu.memory_space<vmem>>
      %dma_wait3A_187 = arith.constant 0 : i32
      %dma_wait3A_188 = arith.constant 0 : i32
      %dma_wait3A_189 = tpu.memref_slice %arg17[%dma_wait3A_187, %dma_wait3A_188] : memref<10000x32xf32, #tpu.memory_space<vmem_shared>> -> memref<10000x32xf32, #tpu.memory_space<vmem_shared>>
      tpu.wait_indirect_dma semaphore(%arg20 : memref<!tpu.dma_semaphore, #tpu.memory_space<semaphore_mem>>) src(%dma_wait3A_189 : memref<10000x32xf32, #tpu.memory_space<vmem_shared>>) dst(%arg10 : memref<128x32xf32, #tpu.memory_space<vmem>>)
      %dma_start3A_190 = arith.constant 0 : i32
      %dma_start3A_191 = tpu.memref_slice %arg8[%add3A_183, %dma_start3A_190] : memref<160x128xi32, #tpu.memory_space<vmem>> -> memref<1x128xi32, #tpu.memory_space<vmem>>
      %dma_start3A_192 = tpu.memref_squeeze %dma_start3A_191 : memref<1x128xi32, #tpu.memory_space<vmem>> -> memref<128xi32, #tpu.memory_space<vmem>>
      %dma_start3A_193 = arith.constant 0 : i32
      %dma_start3A_194 = arith.constant 0 : i32
      %dma_start3A_195 = tpu.memref_slice %arg18[%dma_start3A_193, %dma_start3A_194] : memref<10112x32xf32, #tpu.memory_space<vmem_shared>> -> memref<10112x32xf32, #tpu.memory_space<vmem_shared>>
      tpu.enqueue_indirect_dma source(%arg10 : memref<128x32xf32, #tpu.memory_space<vmem>>) target(%dma_start3A_195 : memref<10112x32xf32, #tpu.memory_space<vmem_shared>>) offsets(%dma_start3A_192 : memref<128xi32, #tpu.memory_space<vmem>>) semaphore(%arg28 : memref<!tpu.dma_semaphore, #tpu.memory_space<semaphore_mem>>) {add = true}
      %add3A_196 = arith.constant 2 : i32
      %add3A_197 = arith.addi %mul3A_168, %add3A_196 : i32
      %dma_wait3A_198 = arith.constant 0 : i32
      %dma_wait3A_199 = tpu.memref_slice %arg7[%add3A_197, %dma_wait3A_198] : memref<160x128xi32, #tpu.memory_space<vmem>> -> memref<1x128xi32, #tpu.memory_space<vmem>>
      %dma_wait3A_200 = tpu.memref_squeeze %dma_wait3A_199 : memref<1x128xi32, #tpu.memory_space<vmem>> -> memref<128xi32, #tpu.memory_space<vmem>>
      %dma_wait3A_201 = arith.constant 0 : i32
      %dma_wait3A_202 = arith.constant 0 : i32
      %dma_wait3A_203 = tpu.memref_slice %arg17[%dma_wait3A_201, %dma_wait3A_202] : memref<10000x32xf32, #tpu.memory_space<vmem_shared>> -> memref<10000x32xf32, #tpu.memory_space<vmem_shared>>
      tpu.wait_indirect_dma semaphore(%arg21 : memref<!tpu.dma_semaphore, #tpu.memory_space<semaphore_mem>>) src(%dma_wait3A_203 : memref<10000x32xf32, #tpu.memory_space<vmem_shared>>) dst(%arg11 : memref<128x32xf32, #tpu.memory_space<vmem>>)
      %dma_start3A_204 = arith.constant 0 : i32
      %dma_start3A_205 = tpu.memref_slice %arg8[%add3A_197, %dma_start3A_204] : memref<160x128xi32, #tpu.memory_space<vmem>> -> memref<1x128xi32, #tpu.memory_space<vmem>>
      %dma_start3A_206 = tpu.memref_squeeze %dma_start3A_205 : memref<1x128xi32, #tpu.memory_space<vmem>> -> memref<128xi32, #tpu.memory_space<vmem>>
      %dma_start3A_207 = arith.constant 0 : i32
      %dma_start3A_208 = arith.constant 0 : i32
      %dma_start3A_209 = tpu.memref_slice %arg18[%dma_start3A_207, %dma_start3A_208] : memref<10112x32xf32, #tpu.memory_space<vmem_shared>> -> memref<10112x32xf32, #tpu.memory_space<vmem_shared>>
      tpu.enqueue_indirect_dma source(%arg11 : memref<128x32xf32, #tpu.memory_space<vmem>>) target(%dma_start3A_209 : memref<10112x32xf32, #tpu.memory_space<vmem_shared>>) offsets(%dma_start3A_206 : memref<128xi32, #tpu.memory_space<vmem>>) semaphore(%arg29 : memref<!tpu.dma_semaphore, #tpu.memory_space<semaphore_mem>>) {add = true}
      %add3A_210 = arith.constant 3 : i32
      %add3A_211 = arith.addi %mul3A_168, %add3A_210 : i32
      %dma_wait3A_212 = arith.constant 0 : i32
      %dma_wait3A_213 = tpu.memref_slice %arg7[%add3A_211, %dma_wait3A_212] : memref<160x128xi32, #tpu.memory_space<vmem>> -> memref<1x128xi32, #tpu.memory_space<vmem>>
      %dma_wait3A_214 = tpu.memref_squeeze %dma_wait3A_213 : memref<1x128xi32, #tpu.memory_space<vmem>> -> memref<128xi32, #tpu.memory_space<vmem>>
      %dma_wait3A_215 = arith.constant 0 : i32
      %dma_wait3A_216 = arith.constant 0 : i32
      %dma_wait3A_217 = tpu.memref_slice %arg17[%dma_wait3A_215, %dma_wait3A_216] : memref<10000x32xf32, #tpu.memory_space<vmem_shared>> -> memref<10000x32xf32, #tpu.memory_space<vmem_shared>>
      tpu.wait_indirect_dma semaphore(%arg22 : memref<!tpu.dma_semaphore, #tpu.memory_space<semaphore_mem>>) src(%dma_wait3A_217 : memref<10000x32xf32, #tpu.memory_space<vmem_shared>>) dst(%arg12 : memref<128x32xf32, #tpu.memory_space<vmem>>)
      %dma_start3A_218 = arith.constant 0 : i32
      %dma_start3A_219 = tpu.memref_slice %arg8[%add3A_211, %dma_start3A_218] : memref<160x128xi32, #tpu.memory_space<vmem>> -> memref<1x128xi32, #tpu.memory_space<vmem>>
      %dma_start3A_220 = tpu.memref_squeeze %dma_start3A_219 : memref<1x128xi32, #tpu.memory_space<vmem>> -> memref<128xi32, #tpu.memory_space<vmem>>
      %dma_start3A_221 = arith.constant 0 : i32
      %dma_start3A_222 = arith.constant 0 : i32
      %dma_start3A_223 = tpu.memref_slice %arg18[%dma_start3A_221, %dma_start3A_222] : memref<10112x32xf32, #tpu.memory_space<vmem_shared>> -> memref<10112x32xf32, #tpu.memory_space<vmem_shared>>
      tpu.enqueue_indirect_dma source(%arg12 : memref<128x32xf32, #tpu.memory_space<vmem>>) target(%dma_start3A_223 : memref<10112x32xf32, #tpu.memory_space<vmem_shared>>) offsets(%dma_start3A_220 : memref<128xi32, #tpu.memory_space<vmem>>) semaphore(%arg30 : memref<!tpu.dma_semaphore, #tpu.memory_space<semaphore_mem>>) {add = true}
      %add3A_224 = arith.constant 4 : i32
      %add3A_225 = arith.addi %mul3A_168, %add3A_224 : i32
      %dma_wait3A_226 = arith.constant 0 : i32
      %dma_wait3A_227 = tpu.memref_slice %arg7[%add3A_225, %dma_wait3A_226] : memref<160x128xi32, #tpu.memory_space<vmem>> -> memref<1x128xi32, #tpu.memory_space<vmem>>
      %dma_wait3A_228 = tpu.memref_squeeze %dma_wait3A_227 : memref<1x128xi32, #tpu.memory_space<vmem>> -> memref<128xi32, #tpu.memory_space<vmem>>
      %dma_wait3A_229 = arith.constant 0 : i32
      %dma_wait3A_230 = arith.constant 0 : i32
      %dma_wait3A_231 = tpu.memref_slice %arg17[%dma_wait3A_229, %dma_wait3A_230] : memref<10000x32xf32, #tpu.memory_space<vmem_shared>> -> memref<10000x32xf32, #tpu.memory_space<vmem_shared>>
      tpu.wait_indirect_dma semaphore(%arg23 : memref<!tpu.dma_semaphore, #tpu.memory_space<semaphore_mem>>) src(%dma_wait3A_231 : memref<10000x32xf32, #tpu.memory_space<vmem_shared>>) dst(%arg13 : memref<128x32xf32, #tpu.memory_space<vmem>>)
      %dma_start3A_232 = arith.constant 0 : i32
      %dma_start3A_233 = tpu.memref_slice %arg8[%add3A_225, %dma_start3A_232] : memref<160x128xi32, #tpu.memory_space<vmem>> -> memref<1x128xi32, #tpu.memory_space<vmem>>
      %dma_start3A_234 = tpu.memref_squeeze %dma_start3A_233 : memref<1x128xi32, #tpu.memory_space<vmem>> -> memref<128xi32, #tpu.memory_space<vmem>>
      %dma_start3A_235 = arith.constant 0 : i32
      %dma_start3A_236 = arith.constant 0 : i32
      %dma_start3A_237 = tpu.memref_slice %arg18[%dma_start3A_235, %dma_start3A_236] : memref<10112x32xf32, #tpu.memory_space<vmem_shared>> -> memref<10112x32xf32, #tpu.memory_space<vmem_shared>>
      tpu.enqueue_indirect_dma source(%arg13 : memref<128x32xf32, #tpu.memory_space<vmem>>) target(%dma_start3A_237 : memref<10112x32xf32, #tpu.memory_space<vmem_shared>>) offsets(%dma_start3A_234 : memref<128xi32, #tpu.memory_space<vmem>>) semaphore(%arg31 : memref<!tpu.dma_semaphore, #tpu.memory_space<semaphore_mem>>) {add = true}
      %add3A_238 = arith.constant 5 : i32
      %add3A_239 = arith.addi %mul3A_168, %add3A_238 : i32
      %dma_wait3A_240 = arith.constant 0 : i32
      %dma_wait3A_241 = tpu.memref_slice %arg7[%add3A_239, %dma_wait3A_240] : memref<160x128xi32, #tpu.memory_space<vmem>> -> memref<1x128xi32, #tpu.memory_space<vmem>>
      %dma_wait3A_242 = tpu.memref_squeeze %dma_wait3A_241 : memref<1x128xi32, #tpu.memory_space<vmem>> -> memref<128xi32, #tpu.memory_space<vmem>>
      %dma_wait3A_243 = arith.constant 0 : i32
      %dma_wait3A_244 = arith.constant 0 : i32
      %dma_wait3A_245 = tpu.memref_slice %arg17[%dma_wait3A_243, %dma_wait3A_244] : memref<10000x32xf32, #tpu.memory_space<vmem_shared>> -> memref<10000x32xf32, #tpu.memory_space<vmem_shared>>
      tpu.wait_indirect_dma semaphore(%arg24 : memref<!tpu.dma_semaphore, #tpu.memory_space<semaphore_mem>>) src(%dma_wait3A_245 : memref<10000x32xf32, #tpu.memory_space<vmem_shared>>) dst(%arg14 : memref<128x32xf32, #tpu.memory_space<vmem>>)
      %dma_start3A_246 = arith.constant 0 : i32
      %dma_start3A_247 = tpu.memref_slice %arg8[%add3A_239, %dma_start3A_246] : memref<160x128xi32, #tpu.memory_space<vmem>> -> memref<1x128xi32, #tpu.memory_space<vmem>>
      %dma_start3A_248 = tpu.memref_squeeze %dma_start3A_247 : memref<1x128xi32, #tpu.memory_space<vmem>> -> memref<128xi32, #tpu.memory_space<vmem>>
      %dma_start3A_249 = arith.constant 0 : i32
      %dma_start3A_250 = arith.constant 0 : i32
      %dma_start3A_251 = tpu.memref_slice %arg18[%dma_start3A_249, %dma_start3A_250] : memref<10112x32xf32, #tpu.memory_space<vmem_shared>> -> memref<10112x32xf32, #tpu.memory_space<vmem_shared>>
      tpu.enqueue_indirect_dma source(%arg14 : memref<128x32xf32, #tpu.memory_space<vmem>>) target(%dma_start3A_251 : memref<10112x32xf32, #tpu.memory_space<vmem_shared>>) offsets(%dma_start3A_248 : memref<128xi32, #tpu.memory_space<vmem>>) semaphore(%arg32 : memref<!tpu.dma_semaphore, #tpu.memory_space<semaphore_mem>>) {add = true}
      %add3A_252 = arith.constant 6 : i32
      %add3A_253 = arith.addi %mul3A_168, %add3A_252 : i32
      %dma_wait3A_254 = arith.constant 0 : i32
      %dma_wait3A_255 = tpu.memref_slice %arg7[%add3A_253, %dma_wait3A_254] : memref<160x128xi32, #tpu.memory_space<vmem>> -> memref<1x128xi32, #tpu.memory_space<vmem>>
      %dma_wait3A_256 = tpu.memref_squeeze %dma_wait3A_255 : memref<1x128xi32, #tpu.memory_space<vmem>> -> memref<128xi32, #tpu.memory_space<vmem>>
      %dma_wait3A_257 = arith.constant 0 : i32
      %dma_wait3A_258 = arith.constant 0 : i32
      %dma_wait3A_259 = tpu.memref_slice %arg17[%dma_wait3A_257, %dma_wait3A_258] : memref<10000x32xf32, #tpu.memory_space<vmem_shared>> -> memref<10000x32xf32, #tpu.memory_space<vmem_shared>>
      tpu.wait_indirect_dma semaphore(%arg25 : memref<!tpu.dma_semaphore, #tpu.memory_space<semaphore_mem>>) src(%dma_wait3A_259 : memref<10000x32xf32, #tpu.memory_space<vmem_shared>>) dst(%arg15 : memref<128x32xf32, #tpu.memory_space<vmem>>)
      %dma_start3A_260 = arith.constant 0 : i32
      %dma_start3A_261 = tpu.memref_slice %arg8[%add3A_253, %dma_start3A_260] : memref<160x128xi32, #tpu.memory_space<vmem>> -> memref<1x128xi32, #tpu.memory_space<vmem>>
      %dma_start3A_262 = tpu.memref_squeeze %dma_start3A_261 : memref<1x128xi32, #tpu.memory_space<vmem>> -> memref<128xi32, #tpu.memory_space<vmem>>
      %dma_start3A_263 = arith.constant 0 : i32
      %dma_start3A_264 = arith.constant 0 : i32
      %dma_start3A_265 = tpu.memref_slice %arg18[%dma_start3A_263, %dma_start3A_264] : memref<10112x32xf32, #tpu.memory_space<vmem_shared>> -> memref<10112x32xf32, #tpu.memory_space<vmem_shared>>
      tpu.enqueue_indirect_dma source(%arg15 : memref<128x32xf32, #tpu.memory_space<vmem>>) target(%dma_start3A_265 : memref<10112x32xf32, #tpu.memory_space<vmem_shared>>) offsets(%dma_start3A_262 : memref<128xi32, #tpu.memory_space<vmem>>) semaphore(%arg33 : memref<!tpu.dma_semaphore, #tpu.memory_space<semaphore_mem>>) {add = true}
      %add3A_266 = arith.constant 7 : i32
      %add3A_267 = arith.addi %mul3A_168, %add3A_266 : i32
      %dma_wait3A_268 = arith.constant 0 : i32
      %dma_wait3A_269 = tpu.memref_slice %arg7[%add3A_267, %dma_wait3A_268] : memref<160x128xi32, #tpu.memory_space<vmem>> -> memref<1x128xi32, #tpu.memory_space<vmem>>
      %dma_wait3A_270 = tpu.memref_squeeze %dma_wait3A_269 : memref<1x128xi32, #tpu.memory_space<vmem>> -> memref<128xi32, #tpu.memory_space<vmem>>
      %dma_wait3A_271 = arith.constant 0 : i32
      %dma_wait3A_272 = arith.constant 0 : i32
      %dma_wait3A_273 = tpu.memref_slice %arg17[%dma_wait3A_271, %dma_wait3A_272] : memref<10000x32xf32, #tpu.memory_space<vmem_shared>> -> memref<10000x32xf32, #tpu.memory_space<vmem_shared>>
      tpu.wait_indirect_dma semaphore(%arg26 : memref<!tpu.dma_semaphore, #tpu.memory_space<semaphore_mem>>) src(%dma_wait3A_273 : memref<10000x32xf32, #tpu.memory_space<vmem_shared>>) dst(%arg16 : memref<128x32xf32, #tpu.memory_space<vmem>>)
      %dma_start3A_274 = arith.constant 0 : i32
      %dma_start3A_275 = tpu.memref_slice %arg8[%add3A_267, %dma_start3A_274] : memref<160x128xi32, #tpu.memory_space<vmem>> -> memref<1x128xi32, #tpu.memory_space<vmem>>
      %dma_start3A_276 = tpu.memref_squeeze %dma_start3A_275 : memref<1x128xi32, #tpu.memory_space<vmem>> -> memref<128xi32, #tpu.memory_space<vmem>>
      %dma_start3A_277 = arith.constant 0 : i32
      %dma_start3A_278 = arith.constant 0 : i32
      %dma_start3A_279 = tpu.memref_slice %arg18[%dma_start3A_277, %dma_start3A_278] : memref<10112x32xf32, #tpu.memory_space<vmem_shared>> -> memref<10112x32xf32, #tpu.memory_space<vmem_shared>>
      tpu.enqueue_indirect_dma source(%arg16 : memref<128x32xf32, #tpu.memory_space<vmem>>) target(%dma_start3A_279 : memref<10112x32xf32, #tpu.memory_space<vmem_shared>>) offsets(%dma_start3A_276 : memref<128xi32, #tpu.memory_space<vmem>>) semaphore(%arg34 : memref<!tpu.dma_semaphore, #tpu.memory_space<semaphore_mem>>) {add = true}
      %add3A_280 = arith.constant 0 : i32
      %add3A_281 = arith.addi %mul3A_168, %add3A_280 : i32
      %dma_wait3A_282 = arith.constant 0 : i32
      %dma_wait3A_283 = tpu.memref_slice %arg8[%add3A_281, %dma_wait3A_282] : memref<160x128xi32, #tpu.memory_space<vmem>> -> memref<1x128xi32, #tpu.memory_space<vmem>>
      %dma_wait3A_284 = tpu.memref_squeeze %dma_wait3A_283 : memref<1x128xi32, #tpu.memory_space<vmem>> -> memref<128xi32, #tpu.memory_space<vmem>>
      %dma_wait3A_285 = arith.constant 0 : i32
      %dma_wait3A_286 = arith.constant 0 : i32
      %dma_wait3A_287 = tpu.memref_slice %arg18[%dma_wait3A_285, %dma_wait3A_286] : memref<10112x32xf32, #tpu.memory_space<vmem_shared>> -> memref<10112x32xf32, #tpu.memory_space<vmem_shared>>
      tpu.wait_indirect_dma semaphore(%arg27 : memref<!tpu.dma_semaphore, #tpu.memory_space<semaphore_mem>>) src(%arg9 : memref<128x32xf32, #tpu.memory_space<vmem>>) dst(%dma_wait3A_287 : memref<10112x32xf32, #tpu.memory_space<vmem_shared>>)
      %add3A_288 = arith.constant 8 : i32
      %add3A_289 = arith.addi %add3A_281, %add3A_288 : i32
      %lt3A = arith.constant 160 : i32
      %lt3A_290 = arith.cmpi slt, %add3A_289, %lt3A : i32
      %convert_element_type3A = arith.extui %lt3A_290 : i1 to i32
      %cond3A = arith.constant 0 : i32
      %cond3A_291 = arith.cmpi ne, %convert_element_type3A, %cond3A : i32
      scf.if %cond3A_291 {
        %add3A_398 = arith.constant 8 : i32
        %add3A_399 = arith.addi %add3A_281, %add3A_398 : i32
        %dma_start3A_400 = arith.constant 0 : i32
        %dma_start3A_401 = tpu.memref_slice %arg7[%add3A_399, %dma_start3A_400] : memref<160x128xi32, #tpu.memory_space<vmem>> -> memref<1x128xi32, #tpu.memory_space<vmem>>
        %dma_start3A_402 = tpu.memref_squeeze %dma_start3A_401 : memref<1x128xi32, #tpu.memory_space<vmem>> -> memref<128xi32, #tpu.memory_space<vmem>>
        %dma_start3A_403 = arith.constant 0 : i32
        %dma_start3A_404 = arith.constant 0 : i32
        %dma_start3A_405 = tpu.memref_slice %arg17[%dma_start3A_403, %dma_start3A_404] : memref<10000x32xf32, #tpu.memory_space<vmem_shared>> -> memref<10000x32xf32, #tpu.memory_space<vmem_shared>>
        tpu.enqueue_indirect_dma source(%dma_start3A_405 : memref<10000x32xf32, #tpu.memory_space<vmem_shared>>) target(%arg9 : memref<128x32xf32, #tpu.memory_space<vmem>>) offsets(%dma_start3A_402 : memref<128xi32, #tpu.memory_space<vmem>>) semaphore(%arg19 : memref<!tpu.dma_semaphore, #tpu.memory_space<semaphore_mem>>)
      } else {
      }
      %add3A_292 = arith.constant 1 : i32
      %add3A_293 = arith.addi %mul3A_168, %add3A_292 : i32
      %dma_wait3A_294 = arith.constant 0 : i32
      %dma_wait3A_295 = tpu.memref_slice %arg8[%add3A_293, %dma_wait3A_294] : memref<160x128xi32, #tpu.memory_space<vmem>> -> memref<1x128xi32, #tpu.memory_space<vmem>>
      %dma_wait3A_296 = tpu.memref_squeeze %dma_wait3A_295 : memref<1x128xi32, #tpu.memory_space<vmem>> -> memref<128xi32, #tpu.memory_space<vmem>>
      %dma_wait3A_297 = arith.constant 0 : i32
      %dma_wait3A_298 = arith.constant 0 : i32
      %dma_wait3A_299 = tpu.memref_slice %arg18[%dma_wait3A_297, %dma_wait3A_298] : memref<10112x32xf32, #tpu.memory_space<vmem_shared>> -> memref<10112x32xf32, #tpu.memory_space<vmem_shared>>
      tpu.wait_indirect_dma semaphore(%arg28 : memref<!tpu.dma_semaphore, #tpu.memory_space<semaphore_mem>>) src(%arg10 : memref<128x32xf32, #tpu.memory_space<vmem>>) dst(%dma_wait3A_299 : memref<10112x32xf32, #tpu.memory_space<vmem_shared>>)
      %add3A_300 = arith.constant 8 : i32
      %add3A_301 = arith.addi %add3A_293, %add3A_300 : i32
      %lt3A_302 = arith.constant 160 : i32
      %lt3A_303 = arith.cmpi slt, %add3A_301, %lt3A_302 : i32
      %convert_element_type3A_304 = arith.extui %lt3A_303 : i1 to i32
      %cond3A_305 = arith.constant 0 : i32
      %cond3A_306 = arith.cmpi ne, %convert_element_type3A_304, %cond3A_305 : i32
      scf.if %cond3A_306 {
        %add3A_398 = arith.constant 8 : i32
        %add3A_399 = arith.addi %add3A_293, %add3A_398 : i32
        %dma_start3A_400 = arith.constant 0 : i32
        %dma_start3A_401 = tpu.memref_slice %arg7[%add3A_399, %dma_start3A_400] : memref<160x128xi32, #tpu.memory_space<vmem>> -> memref<1x128xi32, #tpu.memory_space<vmem>>
        %dma_start3A_402 = tpu.memref_squeeze %dma_start3A_401 : memref<1x128xi32, #tpu.memory_space<vmem>> -> memref<128xi32, #tpu.memory_space<vmem>>
        %dma_start3A_403 = arith.constant 0 : i32
        %dma_start3A_404 = arith.constant 0 : i32
        %dma_start3A_405 = tpu.memref_slice %arg17[%dma_start3A_403, %dma_start3A_404] : memref<10000x32xf32, #tpu.memory_space<vmem_shared>> -> memref<10000x32xf32, #tpu.memory_space<vmem_shared>>
        tpu.enqueue_indirect_dma source(%dma_start3A_405 : memref<10000x32xf32, #tpu.memory_space<vmem_shared>>) target(%arg10 : memref<128x32xf32, #tpu.memory_space<vmem>>) offsets(%dma_start3A_402 : memref<128xi32, #tpu.memory_space<vmem>>) semaphore(%arg20 : memref<!tpu.dma_semaphore, #tpu.memory_space<semaphore_mem>>)
      } else {
      }
      %add3A_307 = arith.constant 2 : i32
      %add3A_308 = arith.addi %mul3A_168, %add3A_307 : i32
      %dma_wait3A_309 = arith.constant 0 : i32
      %dma_wait3A_310 = tpu.memref_slice %arg8[%add3A_308, %dma_wait3A_309] : memref<160x128xi32, #tpu.memory_space<vmem>> -> memref<1x128xi32, #tpu.memory_space<vmem>>
      %dma_wait3A_311 = tpu.memref_squeeze %dma_wait3A_310 : memref<1x128xi32, #tpu.memory_space<vmem>> -> memref<128xi32, #tpu.memory_space<vmem>>
      %dma_wait3A_312 = arith.constant 0 : i32
      %dma_wait3A_313 = arith.constant 0 : i32
      %dma_wait3A_314 = tpu.memref_slice %arg18[%dma_wait3A_312, %dma_wait3A_313] : memref<10112x32xf32, #tpu.memory_space<vmem_shared>> -> memref<10112x32xf32, #tpu.memory_space<vmem_shared>>
      tpu.wait_indirect_dma semaphore(%arg29 : memref<!tpu.dma_semaphore, #tpu.memory_space<semaphore_mem>>) src(%arg11 : memref<128x32xf32, #tpu.memory_space<vmem>>) dst(%dma_wait3A_314 : memref<10112x32xf32, #tpu.memory_space<vmem_shared>>)
      %add3A_315 = arith.constant 8 : i32
      %add3A_316 = arith.addi %add3A_308, %add3A_315 : i32
      %lt3A_317 = arith.constant 160 : i32
      %lt3A_318 = arith.cmpi slt, %add3A_316, %lt3A_317 : i32
      %convert_element_type3A_319 = arith.extui %lt3A_318 : i1 to i32
      %cond3A_320 = arith.constant 0 : i32
      %cond3A_321 = arith.cmpi ne, %convert_element_type3A_319, %cond3A_320 : i32
      scf.if %cond3A_321 {
        %add3A_398 = arith.constant 8 : i32
        %add3A_399 = arith.addi %add3A_308, %add3A_398 : i32
        %dma_start3A_400 = arith.constant 0 : i32
        %dma_start3A_401 = tpu.memref_slice %arg7[%add3A_399, %dma_start3A_400] : memref<160x128xi32, #tpu.memory_space<vmem>> -> memref<1x128xi32, #tpu.memory_space<vmem>>
        %dma_start3A_402 = tpu.memref_squeeze %dma_start3A_401 : memref<1x128xi32, #tpu.memory_space<vmem>> -> memref<128xi32, #tpu.memory_space<vmem>>
        %dma_start3A_403 = arith.constant 0 : i32
        %dma_start3A_404 = arith.constant 0 : i32
        %dma_start3A_405 = tpu.memref_slice %arg17[%dma_start3A_403, %dma_start3A_404] : memref<10000x32xf32, #tpu.memory_space<vmem_shared>> -> memref<10000x32xf32, #tpu.memory_space<vmem_shared>>
        tpu.enqueue_indirect_dma source(%dma_start3A_405 : memref<10000x32xf32, #tpu.memory_space<vmem_shared>>) target(%arg11 : memref<128x32xf32, #tpu.memory_space<vmem>>) offsets(%dma_start3A_402 : memref<128xi32, #tpu.memory_space<vmem>>) semaphore(%arg21 : memref<!tpu.dma_semaphore, #tpu.memory_space<semaphore_mem>>)
      } else {
      }
      %add3A_322 = arith.constant 3 : i32
      %add3A_323 = arith.addi %mul3A_168, %add3A_322 : i32
      %dma_wait3A_324 = arith.constant 0 : i32
      %dma_wait3A_325 = tpu.memref_slice %arg8[%add3A_323, %dma_wait3A_324] : memref<160x128xi32, #tpu.memory_space<vmem>> -> memref<1x128xi32, #tpu.memory_space<vmem>>
      %dma_wait3A_326 = tpu.memref_squeeze %dma_wait3A_325 : memref<1x128xi32, #tpu.memory_space<vmem>> -> memref<128xi32, #tpu.memory_space<vmem>>
      %dma_wait3A_327 = arith.constant 0 : i32
      %dma_wait3A_328 = arith.constant 0 : i32
      %dma_wait3A_329 = tpu.memref_slice %arg18[%dma_wait3A_327, %dma_wait3A_328] : memref<10112x32xf32, #tpu.memory_space<vmem_shared>> -> memref<10112x32xf32, #tpu.memory_space<vmem_shared>>
      tpu.wait_indirect_dma semaphore(%arg30 : memref<!tpu.dma_semaphore, #tpu.memory_space<semaphore_mem>>) src(%arg12 : memref<128x32xf32, #tpu.memory_space<vmem>>) dst(%dma_wait3A_329 : memref<10112x32xf32, #tpu.memory_space<vmem_shared>>)
      %add3A_330 = arith.constant 8 : i32
      %add3A_331 = arith.addi %add3A_323, %add3A_330 : i32
      %lt3A_332 = arith.constant 160 : i32
      %lt3A_333 = arith.cmpi slt, %add3A_331, %lt3A_332 : i32
      %convert_element_type3A_334 = arith.extui %lt3A_333 : i1 to i32
      %cond3A_335 = arith.constant 0 : i32
      %cond3A_336 = arith.cmpi ne, %convert_element_type3A_334, %cond3A_335 : i32
      scf.if %cond3A_336 {
        %add3A_398 = arith.constant 8 : i32
        %add3A_399 = arith.addi %add3A_323, %add3A_398 : i32
        %dma_start3A_400 = arith.constant 0 : i32
        %dma_start3A_401 = tpu.memref_slice %arg7[%add3A_399, %dma_start3A_400] : memref<160x128xi32, #tpu.memory_space<vmem>> -> memref<1x128xi32, #tpu.memory_space<vmem>>
        %dma_start3A_402 = tpu.memref_squeeze %dma_start3A_401 : memref<1x128xi32, #tpu.memory_space<vmem>> -> memref<128xi32, #tpu.memory_space<vmem>>
        %dma_start3A_403 = arith.constant 0 : i32
        %dma_start3A_404 = arith.constant 0 : i32
        %dma_start3A_405 = tpu.memref_slice %arg17[%dma_start3A_403, %dma_start3A_404] : memref<10000x32xf32, #tpu.memory_space<vmem_shared>> -> memref<10000x32xf32, #tpu.memory_space<vmem_shared>>
        tpu.enqueue_indirect_dma source(%dma_start3A_405 : memref<10000x32xf32, #tpu.memory_space<vmem_shared>>) target(%arg12 : memref<128x32xf32, #tpu.memory_space<vmem>>) offsets(%dma_start3A_402 : memref<128xi32, #tpu.memory_space<vmem>>) semaphore(%arg22 : memref<!tpu.dma_semaphore, #tpu.memory_space<semaphore_mem>>)
      } else {
      }
      %add3A_337 = arith.constant 4 : i32
      %add3A_338 = arith.addi %mul3A_168, %add3A_337 : i32
      %dma_wait3A_339 = arith.constant 0 : i32
      %dma_wait3A_340 = tpu.memref_slice %arg8[%add3A_338, %dma_wait3A_339] : memref<160x128xi32, #tpu.memory_space<vmem>> -> memref<1x128xi32, #tpu.memory_space<vmem>>
      %dma_wait3A_341 = tpu.memref_squeeze %dma_wait3A_340 : memref<1x128xi32, #tpu.memory_space<vmem>> -> memref<128xi32, #tpu.memory_space<vmem>>
      %dma_wait3A_342 = arith.constant 0 : i32
      %dma_wait3A_343 = arith.constant 0 : i32
      %dma_wait3A_344 = tpu.memref_slice %arg18[%dma_wait3A_342, %dma_wait3A_343] : memref<10112x32xf32, #tpu.memory_space<vmem_shared>> -> memref<10112x32xf32, #tpu.memory_space<vmem_shared>>
      tpu.wait_indirect_dma semaphore(%arg31 : memref<!tpu.dma_semaphore, #tpu.memory_space<semaphore_mem>>) src(%arg13 : memref<128x32xf32, #tpu.memory_space<vmem>>) dst(%dma_wait3A_344 : memref<10112x32xf32, #tpu.memory_space<vmem_shared>>)
      %add3A_345 = arith.constant 8 : i32
      %add3A_346 = arith.addi %add3A_338, %add3A_345 : i32
      %lt3A_347 = arith.constant 160 : i32
      %lt3A_348 = arith.cmpi slt, %add3A_346, %lt3A_347 : i32
      %convert_element_type3A_349 = arith.extui %lt3A_348 : i1 to i32
      %cond3A_350 = arith.constant 0 : i32
      %cond3A_351 = arith.cmpi ne, %convert_element_type3A_349, %cond3A_350 : i32
      scf.if %cond3A_351 {
        %add3A_398 = arith.constant 8 : i32
        %add3A_399 = arith.addi %add3A_338, %add3A_398 : i32
        %dma_start3A_400 = arith.constant 0 : i32
        %dma_start3A_401 = tpu.memref_slice %arg7[%add3A_399, %dma_start3A_400] : memref<160x128xi32, #tpu.memory_space<vmem>> -> memref<1x128xi32, #tpu.memory_space<vmem>>
        %dma_start3A_402 = tpu.memref_squeeze %dma_start3A_401 : memref<1x128xi32, #tpu.memory_space<vmem>> -> memref<128xi32, #tpu.memory_space<vmem>>
        %dma_start3A_403 = arith.constant 0 : i32
        %dma_start3A_404 = arith.constant 0 : i32
        %dma_start3A_405 = tpu.memref_slice %arg17[%dma_start3A_403, %dma_start3A_404] : memref<10000x32xf32, #tpu.memory_space<vmem_shared>> -> memref<10000x32xf32, #tpu.memory_space<vmem_shared>>
        tpu.enqueue_indirect_dma source(%dma_start3A_405 : memref<10000x32xf32, #tpu.memory_space<vmem_shared>>) target(%arg13 : memref<128x32xf32, #tpu.memory_space<vmem>>) offsets(%dma_start3A_402 : memref<128xi32, #tpu.memory_space<vmem>>) semaphore(%arg23 : memref<!tpu.dma_semaphore, #tpu.memory_space<semaphore_mem>>)
      } else {
      }
      %add3A_352 = arith.constant 5 : i32
      %add3A_353 = arith.addi %mul3A_168, %add3A_352 : i32
      %dma_wait3A_354 = arith.constant 0 : i32
      %dma_wait3A_355 = tpu.memref_slice %arg8[%add3A_353, %dma_wait3A_354] : memref<160x128xi32, #tpu.memory_space<vmem>> -> memref<1x128xi32, #tpu.memory_space<vmem>>
      %dma_wait3A_356 = tpu.memref_squeeze %dma_wait3A_355 : memref<1x128xi32, #tpu.memory_space<vmem>> -> memref<128xi32, #tpu.memory_space<vmem>>
      %dma_wait3A_357 = arith.constant 0 : i32
      %dma_wait3A_358 = arith.constant 0 : i32
      %dma_wait3A_359 = tpu.memref_slice %arg18[%dma_wait3A_357, %dma_wait3A_358] : memref<10112x32xf32, #tpu.memory_space<vmem_shared>> -> memref<10112x32xf32, #tpu.memory_space<vmem_shared>>
      tpu.wait_indirect_dma semaphore(%arg32 : memref<!tpu.dma_semaphore, #tpu.memory_space<semaphore_mem>>) src(%arg14 : memref<128x32xf32, #tpu.memory_space<vmem>>) dst(%dma_wait3A_359 : memref<10112x32xf32, #tpu.memory_space<vmem_shared>>)
      %add3A_360 = arith.constant 8 : i32
      %add3A_361 = arith.addi %add3A_353, %add3A_360 : i32
      %lt3A_362 = arith.constant 160 : i32
      %lt3A_363 = arith.cmpi slt, %add3A_361, %lt3A_362 : i32
      %convert_element_type3A_364 = arith.extui %lt3A_363 : i1 to i32
      %cond3A_365 = arith.constant 0 : i32
      %cond3A_366 = arith.cmpi ne, %convert_element_type3A_364, %cond3A_365 : i32
      scf.if %cond3A_366 {
        %add3A_398 = arith.constant 8 : i32
        %add3A_399 = arith.addi %add3A_353, %add3A_398 : i32
        %dma_start3A_400 = arith.constant 0 : i32
        %dma_start3A_401 = tpu.memref_slice %arg7[%add3A_399, %dma_start3A_400] : memref<160x128xi32, #tpu.memory_space<vmem>> -> memref<1x128xi32, #tpu.memory_space<vmem>>
        %dma_start3A_402 = tpu.memref_squeeze %dma_start3A_401 : memref<1x128xi32, #tpu.memory_space<vmem>> -> memref<128xi32, #tpu.memory_space<vmem>>
        %dma_start3A_403 = arith.constant 0 : i32
        %dma_start3A_404 = arith.constant 0 : i32
        %dma_start3A_405 = tpu.memref_slice %arg17[%dma_start3A_403, %dma_start3A_404] : memref<10000x32xf32, #tpu.memory_space<vmem_shared>> -> memref<10000x32xf32, #tpu.memory_space<vmem_shared>>
        tpu.enqueue_indirect_dma source(%dma_start3A_405 : memref<10000x32xf32, #tpu.memory_space<vmem_shared>>) target(%arg14 : memref<128x32xf32, #tpu.memory_space<vmem>>) offsets(%dma_start3A_402 : memref<128xi32, #tpu.memory_space<vmem>>) semaphore(%arg24 : memref<!tpu.dma_semaphore, #tpu.memory_space<semaphore_mem>>)
      } else {
      }
      %add3A_367 = arith.constant 6 : i32
      %add3A_368 = arith.addi %mul3A_168, %add3A_367 : i32
      %dma_wait3A_369 = arith.constant 0 : i32
      %dma_wait3A_370 = tpu.memref_slice %arg8[%add3A_368, %dma_wait3A_369] : memref<160x128xi32, #tpu.memory_space<vmem>> -> memref<1x128xi32, #tpu.memory_space<vmem>>
      %dma_wait3A_371 = tpu.memref_squeeze %dma_wait3A_370 : memref<1x128xi32, #tpu.memory_space<vmem>> -> memref<128xi32, #tpu.memory_space<vmem>>
      %dma_wait3A_372 = arith.constant 0 : i32
      %dma_wait3A_373 = arith.constant 0 : i32
      %dma_wait3A_374 = tpu.memref_slice %arg18[%dma_wait3A_372, %dma_wait3A_373] : memref<10112x32xf32, #tpu.memory_space<vmem_shared>> -> memref<10112x32xf32, #tpu.memory_space<vmem_shared>>
      tpu.wait_indirect_dma semaphore(%arg33 : memref<!tpu.dma_semaphore, #tpu.memory_space<semaphore_mem>>) src(%arg15 : memref<128x32xf32, #tpu.memory_space<vmem>>) dst(%dma_wait3A_374 : memref<10112x32xf32, #tpu.memory_space<vmem_shared>>)
      %add3A_375 = arith.constant 8 : i32
      %add3A_376 = arith.addi %add3A_368, %add3A_375 : i32
      %lt3A_377 = arith.constant 160 : i32
      %lt3A_378 = arith.cmpi slt, %add3A_376, %lt3A_377 : i32
      %convert_element_type3A_379 = arith.extui %lt3A_378 : i1 to i32
      %cond3A_380 = arith.constant 0 : i32
      %cond3A_381 = arith.cmpi ne, %convert_element_type3A_379, %cond3A_380 : i32
      scf.if %cond3A_381 {
        %add3A_398 = arith.constant 8 : i32
        %add3A_399 = arith.addi %add3A_368, %add3A_398 : i32
        %dma_start3A_400 = arith.constant 0 : i32
        %dma_start3A_401 = tpu.memref_slice %arg7[%add3A_399, %dma_start3A_400] : memref<160x128xi32, #tpu.memory_space<vmem>> -> memref<1x128xi32, #tpu.memory_space<vmem>>
        %dma_start3A_402 = tpu.memref_squeeze %dma_start3A_401 : memref<1x128xi32, #tpu.memory_space<vmem>> -> memref<128xi32, #tpu.memory_space<vmem>>
        %dma_start3A_403 = arith.constant 0 : i32
        %dma_start3A_404 = arith.constant 0 : i32
        %dma_start3A_405 = tpu.memref_slice %arg17[%dma_start3A_403, %dma_start3A_404] : memref<10000x32xf32, #tpu.memory_space<vmem_shared>> -> memref<10000x32xf32, #tpu.memory_space<vmem_shared>>
        tpu.enqueue_indirect_dma source(%dma_start3A_405 : memref<10000x32xf32, #tpu.memory_space<vmem_shared>>) target(%arg15 : memref<128x32xf32, #tpu.memory_space<vmem>>) offsets(%dma_start3A_402 : memref<128xi32, #tpu.memory_space<vmem>>) semaphore(%arg25 : memref<!tpu.dma_semaphore, #tpu.memory_space<semaphore_mem>>)
      } else {
      }
      %add3A_382 = arith.constant 7 : i32
      %add3A_383 = arith.addi %mul3A_168, %add3A_382 : i32
      %dma_wait3A_384 = arith.constant 0 : i32
      %dma_wait3A_385 = tpu.memref_slice %arg8[%add3A_383, %dma_wait3A_384] : memref<160x128xi32, #tpu.memory_space<vmem>> -> memref<1x128xi32, #tpu.memory_space<vmem>>
      %dma_wait3A_386 = tpu.memref_squeeze %dma_wait3A_385 : memref<1x128xi32, #tpu.memory_space<vmem>> -> memref<128xi32, #tpu.memory_space<vmem>>
      %dma_wait3A_387 = arith.constant 0 : i32
      %dma_wait3A_388 = arith.constant 0 : i32
      %dma_wait3A_389 = tpu.memref_slice %arg18[%dma_wait3A_387, %dma_wait3A_388] : memref<10112x32xf32, #tpu.memory_space<vmem_shared>> -> memref<10112x32xf32, #tpu.memory_space<vmem_shared>>
      tpu.wait_indirect_dma semaphore(%arg34 : memref<!tpu.dma_semaphore, #tpu.memory_space<semaphore_mem>>) src(%arg16 : memref<128x32xf32, #tpu.memory_space<vmem>>) dst(%dma_wait3A_389 : memref<10112x32xf32, #tpu.memory_space<vmem_shared>>)
      %add3A_390 = arith.constant 8 : i32
      %add3A_391 = arith.addi %add3A_383, %add3A_390 : i32
      %lt3A_392 = arith.constant 160 : i32
      %lt3A_393 = arith.cmpi slt, %add3A_391, %lt3A_392 : i32
      %convert_element_type3A_394 = arith.extui %lt3A_393 : i1 to i32
      %cond3A_395 = arith.constant 0 : i32
      %cond3A_396 = arith.cmpi ne, %convert_element_type3A_394, %cond3A_395 : i32
      scf.if %cond3A_396 {
        %add3A_398 = arith.constant 8 : i32
        %add3A_399 = arith.addi %add3A_383, %add3A_398 : i32
        %dma_start3A_400 = arith.constant 0 : i32
        %dma_start3A_401 = tpu.memref_slice %arg7[%add3A_399, %dma_start3A_400] : memref<160x128xi32, #tpu.memory_space<vmem>> -> memref<1x128xi32, #tpu.memory_space<vmem>>
        %dma_start3A_402 = tpu.memref_squeeze %dma_start3A_401 : memref<1x128xi32, #tpu.memory_space<vmem>> -> memref<128xi32, #tpu.memory_space<vmem>>
        %dma_start3A_403 = arith.constant 0 : i32
        %dma_start3A_404 = arith.constant 0 : i32
        %dma_start3A_405 = tpu.memref_slice %arg17[%dma_start3A_403, %dma_start3A_404] : memref<10000x32xf32, #tpu.memory_space<vmem_shared>> -> memref<10000x32xf32, #tpu.memory_space<vmem_shared>>
        tpu.enqueue_indirect_dma source(%dma_start3A_405 : memref<10000x32xf32, #tpu.memory_space<vmem_shared>>) target(%arg16 : memref<128x32xf32, #tpu.memory_space<vmem>>) offsets(%dma_start3A_402 : memref<128xi32, #tpu.memory_space<vmem>>) semaphore(%arg26 : memref<!tpu.dma_semaphore, #tpu.memory_space<semaphore_mem>>)
      } else {
      }
      %scan3A_397 = arith.constant 0 : i32
      scf.yield %scan3A_397 : i32
    }
    %scan3A_155 = arith.constant 20 : i32
    %barrier3A_156 = arith.constant 0 : index
    tpu.barrier barrier_id(%barrier3A_156)
    %mul3A_157 = arith.constant 632 : i32
    %mul3A_158 = arith.muli %arg1, %mul3A_157 : i32
    %mul3A_159 = arith.constant 2 : i32
    %mul3A_160 = arith.muli %arg0, %mul3A_159 : i32
    %add3A_161 = arith.constant 1 : i32
    %add3A_162 = arith.addi %mul3A_160, %add3A_161 : i32
    %mul3A_163 = arith.constant 632 : i32
    %mul3A_164 = arith.muli %arg1, %mul3A_163 : i32
    "tpu.region"() ({
      %run_scoped3A = tpu.sem_alloc : memref<!tpu.dma_semaphore, #tpu.memory_space<semaphore_mem>>
      %dma_start3A_165 = arith.constant 0 : i32
      %dma_start3A_166 = tpu.memref_slice %arg6[%add3A_162, %mul3A_164, %dma_start3A_165] : memref<4x10112x32xf32, #tpu.memory_space<hbm>> -> memref<1x632x32xf32, #tpu.memory_space<hbm>>
      %dma_start3A_167 = tpu.memref_squeeze %dma_start3A_166 : memref<1x632x32xf32, #tpu.memory_space<hbm>> -> memref<632x32xf32, #tpu.memory_space<hbm>>
      %dma_start3A_168 = arith.constant 0 : i32
      %dma_start3A_169 = tpu.memref_slice %arg18[%mul3A_158, %dma_start3A_168] : memref<10112x32xf32, #tpu.memory_space<vmem_shared>> -> memref<632x32xf32, #tpu.memory_space<vmem_shared>>
      tpu.enqueue_dma source(%dma_start3A_169 : memref<632x32xf32, #tpu.memory_space<vmem_shared>>) target(%dma_start3A_167 : memref<632x32xf32, #tpu.memory_space<hbm>>) target_semaphore(%run_scoped3A : memref<!tpu.dma_semaphore, #tpu.memory_space<semaphore_mem>>)
      %dma_wait3A = arith.constant 0 : i32
      %dma_wait3A_170 = tpu.memref_slice %arg6[%add3A_162, %mul3A_164, %dma_wait3A] : memref<4x10112x32xf32, #tpu.memory_space<hbm>> -> memref<1x632x32xf32, #tpu.memory_space<hbm>>
      %dma_wait3A_171 = tpu.memref_squeeze %dma_wait3A_170 : memref<1x632x32xf32, #tpu.memory_space<hbm>> -> memref<632x32xf32, #tpu.memory_space<hbm>>
      %dma_wait3A_172 = arith.constant 0 : i32
      %dma_wait3A_173 = tpu.memref_slice %arg18[%mul3A_158, %dma_wait3A_172] : memref<10112x32xf32, #tpu.memory_space<vmem_shared>> -> memref<632x32xf32, #tpu.memory_space<vmem_shared>>
      tpu.wait_dma2 semaphore(%run_scoped3A : memref<!tpu.dma_semaphore, #tpu.memory_space<semaphore_mem>>) src(%dma_wait3A_173 : memref<632x32xf32, #tpu.memory_space<vmem_shared>>) dst(%dma_wait3A_171 : memref<632x32xf32, #tpu.memory_space<hbm>>)
      tpu.yield
    }) : () -> ()
    return
  }
}

module attributes {stable_mosaic.version = 14 : i64} {
  func.func @_tc_x4_body(%arg0: memref<32x10112xf32, #tpu.memory_space<vmem>>, %arg1: memref<10000x128xf32, #tpu.memory_space<vmem>>, %arg2: memref<4x10000x32xf32, #tpu.memory_space<vmem>>, %arg3: memref<10000x1xf32, #tpu.memory_space<vmem>>) attributes {dimension_semantics = [], scalar_prefetch = 0 : i64, scratch_operands = 0 : i64, tpu.core_type = #tpu.core_type<tc>} {
    %get3A = arith.constant 0 : index
    %get3A_0 = arith.constant 0 : index
    %get3A_1 = vector.load %arg0[%get3A, %get3A_0] : memref<32x10112xf32, #tpu.memory_space<vmem>>, vector<32x10112xf32>
    %reduce_sum3A = arith.constant dense<0.000000e+00> : vector<10112xf32>
    %reduce_sum3A_2 = vector.multi_reduction <add>, %get3A_1, %reduce_sum3A [0] : vector<32x10112xf32> to vector<10112xf32>
    %slice3A = vector.extract_strided_slice %reduce_sum3A_2 {offsets = [0], sizes = [10000], strides = [1]} : vector<10112xf32> to vector<10000xf32>
    %add3A = arith.constant 1.000000e+00 : f32
    %add3A_3 = vector.broadcast %add3A : f32 to vector<10000xf32>
    %add3A_4 = arith.addf %slice3A, %add3A_3 : vector<10000xf32>
    %rsqrt3A = math.rsqrt %add3A_4 : vector<10000xf32>
    %broadcast_in_dim3A = vector.shape_cast %rsqrt3A : vector<10000xf32> to vector<10000x1xf32>
    %get3A_5 = arith.constant 0 : index
    %get3A_6 = arith.constant 0 : index
    %get3A_7 = vector.load %arg1[%get3A_5, %get3A_6] : memref<10000x128xf32, #tpu.memory_space<vmem>>, vector<10000x128xf32>
    %mul3A = vector.broadcast %broadcast_in_dim3A : vector<10000x1xf32> to vector<10000x128xf32>
    %mul3A_8 = arith.mulf %get3A_7, %mul3A : vector<10000x128xf32>
    %slice3A_9 = vector.extract_strided_slice %mul3A_8 {offsets = [0, 0], sizes = [10000, 32], strides = [1, 1]} : vector<10000x128xf32> to vector<10000x32xf32>
    %swap3A = arith.constant 0 : index
    %swap3A_10 = arith.constant 0 : index
    %swap3A_11 = arith.constant 0 : index
    %swap3A_12 = vector.load %arg2[%swap3A, %swap3A_10, %swap3A_11] : memref<4x10000x32xf32, #tpu.memory_space<vmem>>, vector<1x10000x32xf32>
    %swap3A_13 = vector.shape_cast %swap3A_12 : vector<1x10000x32xf32> to vector<10000x32xf32>
    %swap3A_14 = vector.shape_cast %slice3A_9 : vector<10000x32xf32> to vector<1x10000x32xf32>
    tpu.vector_store %arg2[%swap3A, %swap3A_10, %swap3A_11], %swap3A_14 {strides = array<i32>} : memref<4x10000x32xf32, #tpu.memory_space<vmem>>, vector<1x10000x32xf32>,
    %slice3A_15 = vector.extract_strided_slice %mul3A_8 {offsets = [0, 32], sizes = [10000, 32], strides = [1, 1]} : vector<10000x128xf32> to vector<10000x32xf32>
    %swap3A_16 = arith.constant 1 : index
    %swap3A_17 = arith.constant 0 : index
    %swap3A_18 = arith.constant 0 : index
    %swap3A_19 = vector.load %arg2[%swap3A_16, %swap3A_17, %swap3A_18] : memref<4x10000x32xf32, #tpu.memory_space<vmem>>, vector<1x10000x32xf32>
    %swap3A_20 = vector.shape_cast %swap3A_19 : vector<1x10000x32xf32> to vector<10000x32xf32>
    %swap3A_21 = vector.shape_cast %slice3A_15 : vector<10000x32xf32> to vector<1x10000x32xf32>
    tpu.vector_store %arg2[%swap3A_16, %swap3A_17, %swap3A_18], %swap3A_21 {strides = array<i32>} : memref<4x10000x32xf32, #tpu.memory_space<vmem>>, vector<1x10000x32xf32>,
    %slice3A_22 = vector.extract_strided_slice %mul3A_8 {offsets = [0, 64], sizes = [10000, 32], strides = [1, 1]} : vector<10000x128xf32> to vector<10000x32xf32>
    %swap3A_23 = arith.constant 2 : index
    %swap3A_24 = arith.constant 0 : index
    %swap3A_25 = arith.constant 0 : index
    %swap3A_26 = vector.load %arg2[%swap3A_23, %swap3A_24, %swap3A_25] : memref<4x10000x32xf32, #tpu.memory_space<vmem>>, vector<1x10000x32xf32>
    %swap3A_27 = vector.shape_cast %swap3A_26 : vector<1x10000x32xf32> to vector<10000x32xf32>
    %swap3A_28 = vector.shape_cast %slice3A_22 : vector<10000x32xf32> to vector<1x10000x32xf32>
    tpu.vector_store %arg2[%swap3A_23, %swap3A_24, %swap3A_25], %swap3A_28 {strides = array<i32>} : memref<4x10000x32xf32, #tpu.memory_space<vmem>>, vector<1x10000x32xf32>,
    %slice3A_29 = vector.extract_strided_slice %mul3A_8 {offsets = [0, 96], sizes = [10000, 32], strides = [1, 1]} : vector<10000x128xf32> to vector<10000x32xf32>
    %swap3A_30 = arith.constant 3 : index
    %swap3A_31 = arith.constant 0 : index
    %swap3A_32 = arith.constant 0 : index
    %swap3A_33 = vector.load %arg2[%swap3A_30, %swap3A_31, %swap3A_32] : memref<4x10000x32xf32, #tpu.memory_space<vmem>>, vector<1x10000x32xf32>
    %swap3A_34 = vector.shape_cast %swap3A_33 : vector<1x10000x32xf32> to vector<10000x32xf32>
    %swap3A_35 = vector.shape_cast %slice3A_29 : vector<10000x32xf32> to vector<1x10000x32xf32>
    tpu.vector_store %arg2[%swap3A_30, %swap3A_31, %swap3A_32], %swap3A_35 {strides = array<i32>} : memref<4x10000x32xf32, #tpu.memory_space<vmem>>, vector<1x10000x32xf32>,
    %swap3A_36 = arith.constant 0 : index
    %swap3A_37 = arith.constant 0 : index
    %swap3A_38 = vector.load %arg3[%swap3A_36, %swap3A_37] : memref<10000x1xf32, #tpu.memory_space<vmem>>, vector<10000x1xf32>
    tpu.vector_store %arg3[%swap3A_36, %swap3A_37], %broadcast_in_dim3A {strides = array<i32>} : memref<10000x1xf32, #tpu.memory_space<vmem>>, vector<10000x1xf32>,
    return
  }
}

module attributes {stable_mosaic.version = 14 : i64} {
  func.func @_tc2_body(%arg0: i32, %arg1: memref<4x2000x32xf32, #tpu.memory_space<vmem>>, %arg2: memref<4x2000x32xf32, #tpu.memory_space<vmem>>, %arg3: memref<2000x1xf32, #tpu.memory_space<vmem>>, %arg4: memref<128x256xf32, #tpu.memory_space<vmem>>, %arg5: memref<1x256xf32, #tpu.memory_space<vmem>>, %arg6: memref<256x64xf32, #tpu.memory_space<vmem>>, %arg7: memref<1x64xf32, #tpu.memory_space<vmem>>, %arg8: memref<2x2000x32xf32, #tpu.memory_space<vmem>>) attributes {dimension_semantics = [#tpu.dimension_semantics<arbitrary>], iteration_bounds = array<i64: 5>, scalar_prefetch = 0 : i64, scratch_operands = 0 : i64, tpu.core_type = #tpu.core_type<tc>, window_params = [{transform_indices = @transform_0, window_bounds = array<i64: 4, 2000, 32>}, {transform_indices = @transform_1, window_bounds = array<i64: 4, 2000, 32>}, {transform_indices = @transform_2, window_bounds = array<i64: 2000, 1>}, {pipeline_mode = #tpu.pipeline_mode<synchronous>, transform_indices = @transform_3, window_bounds = array<i64: 128, 256>}, {pipeline_mode = #tpu.pipeline_mode<synchronous>, transform_indices = @transform_4, window_bounds = array<i64: 1, 256>}, {pipeline_mode = #tpu.pipeline_mode<synchronous>, transform_indices = @transform_5, window_bounds = array<i64: 256, 64>}, {pipeline_mode = #tpu.pipeline_mode<synchronous>, transform_indices = @transform_6, window_bounds = array<i64: 1, 64>}, {transform_indices = @transform_7, window_bounds = array<i64: 2, 2000, 32>}]} {
    %get3A = arith.constant 0 : index
    %get3A_0 = arith.constant 0 : index
    %get3A_1 = vector.load %arg3[%get3A, %get3A_0] : memref<2000x1xf32, #tpu.memory_space<vmem>>, vector<2000x1xf32>
    %get3A_2 = arith.constant 0 : index
    %get3A_3 = arith.constant 0 : index
    %get3A_4 = arith.constant 0 : index
    %get3A_5 = vector.load %arg1[%get3A_2, %get3A_3, %get3A_4] : memref<4x2000x32xf32, #tpu.memory_space<vmem>>, vector<1x2000x32xf32>
    %get3A_6 = vector.shape_cast %get3A_5 : vector<1x2000x32xf32> to vector<2000x32xf32>
    %get3A_7 = arith.constant 0 : index
    %get3A_8 = arith.constant 0 : index
    %get3A_9 = arith.constant 0 : index
    %get3A_10 = vector.load %arg2[%get3A_7, %get3A_8, %get3A_9] : memref<4x2000x32xf32, #tpu.memory_space<vmem>>, vector<1x2000x32xf32>
    %get3A_11 = vector.shape_cast %get3A_10 : vector<1x2000x32xf32> to vector<2000x32xf32>
    %add3A = arith.addf %get3A_6, %get3A_11 : vector<2000x32xf32>
    %get3A_12 = arith.constant 1 : index
    %get3A_13 = arith.constant 0 : index
    %get3A_14 = arith.constant 0 : index
    %get3A_15 = vector.load %arg1[%get3A_12, %get3A_13, %get3A_14] : memref<4x2000x32xf32, #tpu.memory_space<vmem>>, vector<1x2000x32xf32>
    %get3A_16 = vector.shape_cast %get3A_15 : vector<1x2000x32xf32> to vector<2000x32xf32>
    %get3A_17 = arith.constant 1 : index
    %get3A_18 = arith.constant 0 : index
    %get3A_19 = arith.constant 0 : index
    %get3A_20 = vector.load %arg2[%get3A_17, %get3A_18, %get3A_19] : memref<4x2000x32xf32, #tpu.memory_space<vmem>>, vector<1x2000x32xf32>
    %get3A_21 = vector.shape_cast %get3A_20 : vector<1x2000x32xf32> to vector<2000x32xf32>
    %add3A_22 = arith.addf %get3A_16, %get3A_21 : vector<2000x32xf32>
    %get3A_23 = arith.constant 2 : index
    %get3A_24 = arith.constant 0 : index
    %get3A_25 = arith.constant 0 : index
    %get3A_26 = vector.load %arg1[%get3A_23, %get3A_24, %get3A_25] : memref<4x2000x32xf32, #tpu.memory_space<vmem>>, vector<1x2000x32xf32>
    %get3A_27 = vector.shape_cast %get3A_26 : vector<1x2000x32xf32> to vector<2000x32xf32>
    %get3A_28 = arith.constant 2 : index
    %get3A_29 = arith.constant 0 : index
    %get3A_30 = arith.constant 0 : index
    %get3A_31 = vector.load %arg2[%get3A_28, %get3A_29, %get3A_30] : memref<4x2000x32xf32, #tpu.memory_space<vmem>>, vector<1x2000x32xf32>
    %get3A_32 = vector.shape_cast %get3A_31 : vector<1x2000x32xf32> to vector<2000x32xf32>
    %add3A_33 = arith.addf %get3A_27, %get3A_32 : vector<2000x32xf32>
    %get3A_34 = arith.constant 3 : index
    %get3A_35 = arith.constant 0 : index
    %get3A_36 = arith.constant 0 : index
    %get3A_37 = vector.load %arg1[%get3A_34, %get3A_35, %get3A_36] : memref<4x2000x32xf32, #tpu.memory_space<vmem>>, vector<1x2000x32xf32>
    %get3A_38 = vector.shape_cast %get3A_37 : vector<1x2000x32xf32> to vector<2000x32xf32>
    %get3A_39 = arith.constant 3 : index
    %get3A_40 = arith.constant 0 : index
    %get3A_41 = arith.constant 0 : index
    %get3A_42 = vector.load %arg2[%get3A_39, %get3A_40, %get3A_41] : memref<4x2000x32xf32, #tpu.memory_space<vmem>>, vector<1x2000x32xf32>
    %get3A_43 = vector.shape_cast %get3A_42 : vector<1x2000x32xf32> to vector<2000x32xf32>
    %add3A_44 = arith.addf %get3A_38, %get3A_43 : vector<2000x32xf32>
    %concatenate3A = tpu.concatenate %add3A, %add3A_22, %add3A_33, %add3A_44 in 1 : vector<2000x32xf32>, vector<2000x32xf32>, vector<2000x32xf32>, vector<2000x32xf32> -> vector<2000x128xf32>
    %mul3A = vector.broadcast %get3A_1 : vector<2000x1xf32> to vector<2000x128xf32>
    %mul3A_45 = arith.mulf %concatenate3A, %mul3A : vector<2000x128xf32>
    %get3A_46 = arith.constant 0 : index
    %get3A_47 = arith.constant 0 : index
    %get3A_48 = vector.load %arg4[%get3A_46, %get3A_47] : memref<128x256xf32, #tpu.memory_space<vmem>>, vector<128x256xf32>
    %dot_general3A = arith.constant dense<0.000000e+00> : vector<2000x256xf32>
    %dot_general3A_49 = tpu.matmul %mul3A_45, %get3A_48, %dot_general3A {dimension_numbers = #tpu.dot_dimension_numbers<[1], [0], [0], [1], [0, 0, 1, 1], [], []>, transpose_lhs_hint = false} : vector<2000x128xf32>, vector<128x256xf32>, vector<2000x256xf32> -> vector<2000x256xf32>
    %get3A_50 = arith.constant 0 : index
    %get3A_51 = arith.constant 0 : index
    %get3A_52 = vector.load %arg5[%get3A_50, %get3A_51] : memref<1x256xf32, #tpu.memory_space<vmem>>, vector<1x256xf32>
    %add3A_53 = vector.broadcast %get3A_52 : vector<1x256xf32> to vector<2000x256xf32>
    %add3A_54 = arith.addf %dot_general3A_49, %add3A_53 : vector<2000x256xf32>
    %max3A = arith.constant 0.000000e+00 : f32
    %max3A_55 = vector.broadcast %max3A : f32 to vector<2000x256xf32>
    %max3A_56 = arith.maximumf %add3A_54, %max3A_55 : vector<2000x256xf32>
    %get3A_57 = arith.constant 0 : index
    %get3A_58 = arith.constant 0 : index
    %get3A_59 = vector.load %arg6[%get3A_57, %get3A_58] : memref<256x64xf32, #tpu.memory_space<vmem>>, vector<256x64xf32>
    %dot_general3A_60 = arith.constant dense<0.000000e+00> : vector<2000x64xf32>
    %dot_general3A_61 = tpu.matmul %max3A_56, %get3A_59, %dot_general3A_60 {dimension_numbers = #tpu.dot_dimension_numbers<[1], [0], [0], [1], [0, 0, 1, 1], [], []>, transpose_lhs_hint = false} : vector<2000x256xf32>, vector<256x64xf32>, vector<2000x64xf32> -> vector<2000x64xf32>
    %mul3A_62 = vector.broadcast %get3A_1 : vector<2000x1xf32> to vector<2000x64xf32>
    %mul3A_63 = arith.mulf %dot_general3A_61, %mul3A_62 : vector<2000x64xf32>
    %slice3A = vector.extract_strided_slice %mul3A_63 {offsets = [0, 0], sizes = [2000, 32], strides = [1, 1]} : vector<2000x64xf32> to vector<2000x32xf32>
    %swap3A = arith.constant 0 : index
    %swap3A_64 = arith.constant 0 : index
    %swap3A_65 = arith.constant 0 : index
    %swap3A_66 = vector.load %arg8[%swap3A, %swap3A_64, %swap3A_65] : memref<2x2000x32xf32, #tpu.memory_space<vmem>>, vector<1x2000x32xf32>
    %swap3A_67 = vector.shape_cast %swap3A_66 : vector<1x2000x32xf32> to vector<2000x32xf32>
    %swap3A_68 = vector.shape_cast %slice3A : vector<2000x32xf32> to vector<1x2000x32xf32>
    tpu.vector_store %arg8[%swap3A, %swap3A_64, %swap3A_65], %swap3A_68 {strides = array<i32>} : memref<2x2000x32xf32, #tpu.memory_space<vmem>>, vector<1x2000x32xf32>,
    %slice3A_69 = vector.extract_strided_slice %mul3A_63 {offsets = [0, 32], sizes = [2000, 32], strides = [1, 1]} : vector<2000x64xf32> to vector<2000x32xf32>
    %swap3A_70 = arith.constant 1 : index
    %swap3A_71 = arith.constant 0 : index
    %swap3A_72 = arith.constant 0 : index
    %swap3A_73 = vector.load %arg8[%swap3A_70, %swap3A_71, %swap3A_72] : memref<2x2000x32xf32, #tpu.memory_space<vmem>>, vector<1x2000x32xf32>
    %swap3A_74 = vector.shape_cast %swap3A_73 : vector<1x2000x32xf32> to vector<2000x32xf32>
    %swap3A_75 = vector.shape_cast %slice3A_69 : vector<2000x32xf32> to vector<1x2000x32xf32>
    tpu.vector_store %arg8[%swap3A_70, %swap3A_71, %swap3A_72], %swap3A_75 {strides = array<i32>} : memref<2x2000x32xf32, #tpu.memory_space<vmem>>, vector<1x2000x32xf32>,
    return
  }
  func.func @transform_0(%arg0: i32) -> (i32, i32, i32) {
    %c0_i32 = arith.constant 0 : i32
    %c0_i32_0 = arith.constant 0 : i32
    %c0_i32_1 = arith.constant 0 : i32
    return %c0_i32, %arg0, %c0_i32_0 : i32, i32, i32
  }
  func.func @transform_1(%arg0: i32) -> (i32, i32, i32) {
    %c0_i32 = arith.constant 0 : i32
    %c0_i32_0 = arith.constant 0 : i32
    %c0_i32_1 = arith.constant 0 : i32
    return %c0_i32, %arg0, %c0_i32_0 : i32, i32, i32
  }
  func.func @transform_2(%arg0: i32) -> (i32, i32) {
    %c0_i32 = arith.constant 0 : i32
    %c0_i32_0 = arith.constant 0 : i32
    return %arg0, %c0_i32 : i32, i32
  }
  func.func @transform_3(%arg0: i32) -> (i32, i32) {
    %c0_i32 = arith.constant 0 : i32
    %c0_i32_0 = arith.constant 0 : i32
    %c0_i32_1 = arith.constant 0 : i32
    return %c0_i32, %c0_i32_0 : i32, i32
  }
  func.func @transform_4(%arg0: i32) -> (i32, i32) {
    %c0_i32 = arith.constant 0 : i32
    %c0_i32_0 = arith.constant 0 : i32
    %c0_i32_1 = arith.constant 0 : i32
    return %c0_i32, %c0_i32_0 : i32, i32
  }
  func.func @transform_5(%arg0: i32) -> (i32, i32) {
    %c0_i32 = arith.constant 0 : i32
    %c0_i32_0 = arith.constant 0 : i32
    %c0_i32_1 = arith.constant 0 : i32
    return %c0_i32, %c0_i32_0 : i32, i32
  }
  func.func @transform_6(%arg0: i32) -> (i32, i32) {
    %c0_i32 = arith.constant 0 : i32
    %c0_i32_0 = arith.constant 0 : i32
    %c0_i32_1 = arith.constant 0 : i32
    return %c0_i32, %c0_i32_0 : i32, i32
  }
  func.func @transform_7(%arg0: i32) -> (i32, i32, i32) {
    %c0_i32 = arith.constant 0 : i32
    %c0_i32_0 = arith.constant 0 : i32
    %c0_i32_1 = arith.constant 0 : i32
    return %c0_i32, %arg0, %c0_i32_0 : i32, i32, i32
  }
}

module attributes {stable_mosaic.version = 14 : i64} {
  func.func @_tc3_body(%arg0: i32, %arg1: memref<2x2000x32xf32, #tpu.memory_space<vmem>>, %arg2: memref<2x2000x32xf32, #tpu.memory_space<vmem>>, %arg3: memref<2000x1xf32, #tpu.memory_space<vmem>>, %arg4: memref<1x64xf32, #tpu.memory_space<vmem>>, %arg5: memref<2000x64xf32, #tpu.memory_space<vmem>>) attributes {dimension_semantics = [#tpu.dimension_semantics<arbitrary>], iteration_bounds = array<i64: 5>, scalar_prefetch = 0 : i64, scratch_operands = 0 : i64, tpu.core_type = #tpu.core_type<tc>, window_params = [{transform_indices = @transform_0, window_bounds = array<i64: 2, 2000, 32>}, {transform_indices = @transform_1, window_bounds = array<i64: 2, 2000, 32>}, {transform_indices = @transform_2, window_bounds = array<i64: 2000, 1>}, {pipeline_mode = #tpu.pipeline_mode<synchronous>, transform_indices = @transform_3, window_bounds = array<i64: 1, 64>}, {transform_indices = @transform_4, window_bounds = array<i64: 2000, 64>}]} {
    %get3A = arith.constant 0 : index
    %get3A_0 = arith.constant 0 : index
    %get3A_1 = arith.constant 0 : index
    %get3A_2 = vector.load %arg1[%get3A, %get3A_0, %get3A_1] : memref<2x2000x32xf32, #tpu.memory_space<vmem>>, vector<1x2000x32xf32>
    %get3A_3 = vector.shape_cast %get3A_2 : vector<1x2000x32xf32> to vector<2000x32xf32>
    %get3A_4 = arith.constant 0 : index
    %get3A_5 = arith.constant 0 : index
    %get3A_6 = arith.constant 0 : index
    %get3A_7 = vector.load %arg2[%get3A_4, %get3A_5, %get3A_6] : memref<2x2000x32xf32, #tpu.memory_space<vmem>>, vector<1x2000x32xf32>
    %get3A_8 = vector.shape_cast %get3A_7 : vector<1x2000x32xf32> to vector<2000x32xf32>
    %add3A = arith.addf %get3A_3, %get3A_8 : vector<2000x32xf32>
    %get3A_9 = arith.constant 1 : index
    %get3A_10 = arith.constant 0 : index
    %get3A_11 = arith.constant 0 : index
    %get3A_12 = vector.load %arg1[%get3A_9, %get3A_10, %get3A_11] : memref<2x2000x32xf32, #tpu.memory_space<vmem>>, vector<1x2000x32xf32>
    %get3A_13 = vector.shape_cast %get3A_12 : vector<1x2000x32xf32> to vector<2000x32xf32>
    %get3A_14 = arith.constant 1 : index
    %get3A_15 = arith.constant 0 : index
    %get3A_16 = arith.constant 0 : index
    %get3A_17 = vector.load %arg2[%get3A_14, %get3A_15, %get3A_16] : memref<2x2000x32xf32, #tpu.memory_space<vmem>>, vector<1x2000x32xf32>
    %get3A_18 = vector.shape_cast %get3A_17 : vector<1x2000x32xf32> to vector<2000x32xf32>
    %add3A_19 = arith.addf %get3A_13, %get3A_18 : vector<2000x32xf32>
    %concatenate3A = tpu.concatenate %add3A, %add3A_19 in 1 : vector<2000x32xf32>, vector<2000x32xf32> -> vector<2000x64xf32>
    %get3A_20 = arith.constant 0 : index
    %get3A_21 = arith.constant 0 : index
    %get3A_22 = vector.load %arg3[%get3A_20, %get3A_21] : memref<2000x1xf32, #tpu.memory_space<vmem>>, vector<2000x1xf32>
    %mul3A = vector.broadcast %get3A_22 : vector<2000x1xf32> to vector<2000x64xf32>
    %mul3A_23 = arith.mulf %concatenate3A, %mul3A : vector<2000x64xf32>
    %get3A_24 = arith.constant 0 : index
    %get3A_25 = arith.constant 0 : index
    %get3A_26 = vector.load %arg4[%get3A_24, %get3A_25] : memref<1x64xf32, #tpu.memory_space<vmem>>, vector<1x64xf32>
    %add3A_27 = vector.broadcast %get3A_26 : vector<1x64xf32> to vector<2000x64xf32>
    %add3A_28 = arith.addf %mul3A_23, %add3A_27 : vector<2000x64xf32>
    %swap3A = arith.constant 0 : index
    %swap3A_29 = arith.constant 0 : index
    %swap3A_30 = vector.load %arg5[%swap3A, %swap3A_29] : memref<2000x64xf32, #tpu.memory_space<vmem>>, vector<2000x64xf32>
    tpu.vector_store %arg5[%swap3A, %swap3A_29], %add3A_28 {strides = array<i32>} : memref<2000x64xf32, #tpu.memory_space<vmem>>, vector<2000x64xf32>,
    return
  }
  func.func @transform_0(%arg0: i32) -> (i32, i32, i32) {
    %c0_i32 = arith.constant 0 : i32
    %c0_i32_0 = arith.constant 0 : i32
    %c0_i32_1 = arith.constant 0 : i32
    return %c0_i32, %arg0, %c0_i32_0 : i32, i32, i32
  }
  func.func @transform_1(%arg0: i32) -> (i32, i32, i32) {
    %c0_i32 = arith.constant 0 : i32
    %c0_i32_0 = arith.constant 0 : i32
    %c0_i32_1 = arith.constant 0 : i32
    return %c0_i32, %arg0, %c0_i32_0 : i32, i32, i32
  }
  func.func @transform_2(%arg0: i32) -> (i32, i32) {
    %c0_i32 = arith.constant 0 : i32
    %c0_i32_0 = arith.constant 0 : i32
    return %arg0, %c0_i32 : i32, i32
  }
  func.func @transform_3(%arg0: i32) -> (i32, i32) {
    %c0_i32 = arith.constant 0 : i32
    %c0_i32_0 = arith.constant 0 : i32
    %c0_i32_1 = arith.constant 0 : i32
    return %c0_i32, %c0_i32_0 : i32, i32
  }
  func.func @transform_4(%arg0: i32) -> (i32, i32) {
    %c0_i32 = arith.constant 0 : i32
    %c0_i32_0 = arith.constant 0 : i32
    return %arg0, %c0_i32 : i32, i32
  }
}

</mosaic_0001>

<sc_bundles>
// kernel: kernel.11.cloned.1.call-start
scs
__scs_entry_jumppad:
0x0: {  	(pc) =	sbr.rel $0x88, $3  }
0x1: {  	(tag) =	ssettag $0x0;
	lr =	simm.s32 $0x1  }
0x2: {  	[smem:$0x3F9B] =	sst lr;
	_ =	strace $0xD0000000  }
0x3: {  	_ = 	snop  }
0x4: {  	_ = 	snop  }
0x5: {  	_ = 	snop  }
0x6: {  	_ = 	snop  }
0x7: {  	_ = 	snop  }
__scs_overlays_trampoline_lowered:
0x8: {  	[smem:$0x3FAA] =	sst s0  }
0x9: {  	[smem:$0x3FAB] =	sst s1  }
0xa: {  	[smem:$0x3FAC] =	sst s2  }
0xb: {  	[smem:$0x3FAD] =	sst s3  }
0xc: {  	[smem:$0x3FAE] =	sst s4  }
0xd: {  	[smem:$0x3FAF] =	sst s5  }
0xe: {  	[smem:$0x3FB0] =	sst s6  }
0xf: {  	[smem:$0x3FB1] =	sst s7  }
0x10: {  	[smem:$0x3FB2] =	sst s8  }
0x11: {  	[smem:$0x3FB3] =	sst s9;
	s0 =	simm.s32 @!p0 $0x0  }
0x12: {  	s1 =	sld [smem:$0x3F99];
	s0 =	simm.s32 @p0 $0x1  }
0x13: {  	[smem:$0x3FB4] =	sst s0;
	s0 =	simm.s32 @!p1 $0x0  }
0x14: {  	s2 =	sld [smem:$0x3F98];
	s0 =	simm.s32 @p1 $0x1  }
0x15: {  	[smem:$0x3FB5] =	sst s0;
	s0 =	simm.s32 @!p2 $0x0  }
0x16: {  	s3 =	sld [smem:$0x3FDB];
	s0 =	simm.s32 @p2 $0x1  }
0x17: {  	s4 =	simm.s32 $0x1BF5;
	[smem:$0x3FB7] =	sst s0  }
0x18: {  	s0 =	sld [smem:$0x3F9A];
	_ =	swait.ge [sflag:s4], $0x0  }
0x19: {  	s7 =	sld [smem:$0x3F9B]  }
0x1a: {  	s8 =	sadd.s32 $0xFFFFE003, lr  }
0x1b: {  	s9 =	sadd.s32 $0xFFFFFEF7, lr;
	s5 =	simm.s32 $0xFFFFFFFF;
	p2 =	slt.u32 s8, $0xFFFFF086  }
0x1c: {  	p1 =	slt.u32 s9, $0xF7A;
	s5 =	simm.s32 @!p2 $0x0  }
0x1d: {  	s5 =	simm.s32 @p1 $0x1;
	p0 =	seq.s32 s7, s2  }
0x1e: {  	s7 =	smul.u32 @!p0 $0xF7A, s2;
	p2 =	seq.s32 @!p0 s5, $0x0  }
0x1f: {  	s9 =	smul.u32 $0xF7A, s1;
	s8 =	simm.s32 @!p0 $0x1BF5;
	p2 =	por !p2, p0  }
0x20: {  	[sflag:s8] =	ssyncset.s32 @!p0 $0xFFFFF086;
	s6 =	sadd.s32 @!p0 s3, s7;
	s7 =	simm.s32 @!p0 $0x108  }
0x21: {  	s3 =	sadd.s32 s3, s9;
	s6 =	sadd.s32 @!p0 $0x88, s6;
	s7 =	simm.s32 @p2 $0x1082  }
0x22: {  	[simem:s7], [sflag:s8] =	dma.local @!p0 [hbm:s6], $0xF7A  }
0x23: {  	s9 =	sor.u32 $0xD0000000, s2;
	s6 =	simm.s32 $0x108;
	_ =	swait.ge @!p0 [sflag:s8], $0x0  }
0x24: {  	s3 =	sadd.s32 $0x88, s3;
	s6 =	simm.s32 @!p1 $0x1082;
	[sflag:s4] =	ssyncset.s32 $0xFFFFF086  }
0x25: {  	[simem:s6], [sflag:s4] =	dma.local [hbm:s3], $0xF7A  }
0x26: {  	[smem:$0x3F9B] =	sst s1;
	(tag) =	ssettag s2;
	_ =	strace s9  }
0x27: {  	s1 =	sld [smem:$0x3FAB]  }
0x28: {  	s2 =	sld [smem:$0x3FAC]  }
0x29: {  	s4 =	sld [smem:$0x3FAE]  }
0x2a: {  	p0 =	seq.s32 s5, $0x0;
	s5 =	sld [smem:$0x3FAF]  }
0x2b: {  	s6 =	sld [smem:$0x3FB0]  }
0x2c: {  	s7 =	sld [smem:$0x3FB1]  }
0x2d: {  	s3 =	simm.s32 $0x108;
	s8 =	sld [smem:$0x3FB2]  }
0x2e: {  	s3 =	simm.s32 @!p0 $0x1082;
	s9 =	sld [smem:$0x3FB3]  }
0x2f: {  	lr =	sadd.s32 s0, s3;
	s0 =	sld [smem:$0x3FAA]  }
0x30: {  	s3 =	sld [smem:$0x3FAD]  }
0x31: {  	[smem:$0x3FB6] =	sst s10  }
0x32: {  	s10 =	sld [smem:$0x3FB4];
	_ =	sdelay $0x3  }
0x33: {  	p0 =	seq.s32 s10, $0x1;
	s10 =	sld [smem:$0x3FB6];
	_ =	sdelay $0x3  }
0x34: {  	[smem:$0x3FB6] =	sst s10  }
0x35: {  	s10 =	sld [smem:$0x3FB5];
	_ =	sdelay $0x3  }
0x36: {  	p1 =	seq.s32 s10, $0x1;
	s10 =	sld [smem:$0x3FB6];
	_ =	sdelay $0x3  }
0x37: {  	[smem:$0x3FB6] =	sst s10  }
0x38: {  	s10 =	sld [smem:$0x3FB7]  }
0x39: {  	_ = 	snop;
	(pc) =	sbr.ind lr, $3  }
0x3a: {  	_ = 	snop  }
0x3b: {  	_ = 	snop  }
0x3c: {  	p2 =	seq.s32 s10, $0x1;
	s10 =	sld [smem:$0x3FB6]  }
0x3d: {  	_ =	shalt  }
0x3e: {  	_ =	shalt  }
0x3f: {  	_ =	shalt  }
0x40: {  	_ =	shalt  }
0x41: {  	_ =	shalt  }
0x42: {  	_ =	shalt  }
0x43: {  	_ =	shalt  }
0x44: {  	_ =	shalt  }
0x45: {  	_ =	shalt  }
0x46: {  	_ =	shalt  }
0x47: {  	_ =	shalt  }
0x48: {  	_ =	shalt  }
0x49: {  	_ =	shalt  }
0x4a: {  	_ =	shalt  }
0x4b: {  	_ =	shalt  }
0x4c: {  	_ =	shalt  }
0x4d: {  	_ =	shalt  }
0x4e: {  	_ =	shalt  }
0x4f: {  	_ =	shalt  }
0x50: {  	_ =	shalt  }
0x51: {  	_ =	shalt  }
0x52: {  	_ =	shalt  }
0x53: {  	_ =	shalt  }
0x54: {  	_ =	shalt  }
0x55: {  	_ =	shalt  }
0x56: {  	_ =	shalt  }
0x57: {  	_ =	shalt  }
0x58: {  	_ =	shalt  }
0x59: {  	_ =	shalt  }
0x5a: {  	_ =	shalt  }
0x5b: {  	_ =	shalt  }
0x5c: {  	_ =	shalt  }
0x5d: {  	_ =	shalt  }
0x5e: {  	_ =	shalt  }
0x5f: {  	_ =	shalt  }
0x60: {  	_ =	shalt  }
0x61: {  	_ =	shalt  }
0x62: {  	_ =	shalt  }
0x63: {  	_ =	shalt  }
0x64: {  	_ =	shalt  }
0x65: {  	_ =	shalt  }
0x66: {  	_ =	shalt  }
0x67: {  	_ =	shalt  }
0x68: {  	_ =	shalt  }
0x69: {  	_ =	shalt  }
0x6a: {  	_ =	shalt  }
0x6b: {  	_ =	shalt  }
0x6c: {  	_ =	shalt  }
0x6d: {  	_ =	shalt  }
0x6e: {  	_ =	shalt  }
0x6f: {  	_ =	shalt  }
0x70: {  	_ =	shalt  }
0x71: {  	_ =	shalt  }
0x72: {  	_ =	shalt  }
0x73: {  	_ =	shalt  }
0x74: {  	_ =	shalt  }
0x75: {  	_ =	shalt  }
0x76: {  	_ =	shalt  }
0x77: {  	_ =	shalt  }
0x78: {  	_ =	shalt  }
0x79: {  	_ =	shalt  }
0x7a: {  	_ =	shalt  }
0x7b: {  	_ =	shalt  }
0x7c: {  	_ =	shalt  }
0x7d: {  	_ =	shalt  }
0x7e: {  	_ =	shalt  }
0x7f: {  	_ =	shalt  }
0x80: {  	_ =	shalt  }
0x81: {  	_ =	shalt  }
0x82: {  	_ =	shalt  }
0x83: {  	_ =	shalt  }
0x84: {  	_ =	shalt  }
0x85: {  	_ =	shalt  }
0x86: {  	_ =	shalt  }
0x87: {  	_ =	shalt  }
.Lfunc_end0:
.L_simem_size_0:
called_computation.1_lowered:
.L_overlay_start_0:
0x88: {  	s2 =	sld [smem:$0x3FD9]  }
0x89: {  	s3 =	sld [smem:$0x3FFE];
	_ =	sdelay $0x1  }
0x8a: {  	s1 =	srdreg.scid  }
0x8b: {  	s0 =	sand.u32 $0x1, s1  }
0x8c: {  	s16 =	sshll.u32 s0, $0xA;
	s2 =	sadd.s32 s3, s2  }
0x8d: {  	s2 =	sadd.s32 s2, s16  }
0x8e: {  	[smem:$0x3FC2] =	sst s2  }
0x8f: {  	_ = 	snop  }
0x90: {  	(tm) =	ssettm $0x1  }
0x91: {  	s17 =	sld [smem:$0x3FFB];
	_ =	sdelay $0x3  }
0x92: {  	_ =	strace s17  }
0x93: {  	s2 =	sld [smem:$0x3FFC];
	_ =	sdelay $0x3  }
0x94: {  	_ =	strace s2  }
0x95: {  	s2 =	sld [smem:$0x3FFD];
	_ =	sdelay $0x3  }
0x96: {  	_ =	strace s2  }
0x97: {  	_ =	strace $0x8FFFFFFF  }
0x98: {  	s18 =	sld [smem:$0x3FDB];
	_ =	sdelay $0x1  }
0x99: {  	s19 =	simm.s32 $_scs_section_size  }
0x9a: {  	s4 =	simm.s32 $_size__tile_overlayer_lowered;
	s5 =	simm.s32 $_tile_overlayer_lowered  }
0x9b: {  	s22 =	simm.s32 $0x1BFF;
	s21 =	sshll.u32 s5, $0x1;
	s2 =	sadd.s32 s19, s18  }
0x9c: {  	s6 =	simm.s32 $0x0;
	s20 =	sshll.u32 s4, $0x1;
	s4 =	sadd.s32 s21, s2  }
0x9d: {  	[timem:s6], [sflag:s22] =	dma.local [hbm:s4], s20  }
0x9e: {  	_ =	swait.ge [sflag:s22], s20  }
0x9f: {  	s3 =	ssub.s32 $0x0, s20;
	[sflag:s22] =	ssyncset.done $0x0  }
0xa0: {  	[sflag:s22] =	ssyncadd.s32 s3;
	_ =	sdelay $0x1  }
0xa1: {  	s23 =	simm.s32 $0x1B8B  }
0xa2: {  	_ =	swait.ge [sflag:s23], $0x1  }
0xa3: {  	[sflag:s23] =	ssyncset.done $0x0  }
0xa4: {  	s25 =	simm.s32 $0x1B8E;
	s24 =	sld [smem:$0x3FFE];
	[sflag:s23] =	ssyncadd.s32 $0xFFFFFFFF  }
0xa5: {  	s26 =	simm.s32 $execute0_lowered;
	[smem:$0x3FD2] =	sst s25  }
0xa6: {  	s4 =	sshll.u32 s26, $0x1;
	_ =	strace $0x80000049;
	[dreg:$0x1] =	wrdreg $0xFFFFFFFF  }
0xa7: {  	s28 =	simm.s32 $_size_execute0_lowered;
	s2 =	sadd.s32 s2, s4;
	[dreg:$0x0] =	wrdreg $0x0  }
0xa8: {  	s4 =	sshll.u32 s28, $0x1;
	[dreg:$0x2] =	wrdreg s2  }
0xa9: {  	[dreg:$0x3] =	wrdreg s4  }
0xaa: {  	[dreg:$0x4] =	wrdreg $0xC0  }
0xab: {  	_ =	task [dreg:s6], $0x5FFFF  }
0xac: {  	[dreg:$0x1] =	wrdreg $0xFFFFFFFF  }
0xad: {  	[dreg:$0x0] =	wrdreg $0x60  }
0xae: {  	[dreg:$0x2] =	wrdreg s24  }
0xaf: {  	[dreg:$0x3] =	wrdreg $0x120000  }
0xb0: {  	[dreg:$0x4] =	wrdreg $0x16E200  }
0xb1: {  	[dreg:$0x5] =	wrdreg $0x9  }
0xb2: {  	_ =	task.clear_ibuf [dreg:s6], $0x6FFFF;
	_ =	strace $0x90000049  }
0xb3: {  	s29 =	simm.s32 $0x9;
	_ =	strace $0x8000004B  }
0xb4: {  	_ =	swait.ge [sflag:s29], $0x1  }
0xb5: {  	[sflag:s29] =	ssyncadd.s32 $0xFFFFFFFF  }
0xb6: {  	_ =	strace $0x9000004B  }
0xb7: {  	_ =	sfence  }
0xb8: {  	s30 =	sld [smem:$0x0];
	_ =	sdelay $0x2  }
0xb9: {  	s31 =	sshll.u32 s1, $0xD;
	s1 =	sshrl.u32 s1, $0x2  }
0xba: {  	s3 =	sand.u32 $0x4000, s31;
	s1 =	sadd.s32 s1, s30  }
0xbb: {  	s0 =	sor.u32 s3, s0;
	s1 =	sshll.u32 s1, $0x11  }
0xbc: {  	s0 =	sor.u32 s1, s0  }
0xbd: {  	s0 =	sadd.s32 $0x8F2B, s0  }
0xbe: {  	[sflag:s0] =	ssyncadd.remote.s32 $0x1  }
0xbf: {  	_ =	sfence.sel $0xFFFF  }
0xc0: {  	[dreg:$0x0] =	wrdreg $0xFFFFFFFF;
	(pc) =	sbr.abs _section_cstart, $3  }
0xc1: {  	[dreg:$0x1] =	wrdreg $0xFFFFFFFF  }
0xc2: {  	_ =	task.clear_ibuf [dreg:s6], $0x2FFFF;
	_ =	strace $0x9FFFFFFF  }
0xc3: {  	(tm) =	ssettm $0x7FFFFFFF  }
tec
execute0_lowered:
.L_overlay_start_1:
0x0: {  	(tag) =	ssettag $0x1  }
0x1: {  	s0 =	rddreg [dreg:$0x0]  }
0x2: {  	s2 =	rddreg [dreg:$0x1]  }
0x3: {  	s3 =	rddreg [dreg:$0x2]  }
0x4: {  	s1 =	simm.s32 $0x0;
	s14 =	stileid.u32;
	s5 =	srdreg.scid  }
0x5: {  	s29 =	simm.s32 $0xF000;
	s31 =	simm.s32 $0x10000;
	s28 =	simm.s32 $0xC  }
0x6: {  	s30 =	simm.s32 $0xD;
	[smem:$0x7FF] =	sst s1;
	s13 =	smul.u32 $0xA00, s14  }
0x7: {  	s4 =	smul.u32 $0x4F00, s14;
	s6 =	sadd.s32 $0xB1A00, s0;
	s5 =	sand.u32 $0x1, s5  }
0x8: {  	s10 =	smul.u32 $0x4E20, s14;
	s25 =	sshll.u32 s14, $0x6;
	s14 =	simm.s32 $0x1  }
0x9: {  	_ =	strace $0x8000004A;
	s8 =	ssub.s32 $0x2, s5;
	s15 =	smul.u32 $0x9C400, s5  }
0xa: {  	s16 =	smul.u32 $0x9E000, s5;
	s5 =	sshllo.u32 s5, $0x1;
	s1 =	sadd.s32 s13, s0  }
0xb: {  	s7 =	sshrl.u32 s4, $0x3;
	s9 =	sshrl.u32 s8, $0x1;
	s18 =	smul.u32 $0x4E200, s5  }
0xc: {  	s12 =	sadd.s32 s10, s2;
	s5 =	smul.u32 $0x4F000, s5;
	s19 =	sadd.s32 s4, s3  }
0xd: {  	s13 =	simm.s32 $0x11;
	s7 =	sadd.s32 s7, s0;
	s0 =	sadd.s32 $0xE2A00, s0  }
0xe: {  	s8 =	ssub.s32 s8, s9;
	s11 =	sadd.s32 $0xB600, s1;
	s1 =	sadd.s32 $0x1600, s1  }
0xf: {  	s17 =	sadd.s32 s10, s15;
	s20 =	sadd.s32 s4, s16;
	s26 =	sshrl.u32 s12, $0x3  }
0x10: {  	s16 =	sshrl.u32 s19, $0x3;
	s19 =	simm.s32 $0xA000;
	[dreg:$0x4] =	wrdreg s11  }
0x11: {  	s12 =	simm.s32 $0x8;
	s15 =	simm.s32 $0x0;
	[dreg:$0x5] =	wrdreg s1  }
0x12: {  	s1 =	sshrl.u32 s17, $0x3;
	s7 =	sadd.s32 $0xD8C00, s7;
	s9 =	sadd.s32 s10, s18  }
0x13: {  	s4 =	sadd.s32 s4, s5;
	s21 =	sshrl.u32 s20, $0x3;
	s24 =	smax.u32 s8, $0x1  }
0x14: {  	s17 =	sor.u32 $0x1C11, s25;
	[dreg:$0xd] =	wrdreg s26;
	s18 =	simm.s32 $0x80  }
0x15: {  	s20 =	simm.s32 $0xB000;
	s26 =	simm.s32 $0xE000;
	s10 =	simm.s32 $0x6  }
0x16: {  	s11 =	simm.s32 $0x7;
	s25 =	simm.s32 $0xB;
	[dreg:$0xf] =	wrdreg s15  }
0x17: {  	s8 =	simm.s32 $0x10;
	[dreg:$0xe] =	wrdreg s16;
	s1 =	sadd.s32 s6, s1  }
0x18: {  	[dreg:$0x7] =	wrdreg s7;
	s22 =	sshrl.u32 s9, $0x3;
	s4 =	sshrl.u32 s4, $0x3  }
0x19: {  	s5 =	sadd.s32 s0, s21;
	[dreg:$0xb] =	wrdreg s24;
	s24 =	simm.s32 $0xD000  }
0x1a: {  	s7 =	simm.s32 $0x4;
	s9 =	simm.s32 $0x5;
	[dreg:$0xc] =	wrdreg s17  }
.Ltmp0:
0x1b: {  	s21 =	simm.s32 $0x9;
	[dreg:$0x6] =	wrdreg s1;
	(pc) =	sbr.rel .LBB2_1-.Ltmp0, $4  }
0x1c: {  	[dreg:$0x8] =	wrdreg s5;
	s23 =	sadd.s32 s6, s22;
	s0 =	sadd.s32 s0, s4  }
0x1d: {  	s22 =	simm.s32 $0xC000;
	s1 =	simm.s32 $0x11000;
	s5 =	simm.s32 $0x2  }
0x1e: {  	s6 =	simm.s32 $0x3;
	s4 =	simm.s32 $0xF;
	[dreg:$0x9] =	wrdreg s23  }
0x1f: {  	[dreg:$0xa] =	wrdreg s0;
	s23 =	simm.s32 $0xA;
	s0 =	simm.s32 $0xE  }
.LBB2_7:
0x20: {  	_ =	swait.ge [sflag:s23], $0x1000  }
0x21: {  	[sflag:s23] =	ssyncset.done $0x0  }
0x22: {  	[sflag:s23] =	ssyncadd.s32 $0xFFFFF000  }
0x23: {  	_ =	swait.ge [sflag:s25], $0x1000  }
0x24: {  	[sflag:s25] =	ssyncset.done $0x0  }
0x25: {  	[sflag:s25] =	ssyncadd.s32 $0xFFFFF000  }
0x26: {  	_ =	swait.ge [sflag:s28], $0x1000  }
0x27: {  	[sflag:s28] =	ssyncset.done $0x0  }
0x28: {  	[sflag:s28] =	ssyncadd.s32 $0xFFFFF000  }
0x29: {  	_ =	swait.ge [sflag:s30], $0x1000  }
0x2a: {  	[sflag:s30] =	ssyncset.done $0x0  }
0x2b: {  	[sflag:s30] =	ssyncadd.s32 $0xFFFFF000  }
0x2c: {  	_ =	swait.ge [sflag:s0], $0x1000  }
0x2d: {  	[sflag:s0] =	ssyncset.done $0x0  }
0x2e: {  	[sflag:s0] =	ssyncadd.s32 $0xFFFFF000  }
0x2f: {  	_ =	swait.ge [sflag:s4], $0x1000  }
0x30: {  	[sflag:s4] =	ssyncset.done $0x0  }
0x31: {  	[sflag:s4] =	ssyncadd.s32 $0xFFFFF000  }
0x32: {  	_ =	swait.ge [sflag:s8], $0x1000  }
0x33: {  	[sflag:s8] =	ssyncset.done $0x0  }
0x34: {  	[sflag:s8] =	ssyncadd.s32 $0xFFFFF000  }
0x35: {  	[bflag:$0x0] =	sbarrier.arrive $0xFFFF  }
0x36: {  	s15 =	rddreg [dreg:$0xa]  }
0x37: {  	s17 =	rddreg [dreg:$0xc]  }
0x38: {  	s16 =	rddreg [dreg:$0xe]  }
0x39: {  	[hbm:s15], [sflag:s17] =	dma.local [spmem:s16], $0x9E0  }
0x3a: {  	_ =	swait.ge [sflag:s13], $0x9E0  }
0x3b: {  	s16 =	simm.s32 $0x11;
	s13 =	rddreg [dreg:$0xf]  }
0x3c: {  	[sflag:s16] =	ssyncset.done $0x0;
	s16 =	rddreg [dreg:$0xb];
	s13 =	sadd.s32 $0x1, s13  }
0x3d: {  	p0 =	sne.s32 s13, s16  }
.Ltmp1:
0x3e: {  	_ = 	snop;
	(pc) =	sbr.rel @!p0 .LBB2_8-.Ltmp1, $3  }
0x3f: {  	_ =	sdelay $0x1  }
0x40: {  	[dreg:$0xf] =	wrdreg s13;
	s13 =	simm.s32 $0x11  }
0x41: {  	[sflag:s13] =	ssyncadd.s32 $0xFFFFF620  }
.LBB2_1:
0x42: {  	s15 =	simm.s32 $0x0;
	s16 =	rddreg [dreg:$0x4]  }
0x43: {  	[tilespmem:s15], [sflag:$0x11] =	stream.linear.gather [hbm4b:s16+s15], $0x5000, $0x38;
	[tilespmem:$0x1BD20] =	vst v63  }
0x44: {  	_ =	swait.ge [sflag:s13], $0x5000  }
0x45: {  	s15 =	simm.s32 $0x0;
	[sflag:s13] =	ssyncset.done $0x0;
	s16 =	rddreg [dreg:$0x5]  }
0x46: {  	[sflag:s13] =	ssyncadd.s32 $0xFFFFB000;
	s13 =	smov.u32 s17;
	s17 =	simm.s32 $0x5000  }
0x47: {  	[tilespmem:s17], [sflag:$0x11] =	stream.linear.gather [hbm4b:s16+s15], $0x5000, $0x38;
	[tilespmem:$0x1BD20] =	vst v63  }
0x48: {  	s16 =	simm.s32 $0x11  }
0x49: {  	s17 =	simm.s32 $0x11;
	_ =	swait.ge [sflag:s16], $0x5000  }
0x4a: {  	s16 =	simm.s32 $0x11;
	[sflag:s17] =	ssyncset.done $0x0;
	s17 =	rddreg [dreg:$0x6]  }
0x4b: {  	s15 =	rddreg [dreg:$0xd];
	[sflag:s16] =	ssyncadd.s32 $0xFFFFB000  }
0x4c: {  	[spmem:s15], [sflag:s13] =	dma.local [hbm:s17], $0x9C4  }
0x4d: {  	s17 =	simm.s32 $0x11  }
0x4e: {  	s16 =	simm.s32 $0x11;
	_ =	swait.ge [sflag:s17], $0x9C4  }
0x4f: {  	s17 =	simm.s32 $0x11;
	[sflag:s16] =	ssyncset.done $0x0;
	s15 =	rddreg [dreg:$0x7]  }
0x50: {  	s16 =	simm.s32 $0x11;
	[sflag:s17] =	ssyncadd.s32 $0xFFFFF63C;
	s17 =	rddreg [dreg:$0xe]  }
0x51: {  	[spmem:s17], [sflag:s13] =	dma.local [hbm:s15], $0x9E0  }
0x52: {  	_ =	swait.ge [sflag:s16], $0x9E0  }
0x53: {  	[sflag:s16] =	ssyncset.done $0x0  }
0x54: {  	[sflag:s16] =	ssyncadd.s32 $0xFFFFF620  }
0x55: {  	s17 =	simm.s32 $0x0;
	[bflag:$0x0] =	sbarrier.arrive $0xFFFF  }
0x56: {  	[tilespmem:s19], [sflag:$0x1] =	stream.indirect.gather [spmem:s2], $0x20, s17, s18, $0xb8;
	[tilespmem:$0x1BD20] =	vst v63  }
0x57: {  	_ = 	snop  }
0x58: {  	[tilespmem:s20], [sflag:$0x2] =	stream.indirect.gather [spmem:s2], $0x20, s18, s18, $0xb8;
	[tilespmem:$0x1BD20] =	vst v63  }
0x59: {  	s15 =	simm.s32 $0x100  }
0x5a: {  	[tilespmem:s22], [sflag:$0x3] =	stream.indirect.gather [spmem:s2], $0x20, s15, s18, $0xb8;
	[tilespmem:$0x1BD20] =	vst v63  }
0x5b: {  	s16 =	simm.s32 $0x180  }
0x5c: {  	[tilespmem:s24], [sflag:$0x4] =	stream.indirect.gather [spmem:s2], $0x20, s16, s18, $0xb8;
	[tilespmem:$0x1BD20] =	vst v63  }
0x5d: {  	s17 =	simm.s32 $0x200  }
0x5e: {  	[tilespmem:s26], [sflag:$0x5] =	stream.indirect.gather [spmem:s2], $0x20, s17, s18, $0xb8;
	[tilespmem:$0x1BD20] =	vst v63  }
0x5f: {  	s15 =	simm.s32 $0x280  }
0x60: {  	[tilespmem:s29], [sflag:$0x6] =	stream.indirect.gather [spmem:s2], $0x20, s15, s18, $0xb8;
	[tilespmem:$0x1BD20] =	vst v63  }
0x61: {  	s16 =	simm.s32 $0x300  }
0x62: {  	[tilespmem:s31], [sflag:$0x7] =	stream.indirect.gather [spmem:s2], $0x20, s16, s18, $0xb8;
	[tilespmem:$0x1BD20] =	vst v63  }
0x63: {  	s17 =	simm.s32 $0x380  }
0x64: {  	[tilespmem:s1], [sflag:$0x8] =	stream.indirect.gather [spmem:s2], $0x20, s17, s18, $0xb8;
	[tilespmem:$0x1BD20] =	vst v63  }
0x65: {  	s17 =	simm.s32 $0x0  }
.LBB2_2:
0x66: {  	_ =	swait.ge [sflag:s14], $0x1000  }
0x67: {  	s15 =	sshra.s32 s17, $0x2;
	[sflag:s14] =	ssyncset.done $0x0  }
0x68: {  	s16 =	sadd.s32 $0x5000, s15;
	[sflag:s14] =	ssyncadd.s32 $0xFFFFF000  }
0x69: {  	[spmem:s3] =	stream.indirect.scatter.add.f32 [tilespmem:s19], [sflag:$0x9], $0x20, s16, s18, $0xb8;
	[tilespmem:$0x1BD20] =	vst v63  }
0x6a: {  	_ =	swait.ge [sflag:s5], $0x1000  }
0x6b: {  	[sflag:s5] =	ssyncset.done $0x0  }
0x6c: {  	s13 =	sadd.s32 $0x5080, s15;
	[sflag:s5] =	ssyncadd.s32 $0xFFFFF000  }
0x6d: {  	[spmem:s3] =	stream.indirect.scatter.add.f32 [tilespmem:s20], [sflag:$0xA], $0x20, s13, s18, $0xb8;
	[tilespmem:$0x1BD20] =	vst v63  }
0x6e: {  	_ =	swait.ge [sflag:s6], $0x1000  }
0x6f: {  	[sflag:s6] =	ssyncset.done $0x0  }
0x70: {  	s13 =	sadd.s32 $0x5100, s15;
	[sflag:s6] =	ssyncadd.s32 $0xFFFFF000  }
0x71: {  	[spmem:s3] =	stream.indirect.scatter.add.f32 [tilespmem:s22], [sflag:$0xB], $0x20, s13, s18, $0xb8;
	[tilespmem:$0x1BD20] =	vst v63  }
0x72: {  	_ =	swait.ge [sflag:s7], $0x1000  }
0x73: {  	[sflag:s7] =	ssyncset.done $0x0  }
0x74: {  	s13 =	sadd.s32 $0x5180, s15;
	[sflag:s7] =	ssyncadd.s32 $0xFFFFF000  }
0x75: {  	[spmem:s3] =	stream.indirect.scatter.add.f32 [tilespmem:s24], [sflag:$0xC], $0x20, s13, s18, $0xb8;
	[tilespmem:$0x1BD20] =	vst v63  }
0x76: {  	_ =	swait.ge [sflag:s9], $0x1000  }
0x77: {  	[sflag:s9] =	ssyncset.done $0x0  }
0x78: {  	s13 =	sadd.s32 $0x5200, s15;
	[sflag:s9] =	ssyncadd.s32 $0xFFFFF000  }
0x79: {  	[spmem:s3] =	stream.indirect.scatter.add.f32 [tilespmem:s26], [sflag:$0xD], $0x20, s13, s18, $0xb8;
	[tilespmem:$0x1BD20] =	vst v63  }
0x7a: {  	_ =	swait.ge [sflag:s10], $0x1000  }
0x7b: {  	[sflag:s10] =	ssyncset.done $0x0  }
0x7c: {  	s13 =	sadd.s32 $0x5280, s15;
	[sflag:s10] =	ssyncadd.s32 $0xFFFFF000  }
0x7d: {  	[spmem:s3] =	stream.indirect.scatter.add.f32 [tilespmem:s29], [sflag:$0xE], $0x20, s13, s18, $0xb8;
	[tilespmem:$0x1BD20] =	vst v63  }
0x7e: {  	_ =	swait.ge [sflag:s11], $0x1000  }
0x7f: {  	[sflag:s11] =	ssyncset.done $0x0  }
0x80: {  	s13 =	sadd.s32 $0x5300, s15;
	[sflag:s11] =	ssyncadd.s32 $0xFFFFF000  }
0x81: {  	[spmem:s3] =	stream.indirect.scatter.add.f32 [tilespmem:s31], [sflag:$0xF], $0x20, s13, s18, $0xb8;
	[tilespmem:$0x1BD20] =	vst v63  }
0x82: {  	_ =	swait.ge [sflag:s12], $0x1000  }
0x83: {  	p0 =	seq.s32 s17, $0x13000;
	[sflag:s12] =	ssyncset.done $0x0  }
.Ltmp2:
0x84: {  	s13 =	sadd.s32 $0x5380, s15;
	[sflag:s12] =	ssyncadd.s32 $0xFFFFF000;
	(pc) =	sbr.rel @p0 .LBB2_4-.Ltmp2, $4  }
0x85: {  	[spmem:s3] =	stream.indirect.scatter.add.f32 [tilespmem:s1], [sflag:$0x10], $0x20, s13, s18, $0xb8;
	[tilespmem:$0x1BD20] =	vst v63  }
0x86: {  	_ =	swait.ge [sflag:s21], $0x1000  }
0x87: {  	[sflag:s21] =	ssyncset.done $0x0  }
0x88: {  	[sflag:s21] =	ssyncadd.s32 $0xFFFFF000  }
0x89: {  	s16 =	sadd.s32 $0x400, s15  }
0x8a: {  	[tilespmem:s19], [sflag:$0x1] =	stream.indirect.gather [spmem:s2], $0x20, s16, s18, $0xb8;
	[tilespmem:$0x1BD20] =	vst v63  }
0x8b: {  	_ =	swait.ge [sflag:s23], $0x1000  }
0x8c: {  	[sflag:s23] =	ssyncset.done $0x0  }
0x8d: {  	s13 =	sadd.s32 $0x480, s15;
	[sflag:s23] =	ssyncadd.s32 $0xFFFFF000  }
0x8e: {  	[tilespmem:s20], [sflag:$0x2] =	stream.indirect.gather [spmem:s2], $0x20, s13, s18, $0xb8;
	[tilespmem:$0x1BD20] =	vst v63  }
0x8f: {  	_ =	swait.ge [sflag:s25], $0x1000  }
0x90: {  	[sflag:s25] =	ssyncset.done $0x0  }
0x91: {  	s13 =	sadd.s32 $0x500, s15;
	[sflag:s25] =	ssyncadd.s32 $0xFFFFF000  }
0x92: {  	[tilespmem:s22], [sflag:$0x3] =	stream.indirect.gather [spmem:s2], $0x20, s13, s18, $0xb8;
	[tilespmem:$0x1BD20] =	vst v63  }
0x93: {  	_ =	swait.ge [sflag:s28], $0x1000  }
0x94: {  	[sflag:s28] =	ssyncset.done $0x0  }
0x95: {  	s13 =	sadd.s32 $0x580, s15;
	[sflag:s28] =	ssyncadd.s32 $0xFFFFF000  }
0x96: {  	[tilespmem:s24], [sflag:$0x4] =	stream.indirect.gather [spmem:s2], $0x20, s13, s18, $0xb8;
	[tilespmem:$0x1BD20] =	vst v63  }
0x97: {  	_ =	swait.ge [sflag:s30], $0x1000  }
0x98: {  	[sflag:s30] =	ssyncset.done $0x0  }
0x99: {  	s13 =	sadd.s32 $0x600, s15;
	[sflag:s30] =	ssyncadd.s32 $0xFFFFF000  }
0x9a: {  	[tilespmem:s26], [sflag:$0x5] =	stream.indirect.gather [spmem:s2], $0x20, s13, s18, $0xb8;
	[tilespmem:$0x1BD20] =	vst v63  }
0x9b: {  	_ =	swait.ge [sflag:s0], $0x1000  }
0x9c: {  	[sflag:s0] =	ssyncset.done $0x0  }
0x9d: {  	s13 =	sadd.s32 $0x680, s15;
	[sflag:s0] =	ssyncadd.s32 $0xFFFFF000  }
0x9e: {  	[tilespmem:s29], [sflag:$0x6] =	stream.indirect.gather [spmem:s2], $0x20, s13, s18, $0xb8;
	[tilespmem:$0x1BD20] =	vst v63  }
0x9f: {  	_ =	swait.ge [sflag:s4], $0x1000  }
0xa0: {  	[sflag:s4] =	ssyncset.done $0x0  }
0xa1: {  	s13 =	sadd.s32 $0x700, s15;
	[sflag:s4] =	ssyncadd.s32 $0xFFFFF000  }
0xa2: {  	[tilespmem:s31], [sflag:$0x7] =	stream.indirect.gather [spmem:s2], $0x20, s13, s18, $0xb8;
	[tilespmem:$0x1BD20] =	vst v63  }
.Ltmp3:
0xa3: {  	_ = 	snop;
	(pc) =	sbr.rel .LBB2_2-.Ltmp3, $4  }
0xa4: {  	_ =	swait.ge [sflag:s8], $0x1000  }
0xa5: {  	[sflag:s8] =	ssyncset.done $0x0  }
0xa6: {  	s17 =	sadd.s32 $0x1000, s17;
	s16 =	sadd.s32 $0x780, s15;
	[sflag:s8] =	ssyncadd.s32 $0xFFFFF000  }
0xa7: {  	[tilespmem:s1], [sflag:$0x8] =	stream.indirect.gather [spmem:s2], $0x20, s16, s18, $0xb8;
	[tilespmem:$0x1BD20] =	vst v63  }
.LBB2_4:
0xa8: {  	_ =	swait.ge [sflag:s23], $0x1000  }
0xa9: {  	[sflag:s23] =	ssyncset.done $0x0  }
0xaa: {  	[sflag:s23] =	ssyncadd.s32 $0xFFFFF000  }
0xab: {  	_ =	swait.ge [sflag:s25], $0x1000  }
0xac: {  	[sflag:s25] =	ssyncset.done $0x0  }
0xad: {  	[sflag:s25] =	ssyncadd.s32 $0xFFFFF000  }
0xae: {  	_ =	swait.ge [sflag:s28], $0x1000  }
0xaf: {  	[sflag:s28] =	ssyncset.done $0x0  }
0xb0: {  	[sflag:s28] =	ssyncadd.s32 $0xFFFFF000  }
0xb1: {  	_ =	swait.ge [sflag:s30], $0x1000  }
0xb2: {  	[sflag:s30] =	ssyncset.done $0x0  }
0xb3: {  	[sflag:s30] =	ssyncadd.s32 $0xFFFFF000  }
0xb4: {  	_ =	swait.ge [sflag:s0], $0x1000  }
0xb5: {  	[sflag:s0] =	ssyncset.done $0x0  }
0xb6: {  	[sflag:s0] =	ssyncadd.s32 $0xFFFFF000  }
0xb7: {  	_ =	swait.ge [sflag:s4], $0x1000  }
0xb8: {  	[sflag:s4] =	ssyncset.done $0x0  }
0xb9: {  	[sflag:s4] =	ssyncadd.s32 $0xFFFFF000  }
0xba: {  	_ =	swait.ge [sflag:s8], $0x1000  }
0xbb: {  	[sflag:s8] =	ssyncset.done $0x0  }
0xbc: {  	[sflag:s8] =	ssyncadd.s32 $0xFFFFF000  }
0xbd: {  	[bflag:$0x0] =	sbarrier.arrive $0xFFFF  }
0xbe: {  	s15 =	rddreg [dreg:$0x8]  }
0xbf: {  	s13 =	rddreg [dreg:$0xc]  }
0xc0: {  	s16 =	simm.s32 $0x11;
	s17 =	rddreg [dreg:$0xe]  }
0xc1: {  	[hbm:s15], [sflag:s13] =	dma.local [spmem:s17], $0x9E0  }
0xc2: {  	_ =	swait.ge [sflag:s16], $0x9E0  }
0xc3: {  	[sflag:s16] =	ssyncset.done $0x0;
	s15 =	rddreg [dreg:$0x9]  }
0xc4: {  	s17 =	rddreg [dreg:$0xd];
	[sflag:s16] =	ssyncadd.s32 $0xFFFFF620  }
0xc5: {  	[spmem:s17], [sflag:s13] =	dma.local [hbm:s15], $0x9C4  }
0xc6: {  	_ =	swait.ge [sflag:s16], $0x9C4  }
0xc7: {  	[sflag:s16] =	ssyncset.done $0x0;
	s17 =	rddreg [dreg:$0xe]  }
0xc8: {  	[sflag:s16] =	ssyncadd.s32 $0xFFFFF63C;
	s16 =	rddreg [dreg:$0x7]  }
0xc9: {  	[spmem:s17], [sflag:s13] =	dma.local [hbm:s16], $0x9E0  }
0xca: {  	s13 =	simm.s32 $0x11  }
0xcb: {  	_ =	swait.ge [sflag:s13], $0x9E0  }
0xcc: {  	[sflag:s13] =	ssyncset.done $0x0  }
0xcd: {  	[sflag:s13] =	ssyncadd.s32 $0xFFFFF620  }
0xce: {  	s17 =	simm.s32 $0x0;
	[bflag:$0x0] =	sbarrier.arrive $0xFFFF  }
0xcf: {  	[tilespmem:s19], [sflag:$0x1] =	stream.indirect.gather [spmem:s2], $0x20, s17, s18, $0xb8;
	[tilespmem:$0x1BD20] =	vst v63  }
0xd0: {  	_ = 	snop  }
0xd1: {  	[tilespmem:s20], [sflag:$0x2] =	stream.indirect.gather [spmem:s2], $0x20, s18, s18, $0xb8;
	[tilespmem:$0x1BD20] =	vst v63  }
0xd2: {  	s16 =	simm.s32 $0x100  }
0xd3: {  	[tilespmem:s22], [sflag:$0x3] =	stream.indirect.gather [spmem:s2], $0x20, s16, s18, $0xb8;
	[tilespmem:$0x1BD20] =	vst v63  }
0xd4: {  	s16 =	simm.s32 $0x180  }
0xd5: {  	[tilespmem:s24], [sflag:$0x4] =	stream.indirect.gather [spmem:s2], $0x20, s16, s18, $0xb8;
	[tilespmem:$0x1BD20] =	vst v63  }
0xd6: {  	s16 =	simm.s32 $0x200  }
0xd7: {  	[tilespmem:s26], [sflag:$0x5] =	stream.indirect.gather [spmem:s2], $0x20, s16, s18, $0xb8;
	[tilespmem:$0x1BD20] =	vst v63  }
0xd8: {  	s16 =	simm.s32 $0x280  }
0xd9: {  	[tilespmem:s29], [sflag:$0x6] =	stream.indirect.gather [spmem:s2], $0x20, s16, s18, $0xb8;
	[tilespmem:$0x1BD20] =	vst v63  }
0xda: {  	s16 =	simm.s32 $0x300  }
0xdb: {  	[tilespmem:s31], [sflag:$0x7] =	stream.indirect.gather [spmem:s2], $0x20, s16, s18, $0xb8;
	[tilespmem:$0x1BD20] =	vst v63  }
0xdc: {  	s16 =	simm.s32 $0x380  }
0xdd: {  	[tilespmem:s1], [sflag:$0x8] =	stream.indirect.gather [spmem:s2], $0x20, s16, s18, $0xb8;
	[tilespmem:$0x1BD20] =	vst v63  }
.LBB2_5:
0xde: {  	_ =	swait.ge [sflag:s14], $0x1000  }
0xdf: {  	s15 =	sshra.s32 s17, $0x2;
	[sflag:s14] =	ssyncset.done $0x0  }
0xe0: {  	s16 =	sadd.s32 $0x5000, s15;
	[sflag:s14] =	ssyncadd.s32 $0xFFFFF000  }
0xe1: {  	[spmem:s3] =	stream.indirect.scatter.add.f32 [tilespmem:s19], [sflag:$0x9], $0x20, s16, s18, $0xb8;
	[tilespmem:$0x1BD20] =	vst v63  }
0xe2: {  	_ =	swait.ge [sflag:s5], $0x1000  }
0xe3: {  	[sflag:s5] =	ssyncset.done $0x0  }
0xe4: {  	s16 =	sadd.s32 $0x5080, s15;
	[sflag:s5] =	ssyncadd.s32 $0xFFFFF000  }
0xe5: {  	[spmem:s3] =	stream.indirect.scatter.add.f32 [tilespmem:s20], [sflag:$0xA], $0x20, s16, s18, $0xb8;
	[tilespmem:$0x1BD20] =	vst v63  }
0xe6: {  	_ =	swait.ge [sflag:s6], $0x1000  }
0xe7: {  	[sflag:s6] =	ssyncset.done $0x0  }
0xe8: {  	s16 =	sadd.s32 $0x5100, s15;
	[sflag:s6] =	ssyncadd.s32 $0xFFFFF000  }
0xe9: {  	[spmem:s3] =	stream.indirect.scatter.add.f32 [tilespmem:s22], [sflag:$0xB], $0x20, s16, s18, $0xb8;
	[tilespmem:$0x1BD20] =	vst v63  }
0xea: {  	_ =	swait.ge [sflag:s7], $0x1000  }
0xeb: {  	[sflag:s7] =	ssyncset.done $0x0  }
0xec: {  	s16 =	sadd.s32 $0x5180, s15;
	[sflag:s7] =	ssyncadd.s32 $0xFFFFF000  }
0xed: {  	[spmem:s3] =	stream.indirect.scatter.add.f32 [tilespmem:s24], [sflag:$0xC], $0x20, s16, s18, $0xb8;
	[tilespmem:$0x1BD20] =	vst v63  }
0xee: {  	_ =	swait.ge [sflag:s9], $0x1000  }
0xef: {  	[sflag:s9] =	ssyncset.done $0x0  }
0xf0: {  	s16 =	sadd.s32 $0x5200, s15;
	[sflag:s9] =	ssyncadd.s32 $0xFFFFF000  }
0xf1: {  	[spmem:s3] =	stream.indirect.scatter.add.f32 [tilespmem:s26], [sflag:$0xD], $0x20, s16, s18, $0xb8;
	[tilespmem:$0x1BD20] =	vst v63  }
0xf2: {  	_ =	swait.ge [sflag:s10], $0x1000  }
0xf3: {  	[sflag:s10] =	ssyncset.done $0x0  }
0xf4: {  	s16 =	sadd.s32 $0x5280, s15;
	[sflag:s10] =	ssyncadd.s32 $0xFFFFF000  }
0xf5: {  	[spmem:s3] =	stream.indirect.scatter.add.f32 [tilespmem:s29], [sflag:$0xE], $0x20, s16, s18, $0xb8;
	[tilespmem:$0x1BD20] =	vst v63  }
0xf6: {  	_ =	swait.ge [sflag:s11], $0x1000  }
0xf7: {  	[sflag:s11] =	ssyncset.done $0x0  }
0xf8: {  	s16 =	sadd.s32 $0x5300, s15;
	[sflag:s11] =	ssyncadd.s32 $0xFFFFF000  }
0xf9: {  	[spmem:s3] =	stream.indirect.scatter.add.f32 [tilespmem:s31], [sflag:$0xF], $0x20, s16, s18, $0xb8;
	[tilespmem:$0x1BD20] =	vst v63  }
0xfa: {  	_ =	swait.ge [sflag:s12], $0x1000  }
0xfb: {  	p0 =	seq.s32 s17, $0x13000;
	[sflag:s12] =	ssyncset.done $0x0  }
.Ltmp4:
0xfc: {  	s16 =	sadd.s32 $0x5380, s15;
	[sflag:s12] =	ssyncadd.s32 $0xFFFFF000;
	(pc) =	sbr.rel @p0 .LBB2_7-.Ltmp4, $4  }
0xfd: {  	[spmem:s3] =	stream.indirect.scatter.add.f32 [tilespmem:s1], [sflag:$0x10], $0x20, s16, s18, $0xb8;
	[tilespmem:$0x1BD20] =	vst v63  }
0xfe: {  	_ =	swait.ge [sflag:s21], $0x1000  }
0xff: {  	[sflag:s21] =	ssyncset.done $0x0  }
0x100: {  	[sflag:s21] =	ssyncadd.s32 $0xFFFFF000  }
0x101: {  	s16 =	sadd.s32 $0x400, s15  }
0x102: {  	[tilespmem:s19], [sflag:$0x1] =	stream.indirect.gather [spmem:s2], $0x20, s16, s18, $0xb8;
	[tilespmem:$0x1BD20] =	vst v63  }
0x103: {  	_ =	swait.ge [sflag:s23], $0x1000  }
0x104: {  	[sflag:s23] =	ssyncset.done $0x0  }
0x105: {  	s16 =	sadd.s32 $0x480, s15;
	[sflag:s23] =	ssyncadd.s32 $0xFFFFF000  }
0x106: {  	[tilespmem:s20], [sflag:$0x2] =	stream.indirect.gather [spmem:s2], $0x20, s16, s18, $0xb8;
	[tilespmem:$0x1BD20] =	vst v63  }
0x107: {  	_ =	swait.ge [sflag:s25], $0x1000  }
0x108: {  	[sflag:s25] =	ssyncset.done $0x0  }
0x109: {  	s16 =	sadd.s32 $0x500, s15;
	[sflag:s25] =	ssyncadd.s32 $0xFFFFF000  }
0x10a: {  	[tilespmem:s22], [sflag:$0x3] =	stream.indirect.gather [spmem:s2], $0x20, s16, s18, $0xb8;
	[tilespmem:$0x1BD20] =	vst v63  }
0x10b: {  	_ =	swait.ge [sflag:s28], $0x1000  }
0x10c: {  	[sflag:s28] =	ssyncset.done $0x0  }
0x10d: {  	s16 =	sadd.s32 $0x580, s15;
	[sflag:s28] =	ssyncadd.s32 $0xFFFFF000  }
0x10e: {  	[tilespmem:s24], [sflag:$0x4] =	stream.indirect.gather [spmem:s2], $0x20, s16, s18, $0xb8;
	[tilespmem:$0x1BD20] =	vst v63  }
0x10f: {  	_ =	swait.ge [sflag:s30], $0x1000  }
0x110: {  	[sflag:s30] =	ssyncset.done $0x0  }
0x111: {  	s16 =	sadd.s32 $0x600, s15;
	[sflag:s30] =	ssyncadd.s32 $0xFFFFF000  }
0x112: {  	[tilespmem:s26], [sflag:$0x5] =	stream.indirect.gather [spmem:s2], $0x20, s16, s18, $0xb8;
	[tilespmem:$0x1BD20] =	vst v63  }
0x113: {  	_ =	swait.ge [sflag:s0], $0x1000  }
0x114: {  	[sflag:s0] =	ssyncset.done $0x0  }
0x115: {  	s16 =	sadd.s32 $0x680, s15;
	[sflag:s0] =	ssyncadd.s32 $0xFFFFF000  }
0x116: {  	[tilespmem:s29], [sflag:$0x6] =	stream.indirect.gather [spmem:s2], $0x20, s16, s18, $0xb8;
	[tilespmem:$0x1BD20] =	vst v63  }
0x117: {  	_ =	swait.ge [sflag:s4], $0x1000  }
0x118: {  	[sflag:s4] =	ssyncset.done $0x0  }
0x119: {  	s16 =	sadd.s32 $0x700, s15;
	[sflag:s4] =	ssyncadd.s32 $0xFFFFF000  }
0x11a: {  	[tilespmem:s31], [sflag:$0x7] =	stream.indirect.gather [spmem:s2], $0x20, s16, s18, $0xb8;
	[tilespmem:$0x1BD20] =	vst v63  }
.Ltmp5:
0x11b: {  	_ = 	snop;
	(pc) =	sbr.rel .LBB2_5-.Ltmp5, $4  }
0x11c: {  	_ =	swait.ge [sflag:s8], $0x1000  }
0x11d: {  	[sflag:s8] =	ssyncset.done $0x0  }
0x11e: {  	s17 =	sadd.s32 $0x1000, s17;
	s16 =	sadd.s32 $0x780, s15;
	[sflag:s8] =	ssyncadd.s32 $0xFFFFF000  }
0x11f: {  	[tilespmem:s1], [sflag:$0x8] =	stream.indirect.gather [spmem:s2], $0x20, s16, s18, $0xb8;
	[tilespmem:$0x1BD20] =	vst v63  }
.LBB2_8:
0x120: {  	_ =	sfence.sel $0x180000  }
0x121: {  	[bflag:$0x0] =	sbarrier.arrive $0xFFFF  }
0x122: {  	_ =	strace $0x9000004A  }
0x123: {  	s0 =	stileid.u32;
	[bflag:$0x2] =	sbarrier.arrive $0xFFFF  }
0x124: {  	p0 =	sne.s32 s0, $0x0;
	s0 =	rddreg [dreg:$0x3]  }
0x125: {  	s0 =	sadd.s32 @!p0 $0x100000, s0  }
0x126: {  	[sflag:s0] =	ssyncadd.tile.s32 @!p0 $0x1;
	_ =	shalt  }
.Lfunc_end2:
_tile_overlayer_lowered:
.L_overlay_start_2:
0x127: {  	(tag) =	ssettag $0x2  }
0x128: {  	s0 =	rddreg [dreg:$0x0];
	s2 =	stileid.u32  }
0x129: {  	s1 =	rddreg [dreg:$0x1];
	p0 =	sne.s32 s2, $0x0  }
0x12a: {  	s3 =	rddreg [dreg:$0x2];
	[bflag:$0x3] =	sbarrier.arrive $0xFFFF;
	s2 =	simm.s32 @!p0 $0x1C11  }
0x12b: {  	[timem:s3], [sflag:s2] =	dma.local @!p0 [hbm:s0], s1  }
0x12c: {  	s0 =	simm.s32 @!p0 $0x11  }
0x12d: {  	_ =	swait.ge @!p0 [sflag:s0], s1  }
0x12e: {  	s1 =	ssub.s32 @!p0 $0x0, s1;
	[sflag:s0] =	ssyncset.done @!p0 $0x0  }
0x12f: {  	[sflag:s0] =	ssyncadd.s32 @!p0 s1  }
0x130: {  	[bflag:$0x3] =	sbarrier.arrive $0xFFFF  }
0x131: {  	_ =	shalt  }

// kernel: kernel.14.cloned.1.call-start
scs
__scs_entry_jumppad:
0x0: {  	(pc) =	sbr.rel $0x88, $3  }
0x1: {  	(tag) =	ssettag $0x0;
	lr =	simm.s32 $0x1  }
0x2: {  	[smem:$0x3F9B] =	sst lr;
	_ =	strace $0xD0000000  }
0x3: {  	_ = 	snop  }
0x4: {  	_ = 	snop  }
0x5: {  	_ = 	snop  }
0x6: {  	_ = 	snop  }
0x7: {  	_ = 	snop  }
__scs_overlays_trampoline_lowered:
0x8: {  	[smem:$0x3FAA] =	sst s0  }
0x9: {  	[smem:$0x3FAB] =	sst s1  }
0xa: {  	[smem:$0x3FAC] =	sst s2  }
0xb: {  	[smem:$0x3FAD] =	sst s3  }
0xc: {  	[smem:$0x3FAE] =	sst s4  }
0xd: {  	[smem:$0x3FAF] =	sst s5  }
0xe: {  	[smem:$0x3FB0] =	sst s6  }
0xf: {  	[smem:$0x3FB1] =	sst s7  }
0x10: {  	[smem:$0x3FB2] =	sst s8  }
0x11: {  	[smem:$0x3FB3] =	sst s9;
	s0 =	simm.s32 @!p0 $0x0  }
0x12: {  	s1 =	sld [smem:$0x3F99];
	s0 =	simm.s32 @p0 $0x1  }
0x13: {  	[smem:$0x3FB4] =	sst s0;
	s0 =	simm.s32 @!p1 $0x0  }
0x14: {  	s2 =	sld [smem:$0x3F98];
	s0 =	simm.s32 @p1 $0x1  }
0x15: {  	[smem:$0x3FB5] =	sst s0;
	s0 =	simm.s32 @!p2 $0x0  }
0x16: {  	s3 =	sld [smem:$0x3FDB];
	s0 =	simm.s32 @p2 $0x1  }
0x17: {  	s4 =	simm.s32 $0x1BF5;
	[smem:$0x3FB7] =	sst s0  }
0x18: {  	s0 =	sld [smem:$0x3F9A];
	_ =	swait.ge [sflag:s4], $0x0  }
0x19: {  	s7 =	sld [smem:$0x3F9B]  }
0x1a: {  	s8 =	sadd.s32 $0xFFFFE003, lr  }
0x1b: {  	s9 =	sadd.s32 $0xFFFFFEF7, lr;
	s5 =	simm.s32 $0xFFFFFFFF;
	p2 =	slt.u32 s8, $0xFFFFF086  }
0x1c: {  	p1 =	slt.u32 s9, $0xF7A;
	s5 =	simm.s32 @!p2 $0x0  }
0x1d: {  	s5 =	simm.s32 @p1 $0x1;
	p0 =	seq.s32 s7, s2  }
0x1e: {  	s7 =	smul.u32 @!p0 $0xF7A, s2;
	p2 =	seq.s32 @!p0 s5, $0x0  }
0x1f: {  	s9 =	smul.u32 $0xF7A, s1;
	s8 =	simm.s32 @!p0 $0x1BF5;
	p2 =	por !p2, p0  }
0x20: {  	[sflag:s8] =	ssyncset.s32 @!p0 $0xFFFFF086;
	s6 =	sadd.s32 @!p0 s3, s7;
	s7 =	simm.s32 @!p0 $0x108  }
0x21: {  	s3 =	sadd.s32 s3, s9;
	s6 =	sadd.s32 @!p0 $0x88, s6;
	s7 =	simm.s32 @p2 $0x1082  }
0x22: {  	[simem:s7], [sflag:s8] =	dma.local @!p0 [hbm:s6], $0xF7A  }
0x23: {  	s9 =	sor.u32 $0xD0000000, s2;
	s6 =	simm.s32 $0x108;
	_ =	swait.ge @!p0 [sflag:s8], $0x0  }
0x24: {  	s3 =	sadd.s32 $0x88, s3;
	s6 =	simm.s32 @!p1 $0x1082;
	[sflag:s4] =	ssyncset.s32 $0xFFFFF086  }
0x25: {  	[simem:s6], [sflag:s4] =	dma.local [hbm:s3], $0xF7A  }
0x26: {  	[smem:$0x3F9B] =	sst s1;
	(tag) =	ssettag s2;
	_ =	strace s9  }
0x27: {  	s1 =	sld [smem:$0x3FAB]  }
0x28: {  	s2 =	sld [smem:$0x3FAC]  }
0x29: {  	s4 =	sld [smem:$0x3FAE]  }
0x2a: {  	p0 =	seq.s32 s5, $0x0;
	s5 =	sld [smem:$0x3FAF]  }
0x2b: {  	s6 =	sld [smem:$0x3FB0]  }
0x2c: {  	s7 =	sld [smem:$0x3FB1]  }
0x2d: {  	s3 =	simm.s32 $0x108;
	s8 =	sld [smem:$0x3FB2]  }
0x2e: {  	s3 =	simm.s32 @!p0 $0x1082;
	s9 =	sld [smem:$0x3FB3]  }
0x2f: {  	lr =	sadd.s32 s0, s3;
	s0 =	sld [smem:$0x3FAA]  }
0x30: {  	s3 =	sld [smem:$0x3FAD]  }
0x31: {  	[smem:$0x3FB6] =	sst s10  }
0x32: {  	s10 =	sld [smem:$0x3FB4];
	_ =	sdelay $0x3  }
0x33: {  	p0 =	seq.s32 s10, $0x1;
	s10 =	sld [smem:$0x3FB6];
	_ =	sdelay $0x3  }
0x34: {  	[smem:$0x3FB6] =	sst s10  }
0x35: {  	s10 =	sld [smem:$0x3FB5];
	_ =	sdelay $0x3  }
0x36: {  	p1 =	seq.s32 s10, $0x1;
	s10 =	sld [smem:$0x3FB6];
	_ =	sdelay $0x3  }
0x37: {  	[smem:$0x3FB6] =	sst s10  }
0x38: {  	s10 =	sld [smem:$0x3FB7]  }
0x39: {  	_ = 	snop;
	(pc) =	sbr.ind lr, $3  }
0x3a: {  	_ = 	snop  }
0x3b: {  	_ = 	snop  }
0x3c: {  	p2 =	seq.s32 s10, $0x1;
	s10 =	sld [smem:$0x3FB6]  }
0x3d: {  	_ =	shalt  }
0x3e: {  	_ =	shalt  }
0x3f: {  	_ =	shalt  }
0x40: {  	_ =	shalt  }
0x41: {  	_ =	shalt  }
0x42: {  	_ =	shalt  }
0x43: {  	_ =	shalt  }
0x44: {  	_ =	shalt  }
0x45: {  	_ =	shalt  }
0x46: {  	_ =	shalt  }
0x47: {  	_ =	shalt  }
0x48: {  	_ =	shalt  }
0x49: {  	_ =	shalt  }
0x4a: {  	_ =	shalt  }
0x4b: {  	_ =	shalt  }
0x4c: {  	_ =	shalt  }
0x4d: {  	_ =	shalt  }
0x4e: {  	_ =	shalt  }
0x4f: {  	_ =	shalt  }
0x50: {  	_ =	shalt  }
0x51: {  	_ =	shalt  }
0x52: {  	_ =	shalt  }
0x53: {  	_ =	shalt  }
0x54: {  	_ =	shalt  }
0x55: {  	_ =	shalt  }
0x56: {  	_ =	shalt  }
0x57: {  	_ =	shalt  }
0x58: {  	_ =	shalt  }
0x59: {  	_ =	shalt  }
0x5a: {  	_ =	shalt  }
0x5b: {  	_ =	shalt  }
0x5c: {  	_ =	shalt  }
0x5d: {  	_ =	shalt  }
0x5e: {  	_ =	shalt  }
0x5f: {  	_ =	shalt  }
0x60: {  	_ =	shalt  }
0x61: {  	_ =	shalt  }
0x62: {  	_ =	shalt  }
0x63: {  	_ =	shalt  }
0x64: {  	_ =	shalt  }
0x65: {  	_ =	shalt  }
0x66: {  	_ =	shalt  }
0x67: {  	_ =	shalt  }
0x68: {  	_ =	shalt  }
0x69: {  	_ =	shalt  }
0x6a: {  	_ =	shalt  }
0x6b: {  	_ =	shalt  }
0x6c: {  	_ =	shalt  }
0x6d: {  	_ =	shalt  }
0x6e: {  	_ =	shalt  }
0x6f: {  	_ =	shalt  }
0x70: {  	_ =	shalt  }
0x71: {  	_ =	shalt  }
0x72: {  	_ =	shalt  }
0x73: {  	_ =	shalt  }
0x74: {  	_ =	shalt  }
0x75: {  	_ =	shalt  }
0x76: {  	_ =	shalt  }
0x77: {  	_ =	shalt  }
0x78: {  	_ =	shalt  }
0x79: {  	_ =	shalt  }
0x7a: {  	_ =	shalt  }
0x7b: {  	_ =	shalt  }
0x7c: {  	_ =	shalt  }
0x7d: {  	_ =	shalt  }
0x7e: {  	_ =	shalt  }
0x7f: {  	_ =	shalt  }
0x80: {  	_ =	shalt  }
0x81: {  	_ =	shalt  }
0x82: {  	_ =	shalt  }
0x83: {  	_ =	shalt  }
0x84: {  	_ =	shalt  }
0x85: {  	_ =	shalt  }
0x86: {  	_ =	shalt  }
0x87: {  	_ =	shalt  }
.Lfunc_end0:
.L_simem_size_0:
called_computation.2_lowered:
.L_overlay_start_0:
0x88: {  	s2 =	sld [smem:$0x3FD9]  }
0x89: {  	s3 =	sld [smem:$0x3FFE];
	_ =	sdelay $0x1  }
0x8a: {  	s1 =	srdreg.scid  }
0x8b: {  	s0 =	sand.u32 $0x1, s1  }
0x8c: {  	s17 =	sshll.u32 s0, $0xA;
	s2 =	sadd.s32 s3, s2  }
0x8d: {  	s2 =	sadd.s32 s2, s17  }
0x8e: {  	[smem:$0x3FC2] =	sst s2  }
0x8f: {  	_ = 	snop  }
0x90: {  	s2 =	sld [smem:$0x3FD0];
	(tm) =	ssettm $0x1  }
0x91: {  	s18 =	sld [smem:$0x3FFB];
	_ =	sdelay $0x3  }
0x92: {  	_ =	strace s18  }
0x93: {  	s3 =	sld [smem:$0x3FFC];
	_ =	sdelay $0x3  }
0x94: {  	_ =	strace s3  }
0x95: {  	s3 =	sld [smem:$0x3FFD];
	_ =	sdelay $0x3  }
0x96: {  	_ =	strace s3  }
0x97: {  	_ =	strace $0x8FFFFFFF  }
0x98: {  	s19 =	sld [smem:$0x3FDB];
	_ =	sdelay $0x1  }
0x99: {  	s4 =	simm.s32 $_scs_section_size  }
0x9a: {  	s5 =	simm.s32 $_size__tile_overlayer_lowered;
	s6 =	simm.s32 $_tile_overlayer_lowered  }
0x9b: {  	s22 =	simm.s32 $0x1BFF;
	s21 =	sshll.u32 s6, $0x1;
	s3 =	sadd.s32 s4, s19  }
0x9c: {  	s7 =	simm.s32 $0x0;
	s20 =	sshll.u32 s5, $0x1;
	s5 =	sadd.s32 s21, s3  }
0x9d: {  	[timem:s7], [sflag:s22] =	dma.local [hbm:s5], s20  }
0x9e: {  	_ =	swait.ge [sflag:s22], s20  }
0x9f: {  	s4 =	ssub.s32 $0x0, s20;
	[sflag:s22] =	ssyncset.done $0x0  }
0xa0: {  	[sflag:s22] =	ssyncadd.s32 s4;
	_ =	sdelay $0x1  }
0xa1: {  	s23 =	simm.s32 $0x1B8B  }
0xa2: {  	_ =	swait.ge [sflag:s23], $0x1  }
0xa3: {  	[sflag:s23] =	ssyncset.done $0x0  }
0xa4: {  	s25 =	simm.s32 $0x1B8E;
	s24 =	sld [smem:$0x3FFE];
	[sflag:s23] =	ssyncadd.s32 $0xFFFFFFFF  }
0xa5: {  	s26 =	simm.s32 $execute0_lowered;
	[smem:$0x3FD2] =	sst s25  }
0xa6: {  	s5 =	sshll.u32 s26, $0x1;
	_ =	strace $0x8000004C;
	[dreg:$0x1] =	wrdreg $0xFFFFFFFF  }
0xa7: {  	s28 =	simm.s32 $_size_execute0_lowered;
	s3 =	sadd.s32 s3, s5;
	[dreg:$0x0] =	wrdreg $0x0  }
0xa8: {  	s5 =	sshll.u32 s28, $0x1;
	[dreg:$0x2] =	wrdreg s3  }
0xa9: {  	[dreg:$0x3] =	wrdreg s5  }
0xaa: {  	[dreg:$0x4] =	wrdreg $0xC0  }
0xab: {  	_ =	task [dreg:s7], $0x5FFFF  }
0xac: {  	[dreg:$0x1] =	wrdreg $0xFFFFFFFF  }
0xad: {  	[dreg:$0x0] =	wrdreg $0x60  }
0xae: {  	[dreg:$0x2] =	wrdreg s24  }
0xaf: {  	[dreg:$0x3] =	wrdreg s2  }
0xb0: {  	[dreg:$0x4] =	wrdreg $0x120000  }
0xb1: {  	[dreg:$0x5] =	wrdreg $0x16E200  }
0xb2: {  	[dreg:$0x6] =	wrdreg $0x9  }
0xb3: {  	_ =	task.clear_ibuf [dreg:s7], $0x7FFFF;
	_ =	strace $0x9000004C  }
0xb4: {  	s29 =	simm.s32 $0x9;
	_ =	strace $0x8000004E  }
0xb5: {  	_ =	swait.ge [sflag:s29], $0x1  }
0xb6: {  	[sflag:s29] =	ssyncadd.s32 $0xFFFFFFFF  }
0xb7: {  	_ =	strace $0x9000004E  }
0xb8: {  	_ =	sfence  }
0xb9: {  	s30 =	sld [smem:$0x0];
	_ =	sdelay $0x2  }
0xba: {  	s31 =	sshll.u32 s1, $0xD;
	s1 =	sshrl.u32 s1, $0x2  }
0xbb: {  	s3 =	sand.u32 $0x4000, s31;
	s1 =	sadd.s32 s1, s30  }
0xbc: {  	s0 =	sor.u32 s3, s0;
	s1 =	sshll.u32 s1, $0x11  }
0xbd: {  	s0 =	sor.u32 s1, s0  }
0xbe: {  	s0 =	sadd.s32 $0x8F2B, s0  }
0xbf: {  	[sflag:s0] =	ssyncadd.remote.s32 $0x1  }
0xc0: {  	_ =	sfence.sel $0xFFFF  }
0xc1: {  	[dreg:$0x0] =	wrdreg $0xFFFFFFFF;
	(pc) =	sbr.abs _section_cstart, $3  }
0xc2: {  	[dreg:$0x1] =	wrdreg $0xFFFFFFFF  }
0xc3: {  	_ =	task.clear_ibuf [dreg:s7], $0x2FFFF;
	_ =	strace $0x9FFFFFFF  }
0xc4: {  	(tm) =	ssettm $0x7FFFFFFF  }
0xc5: {  	_ =	shalt  }
tec
execute0_lowered:
.L_overlay_start_1:
0x0: {  	(tag) =	ssettag $0x1  }
0x1: {  	s0 =	rddreg [dreg:$0x0]  }
0x2: {  	s1 =	rddreg [dreg:$0x1]  }
0x3: {  	s3 =	srdreg.scid;
	s2 =	rddreg [dreg:$0x2]  }
0x4: {  	s12 =	stileid.u32;
	s7 =	simm.s32 $0x0;
	s15 =	simm.s32 $0x11  }
0x5: {  	s16 =	simm.s32 $0x80;
	s17 =	simm.s32 $0xA000;
	s18 =	simm.s32 $0xB000  }
0x6: {  	s20 =	simm.s32 $0xC000;
	s29 =	simm.s32 $0x10000;
	s31 =	simm.s32 $0x11000  }
0x7: {  	s19 =	simm.s32 $0x4;
	s28 =	simm.s32 $0x8;
	s30 =	simm.s32 $0x9  }
0x8: {  	s4 =	sand.u32 $0x1, s3;
	s3 =	rddreg [dreg:$0x3];
	s6 =	smul.u32 $0x4E20, s12  }
0x9: {  	s14 =	simm.s32 $0x10;
	[smem:$0x7FF] =	sst s7;
	s21 =	smul.u32 $0x4F00, s12  }
0xa: {  	s8 =	smul.u32 $0xA00, s12;
	s26 =	sshll.u32 s12, $0x6;
	s12 =	simm.s32 $0x3  }
0xb: {  	s7 =	simm.s32 $0xC;
	s5 =	smul.u32 $0x4E200, s4;
	_ =	strace $0x8000004D  }
0xc: {  	s9 =	ssub.s32 $0x2, s4;
	s4 =	smul.u32 $0x4F000, s4;
	s10 =	sshrl.u32 s21, $0x3  }
0xd: {  	s11 =	sshrl.u32 s9, $0x1;
	s8 =	sadd.s32 s8, s0;
	s23 =	sadd.s32 s21, s3  }
0xe: {  	s5 =	sadd.s32 s6, s5;
	s9 =	ssub.s32 s9, s11;
	s22 =	sadd.s32 $0xB600, s8  }
0xf: {  	s8 =	sadd.s32 $0x1600, s8;
	s4 =	sadd.s32 s21, s4;
	s6 =	sadd.s32 s6, s2  }
0x10: {  	s13 =	sshrl.u32 s23, $0x3;
	s21 =	simm.s32 $0x5;
	[dreg:$0x5] =	wrdreg s22  }
0x11: {  	s23 =	simm.s32 $0x6;
	s5 =	sshrl.u32 s5, $0x3;
	[dreg:$0x6] =	wrdreg s8  }
0x12: {  	s4 =	sshrl.u32 s4, $0x3;
	s25 =	smax.u32 s9, $0x1;
	s22 =	simm.s32 $0xD000  }
0x13: {  	s8 =	simm.s32 $0xD;
	s9 =	simm.s32 $0xE;
	[dreg:$0xc] =	wrdreg s13  }
0x14: {  	s5 =	sadd.s32 s5, s0;
	s0 =	sadd.s32 s10, s0;
	s24 =	sadd.s32 s1, s4  }
0x15: {  	[dreg:$0xa] =	wrdreg s25;
	s1 =	sshrl.u32 s6, $0x3;
	s25 =	simm.s32 $0x7  }
0x16: {  	s6 =	simm.s32 $0xB;
	s10 =	simm.s32 $0xF;
	[dreg:$0x9] =	wrdreg s24  }
.Ltmp0:
0x17: {  	s4 =	simm.s32 $0x0;
	[dreg:$0xb] =	wrdreg s1;
	(pc) =	sbr.rel .LBB2_1-.Ltmp0, $4  }
0x18: {  	s5 =	sadd.s32 $0x15600, s5;
	s0 =	sadd.s32 $0xD8C00, s0;
	[dreg:$0xd] =	wrdreg s4  }
0x19: {  	s24 =	simm.s32 $0xE000;
	s1 =	simm.s32 $0x1;
	[dreg:$0x7] =	wrdreg s5  }
0x1a: {  	[dreg:$0x8] =	wrdreg s0;
	s0 =	sor.u32 $0x1C11, s26;
	s26 =	simm.s32 $0xF000  }
0x1b: {  	s5 =	simm.s32 $0xA;
	[dreg:$0xe] =	wrdreg s0;
	s0 =	simm.s32 $0x2  }
.LBB2_4:
0x1c: {  	_ =	swait.ge [sflag:s5], $0x1000  }
0x1d: {  	[sflag:s5] =	ssyncset.done $0x0  }
0x1e: {  	[sflag:s5] =	ssyncadd.s32 $0xFFFFF000  }
0x1f: {  	_ =	swait.ge [sflag:s6], $0x1000  }
0x20: {  	[sflag:s6] =	ssyncset.done $0x0  }
0x21: {  	[sflag:s6] =	ssyncadd.s32 $0xFFFFF000  }
0x22: {  	_ =	swait.ge [sflag:s7], $0x1000  }
0x23: {  	[sflag:s7] =	ssyncset.done $0x0  }
0x24: {  	[sflag:s7] =	ssyncadd.s32 $0xFFFFF000  }
0x25: {  	_ =	swait.ge [sflag:s8], $0x1000  }
0x26: {  	[sflag:s8] =	ssyncset.done $0x0  }
0x27: {  	[sflag:s8] =	ssyncadd.s32 $0xFFFFF000  }
0x28: {  	_ =	swait.ge [sflag:s9], $0x1000  }
0x29: {  	[sflag:s9] =	ssyncset.done $0x0  }
0x2a: {  	[sflag:s9] =	ssyncadd.s32 $0xFFFFF000  }
0x2b: {  	_ =	swait.ge [sflag:s10], $0x1000  }
0x2c: {  	[sflag:s10] =	ssyncset.done $0x0  }
0x2d: {  	[sflag:s10] =	ssyncadd.s32 $0xFFFFF000  }
0x2e: {  	_ =	swait.ge [sflag:s14], $0x1000  }
0x2f: {  	[sflag:s14] =	ssyncset.done $0x0  }
0x30: {  	[sflag:s14] =	ssyncadd.s32 $0xFFFFF000  }
0x31: {  	[bflag:$0x0] =	sbarrier.arrive $0xFFFF  }
0x32: {  	s11 =	rddreg [dreg:$0x9]  }
0x33: {  	s13 =	rddreg [dreg:$0xc]  }
0x34: {  	s15 =	simm.s32 $0x11;
	s4 =	rddreg [dreg:$0xe]  }
0x35: {  	[hbm:s11], [sflag:s4] =	dma.local [spmem:s13], $0x9E0  }
0x36: {  	_ =	swait.ge [sflag:s15], $0x9E0  }
0x37: {  	s11 =	rddreg [dreg:$0xd]  }
0x38: {  	s13 =	rddreg [dreg:$0xa];
	s4 =	sadd.s32 $0x1, s11  }
0x39: {  	p0 =	sne.s32 s4, s13  }
.Ltmp1:
0x3a: {  	_ = 	snop;
	(pc) =	sbr.rel @!p0 .LBB2_5-.Ltmp1, $3  }
0x3b: {  	_ =	sdelay $0x1  }
0x3c: {  	[sflag:s15] =	ssyncset.done $0x0  }
0x3d: {  	[sflag:s15] =	ssyncadd.s32 $0xFFFFF620;
	[dreg:$0xd] =	wrdreg s4  }
.LBB2_1:
0x3e: {  	s11 =	simm.s32 $0x0;
	s13 =	rddreg [dreg:$0x5]  }
0x3f: {  	[tilespmem:s11], [sflag:$0x11] =	stream.linear.gather [hbm4b:s13+s11], $0x5000, $0x38;
	[tilespmem:$0x1BD20] =	vst v63  }
0x40: {  	_ =	swait.ge [sflag:s15], $0x5000  }
0x41: {  	[sflag:s15] =	ssyncset.done $0x0  }
0x42: {  	s4 =	simm.s32 $0x5000;
	s13 =	rddreg [dreg:$0x6];
	[sflag:s15] =	ssyncadd.s32 $0xFFFFB000  }
0x43: {  	[tilespmem:s4], [sflag:$0x11] =	stream.linear.gather [hbm4b:s13+s11], $0x5000, $0x38;
	[tilespmem:$0x1BD20] =	vst v63  }
0x44: {  	s4 =	rddreg [dreg:$0xe];
	_ =	swait.ge [sflag:s15], $0x5000  }
0x45: {  	[sflag:s15] =	ssyncset.done $0x0;
	s13 =	rddreg [dreg:$0x7]  }
0x46: {  	s11 =	rddreg [dreg:$0xb];
	[sflag:s15] =	ssyncadd.s32 $0xFFFFB000  }
0x47: {  	[spmem:s11], [sflag:s4] =	dma.local [hbm:s13], $0x9C4  }
0x48: {  	_ =	swait.ge [sflag:s15], $0x9C4  }
0x49: {  	[sflag:s15] =	ssyncset.done $0x0;
	s13 =	rddreg [dreg:$0x8]  }
0x4a: {  	s11 =	rddreg [dreg:$0xc];
	[sflag:s15] =	ssyncadd.s32 $0xFFFFF63C  }
0x4b: {  	[spmem:s11], [sflag:s4] =	dma.local [hbm:s13], $0x9E0  }
0x4c: {  	_ =	swait.ge [sflag:s15], $0x9E0  }
0x4d: {  	[sflag:s15] =	ssyncset.done $0x0  }
0x4e: {  	[sflag:s15] =	ssyncadd.s32 $0xFFFFF620  }
0x4f: {  	s15 =	simm.s32 $0x0;
	[bflag:$0x0] =	sbarrier.arrive $0xFFFF  }
0x50: {  	[tilespmem:s17], [sflag:$0x1] =	stream.indirect.gather [spmem:s2], $0x20, s15, s16, $0xb8;
	[tilespmem:$0x1BD20] =	vst v63  }
0x51: {  	_ = 	snop  }
0x52: {  	[tilespmem:s18], [sflag:$0x2] =	stream.indirect.gather [spmem:s2], $0x20, s16, s16, $0xb8;
	[tilespmem:$0x1BD20] =	vst v63  }
0x53: {  	s4 =	simm.s32 $0x100  }
0x54: {  	[tilespmem:s20], [sflag:$0x3] =	stream.indirect.gather [spmem:s2], $0x20, s4, s16, $0xb8;
	[tilespmem:$0x1BD20] =	vst v63  }
0x55: {  	s13 =	simm.s32 $0x180  }
0x56: {  	[tilespmem:s22], [sflag:$0x4] =	stream.indirect.gather [spmem:s2], $0x20, s13, s16, $0xb8;
	[tilespmem:$0x1BD20] =	vst v63  }
0x57: {  	s15 =	simm.s32 $0x200  }
0x58: {  	[tilespmem:s24], [sflag:$0x5] =	stream.indirect.gather [spmem:s2], $0x20, s15, s16, $0xb8;
	[tilespmem:$0x1BD20] =	vst v63  }
0x59: {  	s4 =	simm.s32 $0x280  }
0x5a: {  	[tilespmem:s26], [sflag:$0x6] =	stream.indirect.gather [spmem:s2], $0x20, s4, s16, $0xb8;
	[tilespmem:$0x1BD20] =	vst v63  }
0x5b: {  	s13 =	simm.s32 $0x300  }
0x5c: {  	[tilespmem:s29], [sflag:$0x7] =	stream.indirect.gather [spmem:s2], $0x20, s13, s16, $0xb8;
	[tilespmem:$0x1BD20] =	vst v63  }
0x5d: {  	s15 =	simm.s32 $0x380  }
0x5e: {  	[tilespmem:s31], [sflag:$0x8] =	stream.indirect.gather [spmem:s2], $0x20, s15, s16, $0xb8;
	[tilespmem:$0x1BD20] =	vst v63  }
0x5f: {  	s15 =	simm.s32 $0x0  }
.LBB2_2:
0x60: {  	_ =	swait.ge [sflag:s1], $0x1000  }
0x61: {  	s13 =	sshra.s32 s15, $0x2;
	[sflag:s1] =	ssyncset.done $0x0  }
0x62: {  	s11 =	sadd.s32 $0x5000, s13;
	[sflag:s1] =	ssyncadd.s32 $0xFFFFF000  }
0x63: {  	[spmem:s3] =	stream.indirect.scatter.add.f32 [tilespmem:s17], [sflag:$0x9], $0x20, s11, s16, $0xb8;
	[tilespmem:$0x1BD20] =	vst v63  }
0x64: {  	_ =	swait.ge [sflag:s0], $0x1000  }
0x65: {  	[sflag:s0] =	ssyncset.done $0x0  }
0x66: {  	s4 =	sadd.s32 $0x5080, s13;
	[sflag:s0] =	ssyncadd.s32 $0xFFFFF000  }
0x67: {  	[spmem:s3] =	stream.indirect.scatter.add.f32 [tilespmem:s18], [sflag:$0xA], $0x20, s4, s16, $0xb8;
	[tilespmem:$0x1BD20] =	vst v63  }
0x68: {  	_ =	swait.ge [sflag:s12], $0x1000  }
0x69: {  	[sflag:s12] =	ssyncset.done $0x0  }
0x6a: {  	s4 =	sadd.s32 $0x5100, s13;
	[sflag:s12] =	ssyncadd.s32 $0xFFFFF000  }
0x6b: {  	[spmem:s3] =	stream.indirect.scatter.add.f32 [tilespmem:s20], [sflag:$0xB], $0x20, s4, s16, $0xb8;
	[tilespmem:$0x1BD20] =	vst v63  }
0x6c: {  	_ =	swait.ge [sflag:s19], $0x1000  }
0x6d: {  	[sflag:s19] =	ssyncset.done $0x0  }
0x6e: {  	s4 =	sadd.s32 $0x5180, s13;
	[sflag:s19] =	ssyncadd.s32 $0xFFFFF000  }
0x6f: {  	[spmem:s3] =	stream.indirect.scatter.add.f32 [tilespmem:s22], [sflag:$0xC], $0x20, s4, s16, $0xb8;
	[tilespmem:$0x1BD20] =	vst v63  }
0x70: {  	_ =	swait.ge [sflag:s21], $0x1000  }
0x71: {  	[sflag:s21] =	ssyncset.done $0x0  }
0x72: {  	s4 =	sadd.s32 $0x5200, s13;
	[sflag:s21] =	ssyncadd.s32 $0xFFFFF000  }
0x73: {  	[spmem:s3] =	stream.indirect.scatter.add.f32 [tilespmem:s24], [sflag:$0xD], $0x20, s4, s16, $0xb8;
	[tilespmem:$0x1BD20] =	vst v63  }
0x74: {  	_ =	swait.ge [sflag:s23], $0x1000  }
0x75: {  	[sflag:s23] =	ssyncset.done $0x0  }
0x76: {  	s4 =	sadd.s32 $0x5280, s13;
	[sflag:s23] =	ssyncadd.s32 $0xFFFFF000  }
0x77: {  	[spmem:s3] =	stream.indirect.scatter.add.f32 [tilespmem:s26], [sflag:$0xE], $0x20, s4, s16, $0xb8;
	[tilespmem:$0x1BD20] =	vst v63  }
0x78: {  	_ =	swait.ge [sflag:s25], $0x1000  }
0x79: {  	[sflag:s25] =	ssyncset.done $0x0  }
0x7a: {  	s4 =	sadd.s32 $0x5300, s13;
	[sflag:s25] =	ssyncadd.s32 $0xFFFFF000  }
0x7b: {  	[spmem:s3] =	stream.indirect.scatter.add.f32 [tilespmem:s29], [sflag:$0xF], $0x20, s4, s16, $0xb8;
	[tilespmem:$0x1BD20] =	vst v63  }
0x7c: {  	_ =	swait.ge [sflag:s28], $0x1000  }
0x7d: {  	p0 =	seq.s32 s15, $0x13000;
	[sflag:s28] =	ssyncset.done $0x0  }
.Ltmp2:
0x7e: {  	s4 =	sadd.s32 $0x5380, s13;
	[sflag:s28] =	ssyncadd.s32 $0xFFFFF000;
	(pc) =	sbr.rel @p0 .LBB2_4-.Ltmp2, $4  }
0x7f: {  	[spmem:s3] =	stream.indirect.scatter.add.f32 [tilespmem:s31], [sflag:$0x10], $0x20, s4, s16, $0xb8;
	[tilespmem:$0x1BD20] =	vst v63  }
0x80: {  	_ =	swait.ge [sflag:s30], $0x1000  }
0x81: {  	[sflag:s30] =	ssyncset.done $0x0  }
0x82: {  	[sflag:s30] =	ssyncadd.s32 $0xFFFFF000  }
0x83: {  	s11 =	sadd.s32 $0x400, s13  }
0x84: {  	[tilespmem:s17], [sflag:$0x1] =	stream.indirect.gather [spmem:s2], $0x20, s11, s16, $0xb8;
	[tilespmem:$0x1BD20] =	vst v63  }
0x85: {  	_ =	swait.ge [sflag:s5], $0x1000  }
0x86: {  	[sflag:s5] =	ssyncset.done $0x0  }
0x87: {  	s4 =	sadd.s32 $0x480, s13;
	[sflag:s5] =	ssyncadd.s32 $0xFFFFF000  }
0x88: {  	[tilespmem:s18], [sflag:$0x2] =	stream.indirect.gather [spmem:s2], $0x20, s4, s16, $0xb8;
	[tilespmem:$0x1BD20] =	vst v63  }
0x89: {  	_ =	swait.ge [sflag:s6], $0x1000  }
0x8a: {  	[sflag:s6] =	ssyncset.done $0x0  }
0x8b: {  	s4 =	sadd.s32 $0x500, s13;
	[sflag:s6] =	ssyncadd.s32 $0xFFFFF000  }
0x8c: {  	[tilespmem:s20], [sflag:$0x3] =	stream.indirect.gather [spmem:s2], $0x20, s4, s16, $0xb8;
	[tilespmem:$0x1BD20] =	vst v63  }
0x8d: {  	_ =	swait.ge [sflag:s7], $0x1000  }
0x8e: {  	[sflag:s7] =	ssyncset.done $0x0  }
0x8f: {  	s4 =	sadd.s32 $0x580, s13;
	[sflag:s7] =	ssyncadd.s32 $0xFFFFF000  }
0x90: {  	[tilespmem:s22], [sflag:$0x4] =	stream.indirect.gather [spmem:s2], $0x20, s4, s16, $0xb8;
	[tilespmem:$0x1BD20] =	vst v63  }
0x91: {  	_ =	swait.ge [sflag:s8], $0x1000  }
0x92: {  	[sflag:s8] =	ssyncset.done $0x0  }
0x93: {  	s4 =	sadd.s32 $0x600, s13;
	[sflag:s8] =	ssyncadd.s32 $0xFFFFF000  }
0x94: {  	[tilespmem:s24], [sflag:$0x5] =	stream.indirect.gather [spmem:s2], $0x20, s4, s16, $0xb8;
	[tilespmem:$0x1BD20] =	vst v63  }
0x95: {  	_ =	swait.ge [sflag:s9], $0x1000  }
0x96: {  	[sflag:s9] =	ssyncset.done $0x0  }
0x97: {  	s4 =	sadd.s32 $0x680, s13;
	[sflag:s9] =	ssyncadd.s32 $0xFFFFF000  }
0x98: {  	[tilespmem:s26], [sflag:$0x6] =	stream.indirect.gather [spmem:s2], $0x20, s4, s16, $0xb8;
	[tilespmem:$0x1BD20] =	vst v63  }
0x99: {  	_ =	swait.ge [sflag:s10], $0x1000  }
0x9a: {  	[sflag:s10] =	ssyncset.done $0x0  }
0x9b: {  	s4 =	sadd.s32 $0x700, s13;
	[sflag:s10] =	ssyncadd.s32 $0xFFFFF000  }
0x9c: {  	[tilespmem:s29], [sflag:$0x7] =	stream.indirect.gather [spmem:s2], $0x20, s4, s16, $0xb8;
	[tilespmem:$0x1BD20] =	vst v63  }
.Ltmp3:
0x9d: {  	_ = 	snop;
	(pc) =	sbr.rel .LBB2_2-.Ltmp3, $4  }
0x9e: {  	_ =	swait.ge [sflag:s14], $0x1000  }
0x9f: {  	[sflag:s14] =	ssyncset.done $0x0  }
0xa0: {  	s15 =	sadd.s32 $0x1000, s15;
	s13 =	sadd.s32 $0x780, s13;
	[sflag:s14] =	ssyncadd.s32 $0xFFFFF000  }
0xa1: {  	[tilespmem:s31], [sflag:$0x8] =	stream.indirect.gather [spmem:s2], $0x20, s13, s16, $0xb8;
	[tilespmem:$0x1BD20] =	vst v63  }
.LBB2_5:
0xa2: {  	_ =	sfence.sel $0x180000  }
0xa3: {  	[bflag:$0x0] =	sbarrier.arrive $0xFFFF  }
0xa4: {  	_ =	strace $0x9000004D  }
0xa5: {  	s0 =	stileid.u32;
	[bflag:$0x2] =	sbarrier.arrive $0xFFFF  }
0xa6: {  	p0 =	sne.s32 s0, $0x0;
	s0 =	rddreg [dreg:$0x4]  }
0xa7: {  	s0 =	sadd.s32 @!p0 $0x100000, s0  }
0xa8: {  	[sflag:s0] =	ssyncadd.tile.s32 @!p0 $0x1;
	_ =	shalt  }
.Lfunc_end2:
_tile_overlayer_lowered:
.L_overlay_start_2:
0xa9: {  	(tag) =	ssettag $0x2  }
0xaa: {  	s0 =	rddreg [dreg:$0x0];
	s2 =	stileid.u32  }
0xab: {  	s1 =	rddreg [dreg:$0x1];
	p0 =	sne.s32 s2, $0x0  }
0xac: {  	s3 =	rddreg [dreg:$0x2];
	[bflag:$0x3] =	sbarrier.arrive $0xFFFF;
	s2 =	simm.s32 @!p0 $0x1C11  }
0xad: {  	[timem:s3], [sflag:s2] =	dma.local @!p0 [hbm:s0], s1  }
0xae: {  	s0 =	simm.s32 @!p0 $0x11  }
0xaf: {  	_ =	swait.ge @!p0 [sflag:s0], s1  }
0xb0: {  	s1 =	ssub.s32 @!p0 $0x0, s1;
	[sflag:s0] =	ssyncset.done @!p0 $0x0  }
0xb1: {  	[sflag:s0] =	ssyncadd.s32 @!p0 s1  }
0xb2: {  	[bflag:$0x3] =	sbarrier.arrive $0xFFFF  }
0xb3: {  	_ =	shalt  }

// kernel: kernel.8.cloned.1.call-start
scs
__scs_entry_jumppad:
0x0: {  	(pc) =	sbr.rel $0x88, $3  }
0x1: {  	(tag) =	ssettag $0x0;
	lr =	simm.s32 $0x1  }
0x2: {  	[smem:$0x3F9B] =	sst lr;
	_ =	strace $0xD0000000  }
0x3: {  	_ = 	snop  }
0x4: {  	_ = 	snop  }
0x5: {  	_ = 	snop  }
0x6: {  	_ = 	snop  }
0x7: {  	_ = 	snop  }
__scs_overlays_trampoline_lowered:
0x8: {  	[smem:$0x3FAA] =	sst s0  }
0x9: {  	[smem:$0x3FAB] =	sst s1  }
0xa: {  	[smem:$0x3FAC] =	sst s2  }
0xb: {  	[smem:$0x3FAD] =	sst s3  }
0xc: {  	[smem:$0x3FAE] =	sst s4  }
0xd: {  	[smem:$0x3FAF] =	sst s5  }
0xe: {  	[smem:$0x3FB0] =	sst s6  }
0xf: {  	[smem:$0x3FB1] =	sst s7  }
0x10: {  	[smem:$0x3FB2] =	sst s8  }
0x11: {  	[smem:$0x3FB3] =	sst s9;
	s0 =	simm.s32 @!p0 $0x0  }
0x12: {  	s1 =	sld [smem:$0x3F99];
	s0 =	simm.s32 @p0 $0x1  }
0x13: {  	[smem:$0x3FB4] =	sst s0;
	s0 =	simm.s32 @!p1 $0x0  }
0x14: {  	s2 =	sld [smem:$0x3F98];
	s0 =	simm.s32 @p1 $0x1  }
0x15: {  	[smem:$0x3FB5] =	sst s0;
	s0 =	simm.s32 @!p2 $0x0  }
0x16: {  	s3 =	sld [smem:$0x3FDB];
	s0 =	simm.s32 @p2 $0x1  }
0x17: {  	s4 =	simm.s32 $0x1BF5;
	[smem:$0x3FB7] =	sst s0  }
0x18: {  	s0 =	sld [smem:$0x3F9A];
	_ =	swait.ge [sflag:s4], $0x0  }
0x19: {  	s7 =	sld [smem:$0x3F9B]  }
0x1a: {  	s8 =	sadd.s32 $0xFFFFE003, lr  }
0x1b: {  	s9 =	sadd.s32 $0xFFFFFEF7, lr;
	s5 =	simm.s32 $0xFFFFFFFF;
	p2 =	slt.u32 s8, $0xFFFFF086  }
0x1c: {  	p1 =	slt.u32 s9, $0xF7A;
	s5 =	simm.s32 @!p2 $0x0  }
0x1d: {  	s5 =	simm.s32 @p1 $0x1;
	p0 =	seq.s32 s7, s2  }
0x1e: {  	s7 =	smul.u32 @!p0 $0xF7A, s2;
	p2 =	seq.s32 @!p0 s5, $0x0  }
0x1f: {  	s9 =	smul.u32 $0xF7A, s1;
	s8 =	simm.s32 @!p0 $0x1BF5;
	p2 =	por !p2, p0  }
0x20: {  	[sflag:s8] =	ssyncset.s32 @!p0 $0xFFFFF086;
	s6 =	sadd.s32 @!p0 s3, s7;
	s7 =	simm.s32 @!p0 $0x108  }
0x21: {  	s3 =	sadd.s32 s3, s9;
	s6 =	sadd.s32 @!p0 $0x88, s6;
	s7 =	simm.s32 @p2 $0x1082  }
0x22: {  	[simem:s7], [sflag:s8] =	dma.local @!p0 [hbm:s6], $0xF7A  }
0x23: {  	s9 =	sor.u32 $0xD0000000, s2;
	s6 =	simm.s32 $0x108;
	_ =	swait.ge @!p0 [sflag:s8], $0x0  }
0x24: {  	s3 =	sadd.s32 $0x88, s3;
	s6 =	simm.s32 @!p1 $0x1082;
	[sflag:s4] =	ssyncset.s32 $0xFFFFF086  }
0x25: {  	[simem:s6], [sflag:s4] =	dma.local [hbm:s3], $0xF7A  }
0x26: {  	[smem:$0x3F9B] =	sst s1;
	(tag) =	ssettag s2;
	_ =	strace s9  }
0x27: {  	s1 =	sld [smem:$0x3FAB]  }
0x28: {  	s2 =	sld [smem:$0x3FAC]  }
0x29: {  	s4 =	sld [smem:$0x3FAE]  }
0x2a: {  	p0 =	seq.s32 s5, $0x0;
	s5 =	sld [smem:$0x3FAF]  }
0x2b: {  	s6 =	sld [smem:$0x3FB0]  }
0x2c: {  	s7 =	sld [smem:$0x3FB1]  }
0x2d: {  	s3 =	simm.s32 $0x108;
	s8 =	sld [smem:$0x3FB2]  }
0x2e: {  	s3 =	simm.s32 @!p0 $0x1082;
	s9 =	sld [smem:$0x3FB3]  }
0x2f: {  	lr =	sadd.s32 s0, s3;
	s0 =	sld [smem:$0x3FAA]  }
0x30: {  	s3 =	sld [smem:$0x3FAD]  }
0x31: {  	[smem:$0x3FB6] =	sst s10  }
0x32: {  	s10 =	sld [smem:$0x3FB4];
	_ =	sdelay $0x3  }
0x33: {  	p0 =	seq.s32 s10, $0x1;
	s10 =	sld [smem:$0x3FB6];
	_ =	sdelay $0x3  }
0x34: {  	[smem:$0x3FB6] =	sst s10  }
0x35: {  	s10 =	sld [smem:$0x3FB5];
	_ =	sdelay $0x3  }
0x36: {  	p1 =	seq.s32 s10, $0x1;
	s10 =	sld [smem:$0x3FB6];
	_ =	sdelay $0x3  }
0x37: {  	[smem:$0x3FB6] =	sst s10  }
0x38: {  	s10 =	sld [smem:$0x3FB7]  }
0x39: {  	_ = 	snop;
	(pc) =	sbr.ind lr, $3  }
0x3a: {  	_ = 	snop  }
0x3b: {  	_ = 	snop  }
0x3c: {  	p2 =	seq.s32 s10, $0x1;
	s10 =	sld [smem:$0x3FB6]  }
0x3d: {  	_ =	shalt  }
0x3e: {  	_ =	shalt  }
0x3f: {  	_ =	shalt  }
0x40: {  	_ =	shalt  }
0x41: {  	_ =	shalt  }
0x42: {  	_ =	shalt  }
0x43: {  	_ =	shalt  }
0x44: {  	_ =	shalt  }
0x45: {  	_ =	shalt  }
0x46: {  	_ =	shalt  }
0x47: {  	_ =	shalt  }
0x48: {  	_ =	shalt  }
0x49: {  	_ =	shalt  }
0x4a: {  	_ =	shalt  }
0x4b: {  	_ =	shalt  }
0x4c: {  	_ =	shalt  }
0x4d: {  	_ =	shalt  }
0x4e: {  	_ =	shalt  }
0x4f: {  	_ =	shalt  }
0x50: {  	_ =	shalt  }
0x51: {  	_ =	shalt  }
0x52: {  	_ =	shalt  }
0x53: {  	_ =	shalt  }
0x54: {  	_ =	shalt  }
0x55: {  	_ =	shalt  }
0x56: {  	_ =	shalt  }
0x57: {  	_ =	shalt  }
0x58: {  	_ =	shalt  }
0x59: {  	_ =	shalt  }
0x5a: {  	_ =	shalt  }
0x5b: {  	_ =	shalt  }
0x5c: {  	_ =	shalt  }
0x5d: {  	_ =	shalt  }
0x5e: {  	_ =	shalt  }
0x5f: {  	_ =	shalt  }
0x60: {  	_ =	shalt  }
0x61: {  	_ =	shalt  }
0x62: {  	_ =	shalt  }
0x63: {  	_ =	shalt  }
0x64: {  	_ =	shalt  }
0x65: {  	_ =	shalt  }
0x66: {  	_ =	shalt  }
0x67: {  	_ =	shalt  }
0x68: {  	_ =	shalt  }
0x69: {  	_ =	shalt  }
0x6a: {  	_ =	shalt  }
0x6b: {  	_ =	shalt  }
0x6c: {  	_ =	shalt  }
0x6d: {  	_ =	shalt  }
0x6e: {  	_ =	shalt  }
0x6f: {  	_ =	shalt  }
0x70: {  	_ =	shalt  }
0x71: {  	_ =	shalt  }
0x72: {  	_ =	shalt  }
0x73: {  	_ =	shalt  }
0x74: {  	_ =	shalt  }
0x75: {  	_ =	shalt  }
0x76: {  	_ =	shalt  }
0x77: {  	_ =	shalt  }
0x78: {  	_ =	shalt  }
0x79: {  	_ =	shalt  }
0x7a: {  	_ =	shalt  }
0x7b: {  	_ =	shalt  }
0x7c: {  	_ =	shalt  }
0x7d: {  	_ =	shalt  }
0x7e: {  	_ =	shalt  }
0x7f: {  	_ =	shalt  }
0x80: {  	_ =	shalt  }
0x81: {  	_ =	shalt  }
0x82: {  	_ =	shalt  }
0x83: {  	_ =	shalt  }
0x84: {  	_ =	shalt  }
0x85: {  	_ =	shalt  }
0x86: {  	_ =	shalt  }
0x87: {  	_ =	shalt  }
.Lfunc_end0:
.L_simem_size_0:
called_computation_lowered:
.L_overlay_start_0:
0x88: {  	s2 =	sld [smem:$0x3FD9]  }
0x89: {  	s3 =	sld [smem:$0x3FFE];
	_ =	sdelay $0x1  }
0x8a: {  	s1 =	srdreg.scid  }
0x8b: {  	s0 =	sand.u32 $0x1, s1  }
0x8c: {  	s17 =	sshll.u32 s0, $0xA;
	s2 =	sadd.s32 s3, s2  }
0x8d: {  	s2 =	sadd.s32 s2, s17  }
0x8e: {  	[smem:$0x3FC2] =	sst s2  }
0x8f: {  	_ = 	snop  }
0x90: {  	s2 =	sld [smem:$0x3FD0];
	(tm) =	ssettm $0x1  }
0x91: {  	s18 =	sld [smem:$0x3FFB];
	_ =	sdelay $0x3  }
0x92: {  	_ =	strace s18  }
0x93: {  	s3 =	sld [smem:$0x3FFC];
	_ =	sdelay $0x3  }
0x94: {  	_ =	strace s3  }
0x95: {  	s3 =	sld [smem:$0x3FFD];
	_ =	sdelay $0x3  }
0x96: {  	_ =	strace s3  }
0x97: {  	_ =	strace $0x8FFFFFFF  }
0x98: {  	s19 =	sld [smem:$0x3FDB];
	_ =	sdelay $0x1  }
0x99: {  	s4 =	simm.s32 $_scs_section_size  }
0x9a: {  	s5 =	simm.s32 $_size__tile_overlayer_lowered;
	s6 =	simm.s32 $_tile_overlayer_lowered  }
0x9b: {  	s22 =	simm.s32 $0x1BFF;
	s21 =	sshll.u32 s6, $0x1;
	s3 =	sadd.s32 s4, s19  }
0x9c: {  	s7 =	simm.s32 $0x0;
	s20 =	sshll.u32 s5, $0x1;
	s5 =	sadd.s32 s21, s3  }
0x9d: {  	[timem:s7], [sflag:s22] =	dma.local [hbm:s5], s20  }
0x9e: {  	_ =	swait.ge [sflag:s22], s20  }
0x9f: {  	s4 =	ssub.s32 $0x0, s20;
	[sflag:s22] =	ssyncset.done $0x0  }
0xa0: {  	[sflag:s22] =	ssyncadd.s32 s4;
	_ =	sdelay $0x1  }
0xa1: {  	s23 =	simm.s32 $0x1B8B  }
0xa2: {  	_ =	swait.ge [sflag:s23], $0x1  }
0xa3: {  	[sflag:s23] =	ssyncset.done $0x0  }
0xa4: {  	s25 =	simm.s32 $0x1B8E;
	s24 =	sld [smem:$0x3FFE];
	[sflag:s23] =	ssyncadd.s32 $0xFFFFFFFF  }
0xa5: {  	s26 =	simm.s32 $execute0_lowered;
	[smem:$0x3FD2] =	sst s25  }
0xa6: {  	s5 =	sshll.u32 s26, $0x1;
	_ =	strace $0x80000046;
	[dreg:$0x1] =	wrdreg $0xFFFFFFFF  }
0xa7: {  	s28 =	simm.s32 $_size_execute0_lowered;
	s3 =	sadd.s32 s3, s5;
	[dreg:$0x0] =	wrdreg $0x0  }
0xa8: {  	s5 =	sshll.u32 s28, $0x1;
	[dreg:$0x2] =	wrdreg s3  }
0xa9: {  	[dreg:$0x3] =	wrdreg s5  }
0xaa: {  	[dreg:$0x4] =	wrdreg $0xC0  }
0xab: {  	_ =	task [dreg:s7], $0x5FFFF  }
0xac: {  	[dreg:$0x1] =	wrdreg $0xFFFFFFFF  }
0xad: {  	[dreg:$0x0] =	wrdreg $0x60  }
0xae: {  	[dreg:$0x2] =	wrdreg s24  }
0xaf: {  	[dreg:$0x3] =	wrdreg s2  }
0xb0: {  	[dreg:$0x4] =	wrdreg $0x9  }
0xb1: {  	_ =	task.clear_ibuf [dreg:s7], $0x5FFFF;
	_ =	strace $0x90000046  }
0xb2: {  	s29 =	simm.s32 $0x9;
	_ =	strace $0x80000048  }
0xb3: {  	_ =	swait.ge [sflag:s29], $0x1  }
0xb4: {  	[sflag:s29] =	ssyncadd.s32 $0xFFFFFFFF  }
0xb5: {  	_ =	strace $0x90000048  }
0xb6: {  	_ =	sfence  }
0xb7: {  	s30 =	sld [smem:$0x0];
	_ =	sdelay $0x2  }
0xb8: {  	s31 =	sshll.u32 s1, $0xD;
	s1 =	sshrl.u32 s1, $0x2  }
0xb9: {  	s3 =	sand.u32 $0x4000, s31;
	s1 =	sadd.s32 s1, s30  }
0xba: {  	s0 =	sor.u32 s3, s0;
	s1 =	sshll.u32 s1, $0x11  }
0xbb: {  	s0 =	sor.u32 s1, s0  }
0xbc: {  	s0 =	sadd.s32 $0x8F2B, s0  }
0xbd: {  	[sflag:s0] =	ssyncadd.remote.s32 $0x1  }
0xbe: {  	_ =	sfence.sel $0xFFFF  }
0xbf: {  	[dreg:$0x0] =	wrdreg $0xFFFFFFFF;
	(pc) =	sbr.abs _section_cstart, $3  }
0xc0: {  	[dreg:$0x1] =	wrdreg $0xFFFFFFFF  }
0xc1: {  	_ =	task.clear_ibuf [dreg:s7], $0x2FFFF;
	_ =	strace $0x9FFFFFFF  }
0xc2: {  	(tm) =	ssettm $0x7FFFFFFF  }
0xc3: {  	_ =	shalt  }
tec
execute0_lowered:
.L_overlay_start_1:
0x0: {  	(tag) =	ssettag $0x1  }
0x1: {  	s3 =	rddreg [dreg:$0x0];
	s1 =	srdreg.scid  }
0x2: {  	s0 =	stileid.u32;
	s4 =	rddreg [dreg:$0x1];
	s2 =	simm.s32 $0x0  }
0x3: {  	s5 =	sand.u32 $0x1, s1;
	s6 =	smul.u32 $0x5000, s0;
	s1 =	rddreg [dreg:$0x2]  }
0x4: {  	[smem:$0x7FF] =	sst s2;
	s7 =	smul.u32 $0x2800, s5;
	s8 =	sshll.u32 s5, $0x4  }
0x5: {  	s5 =	ssub.s32 $0x2, s5;
	_ =	strace $0x80000047;
	s30 =	sor.u32 s0, s8  }
0x6: {  	s31 =	sshrl.u32 s5, $0x1;
	s6 =	sadd.s32 s7, s6;
	s7 =	smul.u32 $0x4F0, s30  }
0x7: {  	s8 =	simm.s32 $0x0;
	s5 =	ssub.s32 s5, s31;
	s6 =	sshrl.u32 s6, $0x3  }
0x8: {  	s5 =	smax.u32 s5, $0x1;
	s3 =	sadd.s32 s6, s3;
	s4 =	sadd.s32 s4, s7  }
0x9: {  	v0 =	vimm.f32 $0.0e+00;
	v1 =	vimm.f32 $1.000000000e+00;
	s6 =	simm.s32 $0x1;
	s7 =	simm.s32 $0x2800;
	s3 =	sadd.s32 $0x1600, s3  }
.LBB2_1:
0xa: {  	[tilespmem:s2], [sflag:$0x1] =	stream.linear.gather [hbm4b:s3+s2], $0x2800, $0x38;
	[tilespmem:$0x4F80] =	vst v63  }
0xb: {  	_ =	swait.ge [sflag:s6], $0x2800  }
0xc: {  	[sflag:s6] =	ssyncset.done $0x0  }
0xd: {  	s9 =	simm.s32 $0x0;
	[sflag:s6] =	ssyncadd.s32 $0xFFFFD800  }
.LBB2_2:
0xe: {  	p0 =	sne.s32 s9, $0x9DC0  }
.Ltmp0:
0xf: {  	_ = 	snop;
	(pc) =	sbr.rel @p0 .LBB2_2-.Ltmp0, $3  }
0x10: {  	_ =	sdelay $0x1  }
0x11: {  	s10 =	sshra.s32 s9, $0x2  }
0x12: {  	s9 =	sadd.s32 $0x40, s9;
	[tilespmem:s10+$0x2800] =	vst v0  }
0x13: {  	s9 =	simm.s32 $0x0  }
0x14: {  	s10 =	sand.u32 $0xFE00, s9  }
0x15: {  	s9 =	sand.u32 $0x70, s9;
	s10 =	sshrl.u32 s10, $0x2  }
0x16: {  	s9 =	sor.u32 s9, s10  }
0x17: {  	v2 =	vld [tilespmem:s9+$0x0];
	_ =	sdelay $0x4  }
0x18: {  	s11 =	simm.s32 $0x40  }
0x19: {  	s11 =	sand.u32 $0xFE00, s11;
	s10 =	simm.s32 $0x80;
	s9 =	simm.s32 $0x10  }
.LBB2_4:
0x1a: {  	p0 =	sne.s32 s10, $0x9FC0;
	s12 =	sand.u32 $0x70, s9;
	s11 =	sshrl.u32 s11, $0x2  }
0x1b: {  	s11 =	sor.u32 s12, s11;
	[tilespmem:v2+s7+$0x0] =	vst.idx.add.f32.msk $0xffff, v1  }
0x1c: {  	v2 =	vld [tilespmem:s11+$0x0];
	_ =	sdelay $0x1  }
.Ltmp1:
0x1d: {  	(pc) =	sbr.rel @p0 .LBB2_4-.Ltmp1, $2  }
0x1e: {  	_ =	sdelay $0x2  }
0x1f: {  	s9 =	sadd.s32 $0x10, s9;
	s11 =	sand.u32 $0xFE00, s10;
	s10 =	sadd.s32 $0x40, s10  }
0x20: {  	_ =	sdelay $0x2  }
0x21: {  	s9 =	sand.u32 $0x70, s9;
	s10 =	sshrl.u32 s11, $0x2  }
0x22: {  	[tilespmem:v2+s7+$0x0] =	vst.idx.add.f32.msk $0xffff, v1;
	s9 =	sor.u32 s9, s10  }
0x23: {  	v2 =	vld [tilespmem:s9+$0x0];
	_ =	sdelay $0x5  }
0x24: {  	s8 =	sadd.s32 $0x1, s8  }
0x25: {  	p0 =	sne.s32 s8, s5  }
.Ltmp2:
0x26: {  	[tilespmem:v2+s7+$0x0] =	vst.idx.add.f32.msk $0xffff, v1;
	(pc) =	sbr.rel @p0 .LBB2_1-.Ltmp2, $4  }
0x27: {  	[hbm4b:s4+s2] =	stream.linear.scatter [tilespmem:s7], [sflag:$0x1], $0x2780, $0x38;
	[tilespmem:$0x4F80] =	vst v63  }
0x28: {  	_ =	swait.ge [sflag:s6], $0x2780  }
0x29: {  	[sflag:s6] =	ssyncset.done $0x0  }
0x2a: {  	[sflag:s6] =	ssyncadd.s32 $0xFFFFD880  }
0x2b: {  	_ =	sfence.sel $0x180000  }
0x2c: {  	[bflag:$0x0] =	sbarrier.arrive $0xFFFF  }
0x2d: {  	p0 =	sne.s32 s0, $0x0;
	_ =	strace $0x90000047  }
0x2e: {  	s0 =	sadd.s32 @!p0 $0x100000, s1;
	[bflag:$0x2] =	sbarrier.arrive $0xFFFF  }
0x2f: {  	[sflag:s0] =	ssyncadd.tile.s32 @!p0 $0x1;
	_ =	shalt  }
.Lfunc_end2:
_tile_overlayer_lowered:
.L_overlay_start_2:
0x30: {  	(tag) =	ssettag $0x2  }
0x31: {  	s0 =	rddreg [dreg:$0x0];
	s2 =	stileid.u32  }
0x32: {  	s1 =	rddreg [dreg:$0x1];
	p0 =	sne.s32 s2, $0x0  }
0x33: {  	s3 =	rddreg [dreg:$0x2];
	[bflag:$0x3] =	sbarrier.arrive $0xFFFF;
	s2 =	simm.s32 @!p0 $0x1C01  }
0x34: {  	[timem:s3], [sflag:s2] =	dma.local @!p0 [hbm:s0], s1  }
0x35: {  	s0 =	simm.s32 @!p0 $0x1  }
0x36: {  	_ =	swait.ge @!p0 [sflag:s0], s1  }
0x37: {  	s1 =	ssub.s32 @!p0 $0x0, s1;
	[sflag:s0] =	ssyncset.done @!p0 $0x0  }
0x38: {  	[sflag:s0] =	ssyncadd.s32 @!p0 s1  }
0x39: {  	[bflag:$0x3] =	sbarrier.arrive $0xFFFF  }
0x3a: {  	_ =	shalt  }

</sc_bundles>
